<compile_context>
chip_gen: v7x
topology: tpu7x:2x2x1
jax: 0.10.2.dev20260603
libtpu: 0.0.44.dev20260713+nightly
codegen_flags: <defaults>
</compile_context>

<pallas_src>
import functools

import jax
import jax.numpy as jnp
from jax import lax
from jax.experimental import pallas as pl
from jax.experimental.pallas import tpu as pltpu
from jax.experimental.pallas import tpu_sc as plsc

DIM = 1024
E = 8
NS = 2
B = 2
S = 2048
T = B * S
A = 2 * T
H_E = DIM * 4
H_S = DIM * 2

BLK = 256
NB = 40
NP = NB * BLK

R = 128
G = A // R

JB = 512
NJB = NP // JB

TB = 1024
NT = T // TB
CH = 512
NC_S = H_S // CH

ECH = 1024
NC_E = H_E // ECH

NWORK = 32
WROWS = NP // NWORK
WCH = 40
NWCH = WROWS // WCH

TRASH = A


def _router_body(logits_ref, lb_ref, aux_ref, be_ref):
    f32 = jnp.float32
    logits = logits_ref[...]
    iota_e = lax.broadcasted_iota(jnp.int32, (T, E), 1)
    l0 = jnp.max(logits, axis=1, keepdims=True)
    i0 = jnp.min(jnp.where(logits == l0, iota_e, E), axis=1, keepdims=True)
    masked = jnp.where(iota_e == i0, -jnp.inf, logits)
    l1 = jnp.max(masked, axis=1, keepdims=True)
    i1 = jnp.min(jnp.where(masked == l1, iota_e, E), axis=1, keepdims=True)
    g0 = jax.nn.sigmoid(l0 - l1)
    g1 = 1.0 - g0
    onehot0 = (iota_e == i0).astype(f32)
    onehot1 = (iota_e == i1).astype(f32)

    counts0 = jnp.sum(onehot0, axis=0)
    total = jnp.sum(counts0)
    lb_ref[...] = jnp.mean((counts0 / total - 1.0 / E) ** 2).reshape(1, 1)

    m = jnp.concatenate([onehot0, onehot1], axis=0)
    m3 = m.reshape(G, R, E)
    ir = lax.broadcasted_iota(jnp.int32, (R, R), 0)
    ic = lax.broadcasted_iota(jnp.int32, (R, R), 1)
    lr_excl = (ic < ir).astype(f32)
    lrb = jnp.broadcast_to(lr_excl[None], (G, R, R))
    within = lax.dot_general(lrb, m3, (((2,), (1,)), ((0,), (0,))),
                             preferred_element_type=f32)
    tot = jnp.sum(m3, axis=1)
    ig_r = lax.broadcasted_iota(jnp.int32, (G, G), 0)
    ig_c = lax.broadcasted_iota(jnp.int32, (G, G), 1)
    lg_excl = (ig_c < ig_r).astype(f32)
    base = jnp.dot(lg_excl, tot, preferred_element_type=f32)
    rank3 = within + base[:, None, :]
    rank = jnp.sum(rank3 * m3, axis=2).reshape(A, 1)

    ones_g = jnp.ones((G, 1), f32)
    counts_col = lax.dot_general(tot, ones_g, (((0,), (0,)), ((), ())),
                                 preferred_element_type=f32)
    pc = jnp.floor((counts_col + (BLK - 1)) * (1.0 / BLK)) * BLK
    ie_r = lax.broadcasted_iota(jnp.int32, (E, E), 0)
    ie_c = lax.broadcasted_iota(jnp.int32, (E, E), 1)
    le_excl = (ie_c < ie_r).astype(f32)
    le_incl = (ie_c <= ie_r).astype(f32)
    po = jnp.dot(le_excl, pc, preferred_element_type=f32)
    cb = jnp.dot(le_incl, pc * (1.0 / BLK), preferred_element_type=f32)

    nbv = lax.broadcasted_iota(jnp.int32, (1, NB), 1).astype(f32)
    be = jnp.sum((cb <= nbv).astype(f32), axis=0, keepdims=True)
    be_ref[...] = jnp.minimum(be, E - 1).astype(jnp.int32)

    dpp = jnp.dot(m, po, preferred_element_type=f32) + rank
    gates = jnp.concatenate([g0, g1], axis=0)
    aux_ref[...] = jnp.concatenate([dpp, gates], axis=1)


def _invperm_body(aux_ref, src_ref, wg_ref, dest_ref):
    f32 = jnp.float32
    jb = pl.program_id(0)
    dpp = aux_ref[:, 0:1]
    gates = aux_ref[:, 1:2]
    ia = lax.broadcasted_iota(jnp.int32, (A, 1), 0)
    slot_i = (ia >= T).astype(jnp.int32)
    tok = (ia - slot_i * T).astype(f32)
    t_hi = jnp.floor(tok * (1.0 / 64.0))
    t_lo = tok - t_hi * 64.0
    payload = jnp.concatenate([
        t_hi, t_lo, gates, slot_i.astype(f32), jnp.ones((A, 1), f32),
    ], axis=1)
    jrow = jb * JB + lax.broadcasted_iota(jnp.int32, (1, JB), 1).astype(f32)
    p = (dpp == jrow).astype(f32)
    res = lax.dot_general(p, payload, (((0,), (0,)), ((), ())),
                          preferred_element_type=f32,
                          precision=lax.Precision.HIGHEST)
    srcv = res[:, 0] * 64.0 + res[:, 1]
    gate = res[:, 2]
    slot = res[:, 3]
    valid = res[:, 4]
    dest = jnp.where(valid > 0.5, slot * T + srcv, float(TRASH))
    src_ref[0, 0, :] = srcv.astype(jnp.int32)
    wg_ref[0, 0, :] = gate
    dest_ref[0, 0, :] = dest.astype(jnp.int32)


def _router(logits):
    lb, aux, be = pl.pallas_call(
        _router_body,
        out_shape=(
            jax.ShapeDtypeStruct((1, 1), jnp.float32),
            jax.ShapeDtypeStruct((A, 2), jnp.float32),
            jax.ShapeDtypeStruct((1, NB), jnp.int32),
        ),
    )(logits)
    src, wg, dest = pl.pallas_call(
        _invperm_body,
        grid=(NJB,),
        in_specs=[pl.BlockSpec((A, 2), lambda jb: (0, 0))],
        out_specs=(
            pl.BlockSpec((1, 1, JB), lambda jb: (jb, 0, 0)),
            pl.BlockSpec((1, 1, JB), lambda jb: (jb, 0, 0)),
            pl.BlockSpec((1, 1, JB), lambda jb: (jb, 0, 0)),
        ),
        out_shape=(
            jax.ShapeDtypeStruct((NJB, 1, JB), jnp.int32),
            jax.ShapeDtypeStruct((NJB, 1, JB), jnp.float32),
            jax.ShapeDtypeStruct((NJB, 1, JB), jnp.int32),
        ),
    )(aux)
    return lb, src.reshape(NP), wg.reshape(NP, 1), dest.reshape(NP), \
        be.reshape(NB)


def _sc_mesh():
    return plsc.VectorSubcoreMesh(core_axis_name="c", subcore_axis_name="s",
                                  num_cores=2, num_subcores=16)


def _worker_id():
    return lax.axis_index("s") * 2 + lax.axis_index("c")


def _sc_gather(xf, src3):
    @functools.partial(
        pl.kernel,
        out_type=jax.ShapeDtypeStruct((NP, DIM), jnp.float32),
        mesh=_sc_mesh(),
        scratch_types=[
            pltpu.VMEM((NWCH, WCH), jnp.int32),
            pltpu.VMEM((2, WCH, DIM), jnp.float32),
            pltpu.SemaphoreType.DMA,
            pltpu.SemaphoreType.DMA,
        ],
    )
    def k(x_hbm, src_hbm, xg_hbm, idx_v, rows_v, sem0, sem1):
        wid = _worker_id()
        base = wid * WROWS
        sems = (sem0, sem1)
        pltpu.sync_copy(src_hbm.at[wid], idx_v)
        hs = {0: pltpu.async_copy(x_hbm.at[idx_v.at[0]], rows_v.at[0], sems[0])}
        for ci in range(NWCH):
            b = ci % 2
            hs[ci].wait()
            if ci + 1 < NWCH:
                hs[ci + 1] = pltpu.async_copy(
                    x_hbm.at[idx_v.at[ci + 1]], rows_v.at[(ci + 1) % 2],
                    sems[(ci + 1) % 2])
            pltpu.sync_copy(rows_v.at[b], xg_hbm.at[pl.ds(base + ci * WCH, WCH)])

    return k(xf, src3)


def _sc_scatter(zw, dest3):
    @functools.partial(
        pl.kernel,
        out_type=jax.ShapeDtypeStruct((A + 8, DIM), jnp.float32),
        mesh=_sc_mesh(),
        scratch_types=[
            pltpu.VMEM((NWCH, WCH), jnp.int32),
            pltpu.VMEM((2, WCH, DIM), jnp.float32),
            pltpu.SemaphoreType.DMA,
            pltpu.SemaphoreType.DMA,
        ],
    )
    def k(zw_hbm, dest_hbm, out_hbm, idx_v, rows_v, sem0, sem1):
        wid = _worker_id()
        base = wid * WROWS
        sems = (sem0, sem1)
        pltpu.sync_copy(dest_hbm.at[wid], idx_v)
        hs = {}
        for ci in range(NWCH):
            b = ci % 2
            if ci >= 2:
                hs[ci - 2].wait()
            pltpu.sync_copy(zw_hbm.at[pl.ds(base + ci * WCH, WCH)], rows_v.at[b])
            hs[ci] = pltpu.async_copy(rows_v.at[b], out_hbm.at[idx_v.at[ci]],
                                      sems[b])
        hs[NWCH - 2].wait()
        hs[NWCH - 1].wait()

    return k(zw, dest3)


def _grouped_body_first(be_ref, xg_ref, w1a_ref, w1g_ref, w2_ref, y_ref):
    x = xg_ref[...]
    a = jnp.dot(x, w1a_ref[0], preferred_element_type=jnp.float32)
    g = jnp.dot(x, w1g_ref[0], preferred_element_type=jnp.float32)
    s = a * jax.nn.sigmoid(a) * g
    y_ref[...] = jnp.dot(s, w2_ref[0], preferred_element_type=jnp.float32)


def _grouped_body_acc(be_ref, xg_ref, w1a_ref, w1g_ref, w2_ref, yin_ref, y_ref):
    x = xg_ref[...]
    a = jnp.dot(x, w1a_ref[0], preferred_element_type=jnp.float32)
    g = jnp.dot(x, w1g_ref[0], preferred_element_type=jnp.float32)
    s = a * jax.nn.sigmoid(a) * g
    y_ref[...] = yin_ref[...] + jnp.dot(s, w2_ref[0],
                                        preferred_element_type=jnp.float32)


def _grouped(xg, ew1, ew2, be):
    def chunk_call(c, y_prev):
        first = y_prev is None
        in_specs = [
            pl.BlockSpec((BLK, DIM), lambda nb, be_ref: (nb, 0)),
            pl.BlockSpec((1, DIM, ECH), lambda nb, be_ref: (be_ref[nb], 0, c)),
            pl.BlockSpec((1, DIM, ECH),
                         lambda nb, be_ref: (be_ref[nb], 0, c + NC_E)),
            pl.BlockSpec((1, ECH, DIM), lambda nb, be_ref: (be_ref[nb], c, 0)),
        ]
        args = [be, xg, ew1, ew1, ew2]
        if not first:
            in_specs.append(pl.BlockSpec((BLK, DIM), lambda nb, be_ref: (nb, 0)))
            args.append(y_prev)
        grid_spec = pltpu.PrefetchScalarGridSpec(
            num_scalar_prefetch=1,
            grid=(NB,),
            in_specs=in_specs,
            out_specs=pl.BlockSpec((BLK, DIM), lambda nb, be_ref: (nb, 0)),
        )
        return pl.pallas_call(
            _grouped_body_first if first else _grouped_body_acc,
            grid_spec=grid_spec,
            out_shape=jax.ShapeDtypeStruct((NP, DIM), jnp.float32),
        )(*args)

    y = chunk_call(0, None)
    for c in range(1, NC_E):
        y = chunk_call(c, y)
    return y


def _outproj_body(be_ref, y_ref, eow_ref, eob_ref, wg_ref, zw_ref):
    z = jnp.dot(y_ref[...], eow_ref[0], preferred_element_type=jnp.float32)
    zw_ref[...] = (z + eob_ref[0]) * wg_ref[...]


def _outproj(y, eow, eob, wg, be):
    grid_spec = pltpu.PrefetchScalarGridSpec(
        num_scalar_prefetch=1,
        grid=(NB,),
        in_specs=[
            pl.BlockSpec((BLK, DIM), lambda nb, be_ref: (nb, 0)),
            pl.BlockSpec((1, DIM, DIM), lambda nb, be_ref: (be_ref[nb], 0, 0)),
            pl.BlockSpec((1, 1, DIM), lambda nb, be_ref: (be_ref[nb], 0, 0)),
            pl.BlockSpec((BLK, 1), lambda nb, be_ref: (nb, 0)),
        ],
        out_specs=pl.BlockSpec((BLK, DIM), lambda nb, be_ref: (nb, 0)),
    )
    return pl.pallas_call(
        _outproj_body,
        grid_spec=grid_spec,
        out_shape=jax.ShapeDtypeStruct((NP, DIM), jnp.float32),
    )(be, y, eow, eob.reshape(E, 1, DIM), wg)


def _shared_body(x_ref, w1a_ref, w1g_ref, w2_ref, out_ref):
    s_i = pl.program_id(0)
    c = pl.program_id(1)
    t = pl.program_id(2)

    @pl.when((s_i == 0) & (c == 0) & (t == 0))
    def _():
        out_ref[...] = jnp.zeros_like(out_ref)

    x = x_ref[...]
    a = jnp.dot(x, w1a_ref[0], preferred_element_type=jnp.float32)
    g = jnp.dot(x, w1g_ref[0], preferred_element_type=jnp.float32)
    act = a * jax.nn.sigmoid(a) * g
    z = jnp.dot(act, w2_ref[0], preferred_element_type=jnp.float32)
    out_ref[pl.ds(t * TB, TB), :] = out_ref[pl.ds(t * TB, TB), :] + z * (1.0 / NS)


def _shared(xf, sw1, sw2):
    return pl.pallas_call(
        _shared_body,
        grid=(NS, NC_S, NT),
        in_specs=[
            pl.BlockSpec((TB, DIM), lambda s, c, t: (t, 0)),
            pl.BlockSpec((1, DIM, CH), lambda s, c, t: (s, 0, c)),
            pl.BlockSpec((1, DIM, CH), lambda s, c, t: (s, 0, c + H_S // CH)),
            pl.BlockSpec((1, CH, DIM), lambda s, c, t: (s, c, 0)),
        ],
        out_specs=pl.BlockSpec((T, DIM), lambda s, c, t: (0, 0)),
        out_shape=jax.ShapeDtypeStruct((T, DIM), jnp.float32),
    )(xf, sw1, sw1, sw2)


def _combine_body(sh_ref, r0_ref, r1_ref, out_ref):
    out_ref[...] = sh_ref[...] + r0_ref[...] + r1_ref[...]


def _combine(shared, routed2):
    return pl.pallas_call(
        _combine_body,
        grid=(NT,),
        in_specs=[
            pl.BlockSpec((TB, DIM), lambda t: (t, 0)),
            pl.BlockSpec((TB, DIM), lambda t: (t, 0)),
            pl.BlockSpec((TB, DIM), lambda t: (t + T // TB, 0)),
        ],
        out_specs=pl.BlockSpec((TB, DIM), lambda t: (t, 0)),
        out_shape=jax.ShapeDtypeStruct((T, DIM), jnp.float32),
    )(shared, routed2, routed2)


def kernel(x, gate_w, ew1, ew2, eow, eob, sw1, sw2):
    xf = x.reshape(T, DIM)
    gate_logits = jnp.einsum('bsd,ed->bse', x, gate_w)
    lb, src, wg, dest, be = _router(gate_logits.reshape(T, E))
    xg = _sc_gather(xf, src.reshape(NWORK, NWCH, WCH))
    y = _grouped(xg, ew1, ew2, be)
    zw = _outproj(y, eow, eob, wg, be)
    routed2 = _sc_scatter(zw, dest.reshape(NWORK, NWCH, WCH))
    shared = _shared(xf, sw1, sw2)
    out = _combine(shared, routed2).reshape(B, S, DIM)
    return (out, lb[0, 0])

# --- scband reference (transcript-rebuilt; emitter-appended) ---
"""Pipeline reference for scband-shared-expert-mo-e-37237366456750 (READ-ONLY COPY).

The authoritative reference and input builder live on the scoring server;
editing this copy changes nothing except your own understanding.
"""

import jax, jax.numpy as jnp
import numpy as np

DIM = 1024
E = 8
NS = 2
B = 2
S = 2048
H_E = DIM * 4   # routed expert SwiGLU hidden
H_S = DIM * 2   # shared expert SwiGLU hidden


def _swiglu(h):
    a, g = jnp.split(h, 2, axis=-1)
    return jax.nn.silu(a) * g


def setup_inputs(seed: int = 0) -> dict:
    key = jax.random.key(seed)
    ks = jax.random.split(key, 8)
    x = jax.random.normal(ks[0], (B, S, DIM), dtype=jnp.float32)
    gate_w = jax.random.normal(ks[1], (E, DIM), dtype=jnp.float32) * 0.02
    ew1 = jax.random.normal(ks[2], (E, DIM, 2 * H_E), dtype=jnp.float32) * 0.02
    ew2 = jax.random.normal(ks[3], (E, H_E, DIM), dtype=jnp.float32) * 0.02
    eow = jax.random.normal(ks[4], (E, DIM, DIM), dtype=jnp.float32) * 0.02
    eob = jnp.zeros((E, DIM), dtype=jnp.float32)
    sw1 = jax.random.normal(ks[5], (NS, DIM, 2 * H_S), dtype=jnp.float32) * 0.02
    sw2 = jax.random.normal(ks[6], (NS, H_S, DIM), dtype=jnp.float32) * 0.02
    return {"x": x, "gate_w": gate_w, "ew1": ew1, "ew2": ew2, "eow": eow, "eob": eob, "sw1": sw1, "sw2": sw2}


def reference(x, gate_w, ew1, ew2, eow, eob, sw1, sw2):
    # shared experts (SwiGLU dim -> 2*dim hidden)
    shared = jnp.zeros_like(x)
    for s in range(NS):
        shared = shared + _swiglu(x @ sw1[s]) @ sw2[s]
    shared = shared / NS
    # router
    gate_logits = jnp.einsum('bsd,ed->bse', x, gate_w)
    top_k_logits, top_k_idx = jax.lax.top_k(gate_logits, 2)
    top_k_gates = jax.nn.softmax(top_k_logits, axis=-1)
    # routed experts: dense evaluation masked per expert (faithful to torch loop)
    routed = jnp.zeros_like(x)
    for i in range(2):
        for e in range(E):
            mask = (top_k_idx[:, :, i] == e)[..., None].astype(x.dtype)
            gated = top_k_gates[:, :, i][..., None]
            exp_out = (_swiglu(x @ ew1[e]) @ ew2[e]) @ eow[e] + eob[e]
            routed = routed + mask * gated * exp_out
    # load-balance loss from expert_counts buffer (starts at zero -> equals this batch's counts)
    expert_mask = jax.nn.one_hot(top_k_idx[:, :, 0], E, dtype=x.dtype)
    expert_counts = expert_mask.sum(axis=(0, 1))
    total = expert_counts.sum()
    lb_loss = jnp.mean((expert_counts / total - 1.0 / E) ** 2)
    out = shared + routed
    return (out, lb_loss)

if __name__ == "__main__":
    import jax
    _d = setup_inputs()
    print(jax.jit(kernel)(*tuple(_d.values())))

</pallas_src>

<mosaic_0001>
#map = affine_map<(d0, d1) -> (0, 0)>
#map1 = affine_map<(d0, d1) -> (0, 0, 0)>
module attributes {stable_mosaic.version = 14 : i64} {
  func.func @k(%arg0: i32, %arg1: i32, %arg2: memref<10240x1024xf32, #tpu.memory_space<hbm>>, %arg3: memref<32x8x40xi32, #tpu.memory_space<hbm>>, %arg4: memref<8200x1024xf32, #tpu.memory_space<hbm>>, %arg5: memref<8x40xi32, #tpu.memory_space<vmem>>, %arg6: memref<2x40x1024xf32, #tpu.memory_space<vmem>>, %arg7: memref<!tpu.dma_semaphore, #tpu.memory_space<semaphore_mem>>, %arg8: memref<!tpu.dma_semaphore, #tpu.memory_space<semaphore_mem>>) attributes {dimension_semantics = [#tpu.dimension_semantics<core_parallel>, #tpu.dimension_semantics<subcore_parallel>], iteration_bounds = array<i64: 2, 16>, scalar_prefetch = 0 : i64, scratch_operands = 4 : i64, tpu.core_type = #tpu.core_type<sc_vector_subcore>, window_params = [{transform_indices = #map}, {transform_indices = #map1}, {transform_indices = #map}]} {
    %mul3A = arith.constant 2 : i32
    %mul3A_0 = arith.muli %arg1, %mul3A : i32
    %add3A = arith.addi %mul3A_0, %arg0 : i32
    %mul3A_1 = arith.constant 320 : i32
    %mul3A_2 = arith.muli %add3A, %mul3A_1 : i32
    "tpu.region"() ({
      %run_scoped3A_216 = tpu.sem_alloc : memref<!tpu.dma_semaphore, #tpu.memory_space<semaphore_mem>>
      %dma_start3A_217 = arith.constant 0 : i32
      %dma_start3A_218 = arith.constant 0 : i32
      %dma_start3A_219 = tpu.memref_slice %arg3[%add3A, %dma_start3A_217, %dma_start3A_218] : memref<32x8x40xi32, #tpu.memory_space<hbm>> -> memref<1x8x40xi32, #tpu.memory_space<hbm>>
      %dma_start3A_220 = tpu.memref_squeeze %dma_start3A_219 : memref<1x8x40xi32, #tpu.memory_space<hbm>> -> memref<8x40xi32, #tpu.memory_space<hbm>>
      %dma_start3A_221 = arith.constant 0 : i32
      %dma_start3A_222 = arith.constant 0 : i32
      %dma_start3A_223 = tpu.memref_slice %arg3[%add3A, %dma_start3A_221, %dma_start3A_222] : memref<32x8x40xi32, #tpu.memory_space<hbm>> -> memref<1x8x40xi32, #tpu.memory_space<hbm>>
      %dma_start3A_224 = tpu.memref_squeeze %dma_start3A_223 : memref<1x8x40xi32, #tpu.memory_space<hbm>> -> memref<8x40xi32, #tpu.memory_space<hbm>>
      tpu.enqueue_dma source(%dma_start3A_224 : memref<8x40xi32, #tpu.memory_space<hbm>>) target(%arg5 : memref<8x40xi32, #tpu.memory_space<vmem>>) target_semaphore(%run_scoped3A_216 : memref<!tpu.dma_semaphore, #tpu.memory_space<semaphore_mem>>)
      %dma_wait3A_225 = arith.constant 0 : i32
      %dma_wait3A_226 = arith.constant 0 : i32
      %dma_wait3A_227 = tpu.memref_slice %arg3[%add3A, %dma_wait3A_225, %dma_wait3A_226] : memref<32x8x40xi32, #tpu.memory_space<hbm>> -> memref<1x8x40xi32, #tpu.memory_space<hbm>>
      %dma_wait3A_228 = tpu.memref_squeeze %dma_wait3A_227 : memref<1x8x40xi32, #tpu.memory_space<hbm>> -> memref<8x40xi32, #tpu.memory_space<hbm>>
      %dma_wait3A_229 = arith.constant 0 : i32
      %dma_wait3A_230 = arith.constant 0 : i32
      %dma_wait3A_231 = tpu.memref_slice %arg3[%add3A, %dma_wait3A_229, %dma_wait3A_230] : memref<32x8x40xi32, #tpu.memory_space<hbm>> -> memref<1x8x40xi32, #tpu.memory_space<hbm>>
      %dma_wait3A_232 = tpu.memref_squeeze %dma_wait3A_231 : memref<1x8x40xi32, #tpu.memory_space<hbm>> -> memref<8x40xi32, #tpu.memory_space<hbm>>
      tpu.wait_dma2 semaphore(%run_scoped3A_216 : memref<!tpu.dma_semaphore, #tpu.memory_space<semaphore_mem>>) src(%dma_wait3A_232 : memref<8x40xi32, #tpu.memory_space<hbm>>) dst(%arg5 : memref<8x40xi32, #tpu.memory_space<vmem>>)
      tpu.yield
    }) : () -> ()
    %add3A_3 = arith.constant 0 : i32
    %add3A_4 = arith.addi %mul3A_2, %add3A_3 : i32
    %run_scoped3A = arith.constant 0 : i32
    "tpu.region"() ({
      %run_scoped3A_216 = tpu.sem_alloc : memref<!tpu.dma_semaphore, #tpu.memory_space<semaphore_mem>>
      %dma_start3A_217 = arith.constant 0 : i32
      %dma_start3A_218 = arith.constant 0 : i32
      %dma_start3A_219 = tpu.memref_slice %arg6[%run_scoped3A, %dma_start3A_217, %dma_start3A_218] : memref<2x40x1024xf32, #tpu.memory_space<vmem>> -> memref<1x40x1024xf32, #tpu.memory_space<vmem>>
      %dma_start3A_220 = tpu.memref_squeeze %dma_start3A_219 : memref<1x40x1024xf32, #tpu.memory_space<vmem>> -> memref<40x1024xf32, #tpu.memory_space<vmem>>
      %dma_start3A_221 = arith.constant 0 : i32
      %dma_start3A_222 = tpu.memref_slice %arg2[%add3A_4, %dma_start3A_221] : memref<10240x1024xf32, #tpu.memory_space<hbm>> -> memref<40x1024xf32, #tpu.memory_space<hbm>>
      %dma_start3A_223 = arith.constant 0 : i32
      %dma_start3A_224 = arith.constant 0 : i32
      %dma_start3A_225 = tpu.memref_slice %arg6[%run_scoped3A, %dma_start3A_223, %dma_start3A_224] : memref<2x40x1024xf32, #tpu.memory_space<vmem>> -> memref<1x40x1024xf32, #tpu.memory_space<vmem>>
      %dma_start3A_226 = tpu.memref_squeeze %dma_start3A_225 : memref<1x40x1024xf32, #tpu.memory_space<vmem>> -> memref<40x1024xf32, #tpu.memory_space<vmem>>
      %dma_start3A_227 = arith.constant 0 : i32
      %dma_start3A_228 = tpu.memref_slice %arg2[%add3A_4, %dma_start3A_227] : memref<10240x1024xf32, #tpu.memory_space<hbm>> -> memref<40x1024xf32, #tpu.memory_space<hbm>>
      tpu.enqueue_dma source(%dma_start3A_228 : memref<40x1024xf32, #tpu.memory_space<hbm>>) target(%dma_start3A_226 : memref<40x1024xf32, #tpu.memory_space<vmem>>) target_semaphore(%run_scoped3A_216 : memref<!tpu.dma_semaphore, #tpu.memory_space<semaphore_mem>>)
      %dma_wait3A_229 = arith.constant 0 : i32
      %dma_wait3A_230 = arith.constant 0 : i32
      %dma_wait3A_231 = tpu.memref_slice %arg6[%run_scoped3A, %dma_wait3A_229, %dma_wait3A_230] : memref<2x40x1024xf32, #tpu.memory_space<vmem>> -> memref<1x40x1024xf32, #tpu.memory_space<vmem>>
      %dma_wait3A_232 = tpu.memref_squeeze %dma_wait3A_231 : memref<1x40x1024xf32, #tpu.memory_space<vmem>> -> memref<40x1024xf32, #tpu.memory_space<vmem>>
      %dma_wait3A_233 = arith.constant 0 : i32
      %dma_wait3A_234 = tpu.memref_slice %arg2[%add3A_4, %dma_wait3A_233] : memref<10240x1024xf32, #tpu.memory_space<hbm>> -> memref<40x1024xf32, #tpu.memory_space<hbm>>
      %dma_wait3A_235 = arith.constant 0 : i32
      %dma_wait3A_236 = arith.constant 0 : i32
      %dma_wait3A_237 = tpu.memref_slice %arg6[%run_scoped3A, %dma_wait3A_235, %dma_wait3A_236] : memref<2x40x1024xf32, #tpu.memory_space<vmem>> -> memref<1x40x1024xf32, #tpu.memory_space<vmem>>
      %dma_wait3A_238 = tpu.memref_squeeze %dma_wait3A_237 : memref<1x40x1024xf32, #tpu.memory_space<vmem>> -> memref<40x1024xf32, #tpu.memory_space<vmem>>
      %dma_wait3A_239 = arith.constant 0 : i32
      %dma_wait3A_240 = tpu.memref_slice %arg2[%add3A_4, %dma_wait3A_239] : memref<10240x1024xf32, #tpu.memory_space<hbm>> -> memref<40x1024xf32, #tpu.memory_space<hbm>>
      tpu.wait_dma2 semaphore(%run_scoped3A_216 : memref<!tpu.dma_semaphore, #tpu.memory_space<semaphore_mem>>) src(%dma_wait3A_240 : memref<40x1024xf32, #tpu.memory_space<hbm>>) dst(%dma_wait3A_238 : memref<40x1024xf32, #tpu.memory_space<vmem>>)
      tpu.yield
    }) : () -> ()
    %dma_start3A = arith.constant 0 : i32
    %dma_start3A_5 = arith.constant 0 : i32
    %dma_start3A_6 = arith.constant 0 : i32
    %dma_start3A_7 = arith.constant 0 : i32
    %dma_start3A_8 = tpu.memref_slice %arg6[%dma_start3A, %dma_start3A_6, %dma_start3A_7] : memref<2x40x1024xf32, #tpu.memory_space<vmem>> -> memref<1x40x1024xf32, #tpu.memory_space<vmem>>
    %dma_start3A_9 = tpu.memref_squeeze %dma_start3A_8 : memref<1x40x1024xf32, #tpu.memory_space<vmem>> -> memref<40x1024xf32, #tpu.memory_space<vmem>>
    %dma_start3A_10 = arith.constant 0 : i32
    %dma_start3A_11 = tpu.memref_slice %arg5[%dma_start3A_5, %dma_start3A_10] : memref<8x40xi32, #tpu.memory_space<vmem>> -> memref<1x40xi32, #tpu.memory_space<vmem>>
    %dma_start3A_12 = tpu.memref_squeeze %dma_start3A_11 : memref<1x40xi32, #tpu.memory_space<vmem>> -> memref<40xi32, #tpu.memory_space<vmem>>
    %dma_start3A_13 = arith.constant 0 : i32
    %dma_start3A_14 = arith.constant 0 : i32
    %dma_start3A_15 = tpu.memref_slice %arg4[%dma_start3A_13, %dma_start3A_14] : memref<8200x1024xf32, #tpu.memory_space<hbm>> -> memref<8200x1024xf32, #tpu.memory_space<hbm>>
    tpu.enqueue_indirect_dma source(%dma_start3A_9 : memref<40x1024xf32, #tpu.memory_space<vmem>>) target(%dma_start3A_15 : memref<8200x1024xf32, #tpu.memory_space<hbm>>) offsets(%dma_start3A_12 : memref<40xi32, #tpu.memory_space<vmem>>) semaphore(%arg7 : memref<!tpu.dma_semaphore, #tpu.memory_space<semaphore_mem>>)
    %add3A_16 = arith.constant 40 : i32
    %add3A_17 = arith.addi %mul3A_2, %add3A_16 : i32
    %run_scoped3A_18 = arith.constant 1 : i32
    "tpu.region"() ({
      %run_scoped3A_216 = tpu.sem_alloc : memref<!tpu.dma_semaphore, #tpu.memory_space<semaphore_mem>>
      %dma_start3A_217 = arith.constant 0 : i32
      %dma_start3A_218 = arith.constant 0 : i32
      %dma_start3A_219 = tpu.memref_slice %arg6[%run_scoped3A_18, %dma_start3A_217, %dma_start3A_218] : memref<2x40x1024xf32, #tpu.memory_space<vmem>> -> memref<1x40x1024xf32, #tpu.memory_space<vmem>>
      %dma_start3A_220 = tpu.memref_squeeze %dma_start3A_219 : memref<1x40x1024xf32, #tpu.memory_space<vmem>> -> memref<40x1024xf32, #tpu.memory_space<vmem>>
      %dma_start3A_221 = arith.constant 0 : i32
      %dma_start3A_222 = tpu.memref_slice %arg2[%add3A_17, %dma_start3A_221] : memref<10240x1024xf32, #tpu.memory_space<hbm>> -> memref<40x1024xf32, #tpu.memory_space<hbm>>
      %dma_start3A_223 = arith.constant 0 : i32
      %dma_start3A_224 = arith.constant 0 : i32
      %dma_start3A_225 = tpu.memref_slice %arg6[%run_scoped3A_18, %dma_start3A_223, %dma_start3A_224] : memref<2x40x1024xf32, #tpu.memory_space<vmem>> -> memref<1x40x1024xf32, #tpu.memory_space<vmem>>
      %dma_start3A_226 = tpu.memref_squeeze %dma_start3A_225 : memref<1x40x1024xf32, #tpu.memory_space<vmem>> -> memref<40x1024xf32, #tpu.memory_space<vmem>>
      %dma_start3A_227 = arith.constant 0 : i32
      %dma_start3A_228 = tpu.memref_slice %arg2[%add3A_17, %dma_start3A_227] : memref<10240x1024xf32, #tpu.memory_space<hbm>> -> memref<40x1024xf32, #tpu.memory_space<hbm>>
      tpu.enqueue_dma source(%dma_start3A_228 : memref<40x1024xf32, #tpu.memory_space<hbm>>) target(%dma_start3A_226 : memref<40x1024xf32, #tpu.memory_space<vmem>>) target_semaphore(%run_scoped3A_216 : memref<!tpu.dma_semaphore, #tpu.memory_space<semaphore_mem>>)
      %dma_wait3A_229 = arith.constant 0 : i32
      %dma_wait3A_230 = arith.constant 0 : i32
      %dma_wait3A_231 = tpu.memref_slice %arg6[%run_scoped3A_18, %dma_wait3A_229, %dma_wait3A_230] : memref<2x40x1024xf32, #tpu.memory_space<vmem>> -> memref<1x40x1024xf32, #tpu.memory_space<vmem>>
      %dma_wait3A_232 = tpu.memref_squeeze %dma_wait3A_231 : memref<1x40x1024xf32, #tpu.memory_space<vmem>> -> memref<40x1024xf32, #tpu.memory_space<vmem>>
      %dma_wait3A_233 = arith.constant 0 : i32
      %dma_wait3A_234 = tpu.memref_slice %arg2[%add3A_17, %dma_wait3A_233] : memref<10240x1024xf32, #tpu.memory_space<hbm>> -> memref<40x1024xf32, #tpu.memory_space<hbm>>
      %dma_wait3A_235 = arith.constant 0 : i32
      %dma_wait3A_236 = arith.constant 0 : i32
      %dma_wait3A_237 = tpu.memref_slice %arg6[%run_scoped3A_18, %dma_wait3A_235, %dma_wait3A_236] : memref<2x40x1024xf32, #tpu.memory_space<vmem>> -> memref<1x40x1024xf32, #tpu.memory_space<vmem>>
      %dma_wait3A_238 = tpu.memref_squeeze %dma_wait3A_237 : memref<1x40x1024xf32, #tpu.memory_space<vmem>> -> memref<40x1024xf32, #tpu.memory_space<vmem>>
      %dma_wait3A_239 = arith.constant 0 : i32
      %dma_wait3A_240 = tpu.memref_slice %arg2[%add3A_17, %dma_wait3A_239] : memref<10240x1024xf32, #tpu.memory_space<hbm>> -> memref<40x1024xf32, #tpu.memory_space<hbm>>
      tpu.wait_dma2 semaphore(%run_scoped3A_216 : memref<!tpu.dma_semaphore, #tpu.memory_space<semaphore_mem>>) src(%dma_wait3A_240 : memref<40x1024xf32, #tpu.memory_space<hbm>>) dst(%dma_wait3A_238 : memref<40x1024xf32, #tpu.memory_space<vmem>>)
      tpu.yield
    }) : () -> ()
    %dma_start3A_19 = arith.constant 1 : i32
    %dma_start3A_20 = arith.constant 1 : i32
    %dma_start3A_21 = arith.constant 0 : i32
    %dma_start3A_22 = arith.constant 0 : i32
    %dma_start3A_23 = tpu.memref_slice %arg6[%dma_start3A_19, %dma_start3A_21, %dma_start3A_22] : memref<2x40x1024xf32, #tpu.memory_space<vmem>> -> memref<1x40x1024xf32, #tpu.memory_space<vmem>>
    %dma_start3A_24 = tpu.memref_squeeze %dma_start3A_23 : memref<1x40x1024xf32, #tpu.memory_space<vmem>> -> memref<40x1024xf32, #tpu.memory_space<vmem>>
    %dma_start3A_25 = arith.constant 0 : i32
    %dma_start3A_26 = tpu.memref_slice %arg5[%dma_start3A_20, %dma_start3A_25] : memref<8x40xi32, #tpu.memory_space<vmem>> -> memref<1x40xi32, #tpu.memory_space<vmem>>
    %dma_start3A_27 = tpu.memref_squeeze %dma_start3A_26 : memref<1x40xi32, #tpu.memory_space<vmem>> -> memref<40xi32, #tpu.memory_space<vmem>>
    %dma_start3A_28 = arith.constant 0 : i32
    %dma_start3A_29 = arith.constant 0 : i32
    %dma_start3A_30 = tpu.memref_slice %arg4[%dma_start3A_28, %dma_start3A_29] : memref<8200x1024xf32, #tpu.memory_space<hbm>> -> memref<8200x1024xf32, #tpu.memory_space<hbm>>
    tpu.enqueue_indirect_dma source(%dma_start3A_24 : memref<40x1024xf32, #tpu.memory_space<vmem>>) target(%dma_start3A_30 : memref<8200x1024xf32, #tpu.memory_space<hbm>>) offsets(%dma_start3A_27 : memref<40xi32, #tpu.memory_space<vmem>>) semaphore(%arg8 : memref<!tpu.dma_semaphore, #tpu.memory_space<semaphore_mem>>)
    %dma_wait3A = arith.constant 0 : i32
    %dma_wait3A_31 = arith.constant 0 : i32
    %dma_wait3A_32 = arith.constant 0 : i32
    %dma_wait3A_33 = arith.constant 0 : i32
    %dma_wait3A_34 = tpu.memref_slice %arg6[%dma_wait3A, %dma_wait3A_32, %dma_wait3A_33] : memref<2x40x1024xf32, #tpu.memory_space<vmem>> -> memref<1x40x1024xf32, #tpu.memory_space<vmem>>
    %dma_wait3A_35 = tpu.memref_squeeze %dma_wait3A_34 : memref<1x40x1024xf32, #tpu.memory_space<vmem>> -> memref<40x1024xf32, #tpu.memory_space<vmem>>
    %dma_wait3A_36 = arith.constant 0 : i32
    %dma_wait3A_37 = tpu.memref_slice %arg5[%dma_wait3A_31, %dma_wait3A_36] : memref<8x40xi32, #tpu.memory_space<vmem>> -> memref<1x40xi32, #tpu.memory_space<vmem>>
    %dma_wait3A_38 = tpu.memref_squeeze %dma_wait3A_37 : memref<1x40xi32, #tpu.memory_space<vmem>> -> memref<40xi32, #tpu.memory_space<vmem>>
    %dma_wait3A_39 = arith.constant 0 : i32
    %dma_wait3A_40 = arith.constant 0 : i32
    %dma_wait3A_41 = tpu.memref_slice %arg4[%dma_wait3A_39, %dma_wait3A_40] : memref<8200x1024xf32, #tpu.memory_space<hbm>> -> memref<8200x1024xf32, #tpu.memory_space<hbm>>
    tpu.wait_indirect_dma semaphore(%arg7 : memref<!tpu.dma_semaphore, #tpu.memory_space<semaphore_mem>>) src(%dma_wait3A_35 : memref<40x1024xf32, #tpu.memory_space<vmem>>) dst(%dma_wait3A_41 : memref<8200x1024xf32, #tpu.memory_space<hbm>>)
    %add3A_42 = arith.constant 80 : i32
    %add3A_43 = arith.addi %mul3A_2, %add3A_42 : i32
    %run_scoped3A_44 = arith.constant 0 : i32
    "tpu.region"() ({
      %run_scoped3A_216 = tpu.sem_alloc : memref<!tpu.dma_semaphore, #tpu.memory_space<semaphore_mem>>
      %dma_start3A_217 = arith.constant 0 : i32
      %dma_start3A_218 = arith.constant 0 : i32
      %dma_start3A_219 = tpu.memref_slice %arg6[%run_scoped3A_44, %dma_start3A_217, %dma_start3A_218] : memref<2x40x1024xf32, #tpu.memory_space<vmem>> -> memref<1x40x1024xf32, #tpu.memory_space<vmem>>
      %dma_start3A_220 = tpu.memref_squeeze %dma_start3A_219 : memref<1x40x1024xf32, #tpu.memory_space<vmem>> -> memref<40x1024xf32, #tpu.memory_space<vmem>>
      %dma_start3A_221 = arith.constant 0 : i32
      %dma_start3A_222 = tpu.memref_slice %arg2[%add3A_43, %dma_start3A_221] : memref<10240x1024xf32, #tpu.memory_space<hbm>> -> memref<40x1024xf32, #tpu.memory_space<hbm>>
      %dma_start3A_223 = arith.constant 0 : i32
      %dma_start3A_224 = arith.constant 0 : i32
      %dma_start3A_225 = tpu.memref_slice %arg6[%run_scoped3A_44, %dma_start3A_223, %dma_start3A_224] : memref<2x40x1024xf32, #tpu.memory_space<vmem>> -> memref<1x40x1024xf32, #tpu.memory_space<vmem>>
      %dma_start3A_226 = tpu.memref_squeeze %dma_start3A_225 : memref<1x40x1024xf32, #tpu.memory_space<vmem>> -> memref<40x1024xf32, #tpu.memory_space<vmem>>
      %dma_start3A_227 = arith.constant 0 : i32
      %dma_start3A_228 = tpu.memref_slice %arg2[%add3A_43, %dma_start3A_227] : memref<10240x1024xf32, #tpu.memory_space<hbm>> -> memref<40x1024xf32, #tpu.memory_space<hbm>>
      tpu.enqueue_dma source(%dma_start3A_228 : memref<40x1024xf32, #tpu.memory_space<hbm>>) target(%dma_start3A_226 : memref<40x1024xf32, #tpu.memory_space<vmem>>) target_semaphore(%run_scoped3A_216 : memref<!tpu.dma_semaphore, #tpu.memory_space<semaphore_mem>>)
      %dma_wait3A_229 = arith.constant 0 : i32
      %dma_wait3A_230 = arith.constant 0 : i32
      %dma_wait3A_231 = tpu.memref_slice %arg6[%run_scoped3A_44, %dma_wait3A_229, %dma_wait3A_230] : memref<2x40x1024xf32, #tpu.memory_space<vmem>> -> memref<1x40x1024xf32, #tpu.memory_space<vmem>>
      %dma_wait3A_232 = tpu.memref_squeeze %dma_wait3A_231 : memref<1x40x1024xf32, #tpu.memory_space<vmem>> -> memref<40x1024xf32, #tpu.memory_space<vmem>>
      %dma_wait3A_233 = arith.constant 0 : i32
      %dma_wait3A_234 = tpu.memref_slice %arg2[%add3A_43, %dma_wait3A_233] : memref<10240x1024xf32, #tpu.memory_space<hbm>> -> memref<40x1024xf32, #tpu.memory_space<hbm>>
      %dma_wait3A_235 = arith.constant 0 : i32
      %dma_wait3A_236 = arith.constant 0 : i32
      %dma_wait3A_237 = tpu.memref_slice %arg6[%run_scoped3A_44, %dma_wait3A_235, %dma_wait3A_236] : memref<2x40x1024xf32, #tpu.memory_space<vmem>> -> memref<1x40x1024xf32, #tpu.memory_space<vmem>>
      %dma_wait3A_238 = tpu.memref_squeeze %dma_wait3A_237 : memref<1x40x1024xf32, #tpu.memory_space<vmem>> -> memref<40x1024xf32, #tpu.memory_space<vmem>>
      %dma_wait3A_239 = arith.constant 0 : i32
      %dma_wait3A_240 = tpu.memref_slice %arg2[%add3A_43, %dma_wait3A_239] : memref<10240x1024xf32, #tpu.memory_space<hbm>> -> memref<40x1024xf32, #tpu.memory_space<hbm>>
      tpu.wait_dma2 semaphore(%run_scoped3A_216 : memref<!tpu.dma_semaphore, #tpu.memory_space<semaphore_mem>>) src(%dma_wait3A_240 : memref<40x1024xf32, #tpu.memory_space<hbm>>) dst(%dma_wait3A_238 : memref<40x1024xf32, #tpu.memory_space<vmem>>)
      tpu.yield
    }) : () -> ()
    %dma_start3A_45 = arith.constant 0 : i32
    %dma_start3A_46 = arith.constant 2 : i32
    %dma_start3A_47 = arith.constant 0 : i32
    %dma_start3A_48 = arith.constant 0 : i32
    %dma_start3A_49 = tpu.memref_slice %arg6[%dma_start3A_45, %dma_start3A_47, %dma_start3A_48] : memref<2x40x1024xf32, #tpu.memory_space<vmem>> -> memref<1x40x1024xf32, #tpu.memory_space<vmem>>
    %dma_start3A_50 = tpu.memref_squeeze %dma_start3A_49 : memref<1x40x1024xf32, #tpu.memory_space<vmem>> -> memref<40x1024xf32, #tpu.memory_space<vmem>>
    %dma_start3A_51 = arith.constant 0 : i32
    %dma_start3A_52 = tpu.memref_slice %arg5[%dma_start3A_46, %dma_start3A_51] : memref<8x40xi32, #tpu.memory_space<vmem>> -> memref<1x40xi32, #tpu.memory_space<vmem>>
    %dma_start3A_53 = tpu.memref_squeeze %dma_start3A_52 : memref<1x40xi32, #tpu.memory_space<vmem>> -> memref<40xi32, #tpu.memory_space<vmem>>
    %dma_start3A_54 = arith.constant 0 : i32
    %dma_start3A_55 = arith.constant 0 : i32
    %dma_start3A_56 = tpu.memref_slice %arg4[%dma_start3A_54, %dma_start3A_55] : memref<8200x1024xf32, #tpu.memory_space<hbm>> -> memref<8200x1024xf32, #tpu.memory_space<hbm>>
    tpu.enqueue_indirect_dma source(%dma_start3A_50 : memref<40x1024xf32, #tpu.memory_space<vmem>>) target(%dma_start3A_56 : memref<8200x1024xf32, #tpu.memory_space<hbm>>) offsets(%dma_start3A_53 : memref<40xi32, #tpu.memory_space<vmem>>) semaphore(%arg7 : memref<!tpu.dma_semaphore, #tpu.memory_space<semaphore_mem>>)
    %dma_wait3A_57 = arith.constant 1 : i32
    %dma_wait3A_58 = arith.constant 1 : i32
    %dma_wait3A_59 = arith.constant 0 : i32
    %dma_wait3A_60 = arith.constant 0 : i32
    %dma_wait3A_61 = tpu.memref_slice %arg6[%dma_wait3A_57, %dma_wait3A_59, %dma_wait3A_60] : memref<2x40x1024xf32, #tpu.memory_space<vmem>> -> memref<1x40x1024xf32, #tpu.memory_space<vmem>>
    %dma_wait3A_62 = tpu.memref_squeeze %dma_wait3A_61 : memref<1x40x1024xf32, #tpu.memory_space<vmem>> -> memref<40x1024xf32, #tpu.memory_space<vmem>>
    %dma_wait3A_63 = arith.constant 0 : i32
    %dma_wait3A_64 = tpu.memref_slice %arg5[%dma_wait3A_58, %dma_wait3A_63] : memref<8x40xi32, #tpu.memory_space<vmem>> -> memref<1x40xi32, #tpu.memory_space<vmem>>
    %dma_wait3A_65 = tpu.memref_squeeze %dma_wait3A_64 : memref<1x40xi32, #tpu.memory_space<vmem>> -> memref<40xi32, #tpu.memory_space<vmem>>
    %dma_wait3A_66 = arith.constant 0 : i32
    %dma_wait3A_67 = arith.constant 0 : i32
    %dma_wait3A_68 = tpu.memref_slice %arg4[%dma_wait3A_66, %dma_wait3A_67] : memref<8200x1024xf32, #tpu.memory_space<hbm>> -> memref<8200x1024xf32, #tpu.memory_space<hbm>>
    tpu.wait_indirect_dma semaphore(%arg8 : memref<!tpu.dma_semaphore, #tpu.memory_space<semaphore_mem>>) src(%dma_wait3A_62 : memref<40x1024xf32, #tpu.memory_space<vmem>>) dst(%dma_wait3A_68 : memref<8200x1024xf32, #tpu.memory_space<hbm>>)
    %add3A_69 = arith.constant 120 : i32
    %add3A_70 = arith.addi %mul3A_2, %add3A_69 : i32
    %run_scoped3A_71 = arith.constant 1 : i32
    "tpu.region"() ({
      %run_scoped3A_216 = tpu.sem_alloc : memref<!tpu.dma_semaphore, #tpu.memory_space<semaphore_mem>>
      %dma_start3A_217 = arith.constant 0 : i32
      %dma_start3A_218 = arith.constant 0 : i32
      %dma_start3A_219 = tpu.memref_slice %arg6[%run_scoped3A_71, %dma_start3A_217, %dma_start3A_218] : memref<2x40x1024xf32, #tpu.memory_space<vmem>> -> memref<1x40x1024xf32, #tpu.memory_space<vmem>>
      %dma_start3A_220 = tpu.memref_squeeze %dma_start3A_219 : memref<1x40x1024xf32, #tpu.memory_space<vmem>> -> memref<40x1024xf32, #tpu.memory_space<vmem>>
      %dma_start3A_221 = arith.constant 0 : i32
      %dma_start3A_222 = tpu.memref_slice %arg2[%add3A_70, %dma_start3A_221] : memref<10240x1024xf32, #tpu.memory_space<hbm>> -> memref<40x1024xf32, #tpu.memory_space<hbm>>
      %dma_start3A_223 = arith.constant 0 : i32
      %dma_start3A_224 = arith.constant 0 : i32
      %dma_start3A_225 = tpu.memref_slice %arg6[%run_scoped3A_71, %dma_start3A_223, %dma_start3A_224] : memref<2x40x1024xf32, #tpu.memory_space<vmem>> -> memref<1x40x1024xf32, #tpu.memory_space<vmem>>
      %dma_start3A_226 = tpu.memref_squeeze %dma_start3A_225 : memref<1x40x1024xf32, #tpu.memory_space<vmem>> -> memref<40x1024xf32, #tpu.memory_space<vmem>>
      %dma_start3A_227 = arith.constant 0 : i32
      %dma_start3A_228 = tpu.memref_slice %arg2[%add3A_70, %dma_start3A_227] : memref<10240x1024xf32, #tpu.memory_space<hbm>> -> memref<40x1024xf32, #tpu.memory_space<hbm>>
      tpu.enqueue_dma source(%dma_start3A_228 : memref<40x1024xf32, #tpu.memory_space<hbm>>) target(%dma_start3A_226 : memref<40x1024xf32, #tpu.memory_space<vmem>>) target_semaphore(%run_scoped3A_216 : memref<!tpu.dma_semaphore, #tpu.memory_space<semaphore_mem>>)
      %dma_wait3A_229 = arith.constant 0 : i32
      %dma_wait3A_230 = arith.constant 0 : i32
      %dma_wait3A_231 = tpu.memref_slice %arg6[%run_scoped3A_71, %dma_wait3A_229, %dma_wait3A_230] : memref<2x40x1024xf32, #tpu.memory_space<vmem>> -> memref<1x40x1024xf32, #tpu.memory_space<vmem>>
      %dma_wait3A_232 = tpu.memref_squeeze %dma_wait3A_231 : memref<1x40x1024xf32, #tpu.memory_space<vmem>> -> memref<40x1024xf32, #tpu.memory_space<vmem>>
      %dma_wait3A_233 = arith.constant 0 : i32
      %dma_wait3A_234 = tpu.memref_slice %arg2[%add3A_70, %dma_wait3A_233] : memref<10240x1024xf32, #tpu.memory_space<hbm>> -> memref<40x1024xf32, #tpu.memory_space<hbm>>
      %dma_wait3A_235 = arith.constant 0 : i32
      %dma_wait3A_236 = arith.constant 0 : i32
      %dma_wait3A_237 = tpu.memref_slice %arg6[%run_scoped3A_71, %dma_wait3A_235, %dma_wait3A_236] : memref<2x40x1024xf32, #tpu.memory_space<vmem>> -> memref<1x40x1024xf32, #tpu.memory_space<vmem>>
      %dma_wait3A_238 = tpu.memref_squeeze %dma_wait3A_237 : memref<1x40x1024xf32, #tpu.memory_space<vmem>> -> memref<40x1024xf32, #tpu.memory_space<vmem>>
      %dma_wait3A_239 = arith.constant 0 : i32
      %dma_wait3A_240 = tpu.memref_slice %arg2[%add3A_70, %dma_wait3A_239] : memref<10240x1024xf32, #tpu.memory_space<hbm>> -> memref<40x1024xf32, #tpu.memory_space<hbm>>
      tpu.wait_dma2 semaphore(%run_scoped3A_216 : memref<!tpu.dma_semaphore, #tpu.memory_space<semaphore_mem>>) src(%dma_wait3A_240 : memref<40x1024xf32, #tpu.memory_space<hbm>>) dst(%dma_wait3A_238 : memref<40x1024xf32, #tpu.memory_space<vmem>>)
      tpu.yield
    }) : () -> ()
    %dma_start3A_72 = arith.constant 1 : i32
    %dma_start3A_73 = arith.constant 3 : i32
    %dma_start3A_74 = arith.constant 0 : i32
    %dma_start3A_75 = arith.constant 0 : i32
    %dma_start3A_76 = tpu.memref_slice %arg6[%dma_start3A_72, %dma_start3A_74, %dma_start3A_75] : memref<2x40x1024xf32, #tpu.memory_space<vmem>> -> memref<1x40x1024xf32, #tpu.memory_space<vmem>>
    %dma_start3A_77 = tpu.memref_squeeze %dma_start3A_76 : memref<1x40x1024xf32, #tpu.memory_space<vmem>> -> memref<40x1024xf32, #tpu.memory_space<vmem>>
    %dma_start3A_78 = arith.constant 0 : i32
    %dma_start3A_79 = tpu.memref_slice %arg5[%dma_start3A_73, %dma_start3A_78] : memref<8x40xi32, #tpu.memory_space<vmem>> -> memref<1x40xi32, #tpu.memory_space<vmem>>
    %dma_start3A_80 = tpu.memref_squeeze %dma_start3A_79 : memref<1x40xi32, #tpu.memory_space<vmem>> -> memref<40xi32, #tpu.memory_space<vmem>>
    %dma_start3A_81 = arith.constant 0 : i32
    %dma_start3A_82 = arith.constant 0 : i32
    %dma_start3A_83 = tpu.memref_slice %arg4[%dma_start3A_81, %dma_start3A_82] : memref<8200x1024xf32, #tpu.memory_space<hbm>> -> memref<8200x1024xf32, #tpu.memory_space<hbm>>
    tpu.enqueue_indirect_dma source(%dma_start3A_77 : memref<40x1024xf32, #tpu.memory_space<vmem>>) target(%dma_start3A_83 : memref<8200x1024xf32, #tpu.memory_space<hbm>>) offsets(%dma_start3A_80 : memref<40xi32, #tpu.memory_space<vmem>>) semaphore(%arg8 : memref<!tpu.dma_semaphore, #tpu.memory_space<semaphore_mem>>)
    %dma_wait3A_84 = arith.constant 0 : i32
    %dma_wait3A_85 = arith.constant 2 : i32
    %dma_wait3A_86 = arith.constant 0 : i32
    %dma_wait3A_87 = arith.constant 0 : i32
    %dma_wait3A_88 = tpu.memref_slice %arg6[%dma_wait3A_84, %dma_wait3A_86, %dma_wait3A_87] : memref<2x40x1024xf32, #tpu.memory_space<vmem>> -> memref<1x40x1024xf32, #tpu.memory_space<vmem>>
    %dma_wait3A_89 = tpu.memref_squeeze %dma_wait3A_88 : memref<1x40x1024xf32, #tpu.memory_space<vmem>> -> memref<40x1024xf32, #tpu.memory_space<vmem>>
    %dma_wait3A_90 = arith.constant 0 : i32
    %dma_wait3A_91 = tpu.memref_slice %arg5[%dma_wait3A_85, %dma_wait3A_90] : memref<8x40xi32, #tpu.memory_space<vmem>> -> memref<1x40xi32, #tpu.memory_space<vmem>>
    %dma_wait3A_92 = tpu.memref_squeeze %dma_wait3A_91 : memref<1x40xi32, #tpu.memory_space<vmem>> -> memref<40xi32, #tpu.memory_space<vmem>>
    %dma_wait3A_93 = arith.constant 0 : i32
    %dma_wait3A_94 = arith.constant 0 : i32
    %dma_wait3A_95 = tpu.memref_slice %arg4[%dma_wait3A_93, %dma_wait3A_94] : memref<8200x1024xf32, #tpu.memory_space<hbm>> -> memref<8200x1024xf32, #tpu.memory_space<hbm>>
    tpu.wait_indirect_dma semaphore(%arg7 : memref<!tpu.dma_semaphore, #tpu.memory_space<semaphore_mem>>) src(%dma_wait3A_89 : memref<40x1024xf32, #tpu.memory_space<vmem>>) dst(%dma_wait3A_95 : memref<8200x1024xf32, #tpu.memory_space<hbm>>)
    %add3A_96 = arith.constant 160 : i32
    %add3A_97 = arith.addi %mul3A_2, %add3A_96 : i32
    %run_scoped3A_98 = arith.constant 0 : i32
    "tpu.region"() ({
      %run_scoped3A_216 = tpu.sem_alloc : memref<!tpu.dma_semaphore, #tpu.memory_space<semaphore_mem>>
      %dma_start3A_217 = arith.constant 0 : i32
      %dma_start3A_218 = arith.constant 0 : i32
      %dma_start3A_219 = tpu.memref_slice %arg6[%run_scoped3A_98, %dma_start3A_217, %dma_start3A_218] : memref<2x40x1024xf32, #tpu.memory_space<vmem>> -> memref<1x40x1024xf32, #tpu.memory_space<vmem>>
      %dma_start3A_220 = tpu.memref_squeeze %dma_start3A_219 : memref<1x40x1024xf32, #tpu.memory_space<vmem>> -> memref<40x1024xf32, #tpu.memory_space<vmem>>
      %dma_start3A_221 = arith.constant 0 : i32
      %dma_start3A_222 = tpu.memref_slice %arg2[%add3A_97, %dma_start3A_221] : memref<10240x1024xf32, #tpu.memory_space<hbm>> -> memref<40x1024xf32, #tpu.memory_space<hbm>>
      %dma_start3A_223 = arith.constant 0 : i32
      %dma_start3A_224 = arith.constant 0 : i32
      %dma_start3A_225 = tpu.memref_slice %arg6[%run_scoped3A_98, %dma_start3A_223, %dma_start3A_224] : memref<2x40x1024xf32, #tpu.memory_space<vmem>> -> memref<1x40x1024xf32, #tpu.memory_space<vmem>>
      %dma_start3A_226 = tpu.memref_squeeze %dma_start3A_225 : memref<1x40x1024xf32, #tpu.memory_space<vmem>> -> memref<40x1024xf32, #tpu.memory_space<vmem>>
      %dma_start3A_227 = arith.constant 0 : i32
      %dma_start3A_228 = tpu.memref_slice %arg2[%add3A_97, %dma_start3A_227] : memref<10240x1024xf32, #tpu.memory_space<hbm>> -> memref<40x1024xf32, #tpu.memory_space<hbm>>
      tpu.enqueue_dma source(%dma_start3A_228 : memref<40x1024xf32, #tpu.memory_space<hbm>>) target(%dma_start3A_226 : memref<40x1024xf32, #tpu.memory_space<vmem>>) target_semaphore(%run_scoped3A_216 : memref<!tpu.dma_semaphore, #tpu.memory_space<semaphore_mem>>)
      %dma_wait3A_229 = arith.constant 0 : i32
      %dma_wait3A_230 = arith.constant 0 : i32
      %dma_wait3A_231 = tpu.memref_slice %arg6[%run_scoped3A_98, %dma_wait3A_229, %dma_wait3A_230] : memref<2x40x1024xf32, #tpu.memory_space<vmem>> -> memref<1x40x1024xf32, #tpu.memory_space<vmem>>
      %dma_wait3A_232 = tpu.memref_squeeze %dma_wait3A_231 : memref<1x40x1024xf32, #tpu.memory_space<vmem>> -> memref<40x1024xf32, #tpu.memory_space<vmem>>
      %dma_wait3A_233 = arith.constant 0 : i32
      %dma_wait3A_234 = tpu.memref_slice %arg2[%add3A_97, %dma_wait3A_233] : memref<10240x1024xf32, #tpu.memory_space<hbm>> -> memref<40x1024xf32, #tpu.memory_space<hbm>>
      %dma_wait3A_235 = arith.constant 0 : i32
      %dma_wait3A_236 = arith.constant 0 : i32
      %dma_wait3A_237 = tpu.memref_slice %arg6[%run_scoped3A_98, %dma_wait3A_235, %dma_wait3A_236] : memref<2x40x1024xf32, #tpu.memory_space<vmem>> -> memref<1x40x1024xf32, #tpu.memory_space<vmem>>
      %dma_wait3A_238 = tpu.memref_squeeze %dma_wait3A_237 : memref<1x40x1024xf32, #tpu.memory_space<vmem>> -> memref<40x1024xf32, #tpu.memory_space<vmem>>
      %dma_wait3A_239 = arith.constant 0 : i32
      %dma_wait3A_240 = tpu.memref_slice %arg2[%add3A_97, %dma_wait3A_239] : memref<10240x1024xf32, #tpu.memory_space<hbm>> -> memref<40x1024xf32, #tpu.memory_space<hbm>>
      tpu.wait_dma2 semaphore(%run_scoped3A_216 : memref<!tpu.dma_semaphore, #tpu.memory_space<semaphore_mem>>) src(%dma_wait3A_240 : memref<40x1024xf32, #tpu.memory_space<hbm>>) dst(%dma_wait3A_238 : memref<40x1024xf32, #tpu.memory_space<vmem>>)
      tpu.yield
    }) : () -> ()
    %dma_start3A_99 = arith.constant 0 : i32
    %dma_start3A_100 = arith.constant 4 : i32
    %dma_start3A_101 = arith.constant 0 : i32
    %dma_start3A_102 = arith.constant 0 : i32
    %dma_start3A_103 = tpu.memref_slice %arg6[%dma_start3A_99, %dma_start3A_101, %dma_start3A_102] : memref<2x40x1024xf32, #tpu.memory_space<vmem>> -> memref<1x40x1024xf32, #tpu.memory_space<vmem>>
    %dma_start3A_104 = tpu.memref_squeeze %dma_start3A_103 : memref<1x40x1024xf32, #tpu.memory_space<vmem>> -> memref<40x1024xf32, #tpu.memory_space<vmem>>
    %dma_start3A_105 = arith.constant 0 : i32
    %dma_start3A_106 = tpu.memref_slice %arg5[%dma_start3A_100, %dma_start3A_105] : memref<8x40xi32, #tpu.memory_space<vmem>> -> memref<1x40xi32, #tpu.memory_space<vmem>>
    %dma_start3A_107 = tpu.memref_squeeze %dma_start3A_106 : memref<1x40xi32, #tpu.memory_space<vmem>> -> memref<40xi32, #tpu.memory_space<vmem>>
    %dma_start3A_108 = arith.constant 0 : i32
    %dma_start3A_109 = arith.constant 0 : i32
    %dma_start3A_110 = tpu.memref_slice %arg4[%dma_start3A_108, %dma_start3A_109] : memref<8200x1024xf32, #tpu.memory_space<hbm>> -> memref<8200x1024xf32, #tpu.memory_space<hbm>>
    tpu.enqueue_indirect_dma source(%dma_start3A_104 : memref<40x1024xf32, #tpu.memory_space<vmem>>) target(%dma_start3A_110 : memref<8200x1024xf32, #tpu.memory_space<hbm>>) offsets(%dma_start3A_107 : memref<40xi32, #tpu.memory_space<vmem>>) semaphore(%arg7 : memref<!tpu.dma_semaphore, #tpu.memory_space<semaphore_mem>>)
    %dma_wait3A_111 = arith.constant 1 : i32
    %dma_wait3A_112 = arith.constant 3 : i32
    %dma_wait3A_113 = arith.constant 0 : i32
    %dma_wait3A_114 = arith.constant 0 : i32
    %dma_wait3A_115 = tpu.memref_slice %arg6[%dma_wait3A_111, %dma_wait3A_113, %dma_wait3A_114] : memref<2x40x1024xf32, #tpu.memory_space<vmem>> -> memref<1x40x1024xf32, #tpu.memory_space<vmem>>
    %dma_wait3A_116 = tpu.memref_squeeze %dma_wait3A_115 : memref<1x40x1024xf32, #tpu.memory_space<vmem>> -> memref<40x1024xf32, #tpu.memory_space<vmem>>
    %dma_wait3A_117 = arith.constant 0 : i32
    %dma_wait3A_118 = tpu.memref_slice %arg5[%dma_wait3A_112, %dma_wait3A_117] : memref<8x40xi32, #tpu.memory_space<vmem>> -> memref<1x40xi32, #tpu.memory_space<vmem>>
    %dma_wait3A_119 = tpu.memref_squeeze %dma_wait3A_118 : memref<1x40xi32, #tpu.memory_space<vmem>> -> memref<40xi32, #tpu.memory_space<vmem>>
    %dma_wait3A_120 = arith.constant 0 : i32
    %dma_wait3A_121 = arith.constant 0 : i32
    %dma_wait3A_122 = tpu.memref_slice %arg4[%dma_wait3A_120, %dma_wait3A_121] : memref<8200x1024xf32, #tpu.memory_space<hbm>> -> memref<8200x1024xf32, #tpu.memory_space<hbm>>
    tpu.wait_indirect_dma semaphore(%arg8 : memref<!tpu.dma_semaphore, #tpu.memory_space<semaphore_mem>>) src(%dma_wait3A_116 : memref<40x1024xf32, #tpu.memory_space<vmem>>) dst(%dma_wait3A_122 : memref<8200x1024xf32, #tpu.memory_space<hbm>>)
    %add3A_123 = arith.constant 200 : i32
    %add3A_124 = arith.addi %mul3A_2, %add3A_123 : i32
    %run_scoped3A_125 = arith.constant 1 : i32
    "tpu.region"() ({
      %run_scoped3A_216 = tpu.sem_alloc : memref<!tpu.dma_semaphore, #tpu.memory_space<semaphore_mem>>
      %dma_start3A_217 = arith.constant 0 : i32
      %dma_start3A_218 = arith.constant 0 : i32
      %dma_start3A_219 = tpu.memref_slice %arg6[%run_scoped3A_125, %dma_start3A_217, %dma_start3A_218] : memref<2x40x1024xf32, #tpu.memory_space<vmem>> -> memref<1x40x1024xf32, #tpu.memory_space<vmem>>
      %dma_start3A_220 = tpu.memref_squeeze %dma_start3A_219 : memref<1x40x1024xf32, #tpu.memory_space<vmem>> -> memref<40x1024xf32, #tpu.memory_space<vmem>>
      %dma_start3A_221 = arith.constant 0 : i32
      %dma_start3A_222 = tpu.memref_slice %arg2[%add3A_124, %dma_start3A_221] : memref<10240x1024xf32, #tpu.memory_space<hbm>> -> memref<40x1024xf32, #tpu.memory_space<hbm>>
      %dma_start3A_223 = arith.constant 0 : i32
      %dma_start3A_224 = arith.constant 0 : i32
      %dma_start3A_225 = tpu.memref_slice %arg6[%run_scoped3A_125, %dma_start3A_223, %dma_start3A_224] : memref<2x40x1024xf32, #tpu.memory_space<vmem>> -> memref<1x40x1024xf32, #tpu.memory_space<vmem>>
      %dma_start3A_226 = tpu.memref_squeeze %dma_start3A_225 : memref<1x40x1024xf32, #tpu.memory_space<vmem>> -> memref<40x1024xf32, #tpu.memory_space<vmem>>
      %dma_start3A_227 = arith.constant 0 : i32
      %dma_start3A_228 = tpu.memref_slice %arg2[%add3A_124, %dma_start3A_227] : memref<10240x1024xf32, #tpu.memory_space<hbm>> -> memref<40x1024xf32, #tpu.memory_space<hbm>>
      tpu.enqueue_dma source(%dma_start3A_228 : memref<40x1024xf32, #tpu.memory_space<hbm>>) target(%dma_start3A_226 : memref<40x1024xf32, #tpu.memory_space<vmem>>) target_semaphore(%run_scoped3A_216 : memref<!tpu.dma_semaphore, #tpu.memory_space<semaphore_mem>>)
      %dma_wait3A_229 = arith.constant 0 : i32
      %dma_wait3A_230 = arith.constant 0 : i32
      %dma_wait3A_231 = tpu.memref_slice %arg6[%run_scoped3A_125, %dma_wait3A_229, %dma_wait3A_230] : memref<2x40x1024xf32, #tpu.memory_space<vmem>> -> memref<1x40x1024xf32, #tpu.memory_space<vmem>>
      %dma_wait3A_232 = tpu.memref_squeeze %dma_wait3A_231 : memref<1x40x1024xf32, #tpu.memory_space<vmem>> -> memref<40x1024xf32, #tpu.memory_space<vmem>>
      %dma_wait3A_233 = arith.constant 0 : i32
      %dma_wait3A_234 = tpu.memref_slice %arg2[%add3A_124, %dma_wait3A_233] : memref<10240x1024xf32, #tpu.memory_space<hbm>> -> memref<40x1024xf32, #tpu.memory_space<hbm>>
      %dma_wait3A_235 = arith.constant 0 : i32
      %dma_wait3A_236 = arith.constant 0 : i32
      %dma_wait3A_237 = tpu.memref_slice %arg6[%run_scoped3A_125, %dma_wait3A_235, %dma_wait3A_236] : memref<2x40x1024xf32, #tpu.memory_space<vmem>> -> memref<1x40x1024xf32, #tpu.memory_space<vmem>>
      %dma_wait3A_238 = tpu.memref_squeeze %dma_wait3A_237 : memref<1x40x1024xf32, #tpu.memory_space<vmem>> -> memref<40x1024xf32, #tpu.memory_space<vmem>>
      %dma_wait3A_239 = arith.constant 0 : i32
      %dma_wait3A_240 = tpu.memref_slice %arg2[%add3A_124, %dma_wait3A_239] : memref<10240x1024xf32, #tpu.memory_space<hbm>> -> memref<40x1024xf32, #tpu.memory_space<hbm>>
      tpu.wait_dma2 semaphore(%run_scoped3A_216 : memref<!tpu.dma_semaphore, #tpu.memory_space<semaphore_mem>>) src(%dma_wait3A_240 : memref<40x1024xf32, #tpu.memory_space<hbm>>) dst(%dma_wait3A_238 : memref<40x1024xf32, #tpu.memory_space<vmem>>)
      tpu.yield
    }) : () -> ()
    %dma_start3A_126 = arith.constant 1 : i32
    %dma_start3A_127 = arith.constant 5 : i32
    %dma_start3A_128 = arith.constant 0 : i32
    %dma_start3A_129 = arith.constant 0 : i32
    %dma_start3A_130 = tpu.memref_slice %arg6[%dma_start3A_126, %dma_start3A_128, %dma_start3A_129] : memref<2x40x1024xf32, #tpu.memory_space<vmem>> -> memref<1x40x1024xf32, #tpu.memory_space<vmem>>
    %dma_start3A_131 = tpu.memref_squeeze %dma_start3A_130 : memref<1x40x1024xf32, #tpu.memory_space<vmem>> -> memref<40x1024xf32, #tpu.memory_space<vmem>>
    %dma_start3A_132 = arith.constant 0 : i32
    %dma_start3A_133 = tpu.memref_slice %arg5[%dma_start3A_127, %dma_start3A_132] : memref<8x40xi32, #tpu.memory_space<vmem>> -> memref<1x40xi32, #tpu.memory_space<vmem>>
    %dma_start3A_134 = tpu.memref_squeeze %dma_start3A_133 : memref<1x40xi32, #tpu.memory_space<vmem>> -> memref<40xi32, #tpu.memory_space<vmem>>
    %dma_start3A_135 = arith.constant 0 : i32
    %dma_start3A_136 = arith.constant 0 : i32
    %dma_start3A_137 = tpu.memref_slice %arg4[%dma_start3A_135, %dma_start3A_136] : memref<8200x1024xf32, #tpu.memory_space<hbm>> -> memref<8200x1024xf32, #tpu.memory_space<hbm>>
    tpu.enqueue_indirect_dma source(%dma_start3A_131 : memref<40x1024xf32, #tpu.memory_space<vmem>>) target(%dma_start3A_137 : memref<8200x1024xf32, #tpu.memory_space<hbm>>) offsets(%dma_start3A_134 : memref<40xi32, #tpu.memory_space<vmem>>) semaphore(%arg8 : memref<!tpu.dma_semaphore, #tpu.memory_space<semaphore_mem>>)
    %dma_wait3A_138 = arith.constant 0 : i32
    %dma_wait3A_139 = arith.constant 4 : i32
    %dma_wait3A_140 = arith.constant 0 : i32
    %dma_wait3A_141 = arith.constant 0 : i32
    %dma_wait3A_142 = tpu.memref_slice %arg6[%dma_wait3A_138, %dma_wait3A_140, %dma_wait3A_141] : memref<2x40x1024xf32, #tpu.memory_space<vmem>> -> memref<1x40x1024xf32, #tpu.memory_space<vmem>>
    %dma_wait3A_143 = tpu.memref_squeeze %dma_wait3A_142 : memref<1x40x1024xf32, #tpu.memory_space<vmem>> -> memref<40x1024xf32, #tpu.memory_space<vmem>>
    %dma_wait3A_144 = arith.constant 0 : i32
    %dma_wait3A_145 = tpu.memref_slice %arg5[%dma_wait3A_139, %dma_wait3A_144] : memref<8x40xi32, #tpu.memory_space<vmem>> -> memref<1x40xi32, #tpu.memory_space<vmem>>
    %dma_wait3A_146 = tpu.memref_squeeze %dma_wait3A_145 : memref<1x40xi32, #tpu.memory_space<vmem>> -> memref<40xi32, #tpu.memory_space<vmem>>
    %dma_wait3A_147 = arith.constant 0 : i32
    %dma_wait3A_148 = arith.constant 0 : i32
    %dma_wait3A_149 = tpu.memref_slice %arg4[%dma_wait3A_147, %dma_wait3A_148] : memref<8200x1024xf32, #tpu.memory_space<hbm>> -> memref<8200x1024xf32, #tpu.memory_space<hbm>>
    tpu.wait_indirect_dma semaphore(%arg7 : memref<!tpu.dma_semaphore, #tpu.memory_space<semaphore_mem>>) src(%dma_wait3A_143 : memref<40x1024xf32, #tpu.memory_space<vmem>>) dst(%dma_wait3A_149 : memref<8200x1024xf32, #tpu.memory_space<hbm>>)
    %add3A_150 = arith.constant 240 : i32
    %add3A_151 = arith.addi %mul3A_2, %add3A_150 : i32
    %run_scoped3A_152 = arith.constant 0 : i32
    "tpu.region"() ({
      %run_scoped3A_216 = tpu.sem_alloc : memref<!tpu.dma_semaphore, #tpu.memory_space<semaphore_mem>>
      %dma_start3A_217 = arith.constant 0 : i32
      %dma_start3A_218 = arith.constant 0 : i32
      %dma_start3A_219 = tpu.memref_slice %arg6[%run_scoped3A_152, %dma_start3A_217, %dma_start3A_218] : memref<2x40x1024xf32, #tpu.memory_space<vmem>> -> memref<1x40x1024xf32, #tpu.memory_space<vmem>>
      %dma_start3A_220 = tpu.memref_squeeze %dma_start3A_219 : memref<1x40x1024xf32, #tpu.memory_space<vmem>> -> memref<40x1024xf32, #tpu.memory_space<vmem>>
      %dma_start3A_221 = arith.constant 0 : i32
      %dma_start3A_222 = tpu.memref_slice %arg2[%add3A_151, %dma_start3A_221] : memref<10240x1024xf32, #tpu.memory_space<hbm>> -> memref<40x1024xf32, #tpu.memory_space<hbm>>
      %dma_start3A_223 = arith.constant 0 : i32
      %dma_start3A_224 = arith.constant 0 : i32
      %dma_start3A_225 = tpu.memref_slice %arg6[%run_scoped3A_152, %dma_start3A_223, %dma_start3A_224] : memref<2x40x1024xf32, #tpu.memory_space<vmem>> -> memref<1x40x1024xf32, #tpu.memory_space<vmem>>
      %dma_start3A_226 = tpu.memref_squeeze %dma_start3A_225 : memref<1x40x1024xf32, #tpu.memory_space<vmem>> -> memref<40x1024xf32, #tpu.memory_space<vmem>>
      %dma_start3A_227 = arith.constant 0 : i32
      %dma_start3A_228 = tpu.memref_slice %arg2[%add3A_151, %dma_start3A_227] : memref<10240x1024xf32, #tpu.memory_space<hbm>> -> memref<40x1024xf32, #tpu.memory_space<hbm>>
      tpu.enqueue_dma source(%dma_start3A_228 : memref<40x1024xf32, #tpu.memory_space<hbm>>) target(%dma_start3A_226 : memref<40x1024xf32, #tpu.memory_space<vmem>>) target_semaphore(%run_scoped3A_216 : memref<!tpu.dma_semaphore, #tpu.memory_space<semaphore_mem>>)
      %dma_wait3A_229 = arith.constant 0 : i32
      %dma_wait3A_230 = arith.constant 0 : i32
      %dma_wait3A_231 = tpu.memref_slice %arg6[%run_scoped3A_152, %dma_wait3A_229, %dma_wait3A_230] : memref<2x40x1024xf32, #tpu.memory_space<vmem>> -> memref<1x40x1024xf32, #tpu.memory_space<vmem>>
      %dma_wait3A_232 = tpu.memref_squeeze %dma_wait3A_231 : memref<1x40x1024xf32, #tpu.memory_space<vmem>> -> memref<40x1024xf32, #tpu.memory_space<vmem>>
      %dma_wait3A_233 = arith.constant 0 : i32
      %dma_wait3A_234 = tpu.memref_slice %arg2[%add3A_151, %dma_wait3A_233] : memref<10240x1024xf32, #tpu.memory_space<hbm>> -> memref<40x1024xf32, #tpu.memory_space<hbm>>
      %dma_wait3A_235 = arith.constant 0 : i32
      %dma_wait3A_236 = arith.constant 0 : i32
      %dma_wait3A_237 = tpu.memref_slice %arg6[%run_scoped3A_152, %dma_wait3A_235, %dma_wait3A_236] : memref<2x40x1024xf32, #tpu.memory_space<vmem>> -> memref<1x40x1024xf32, #tpu.memory_space<vmem>>
      %dma_wait3A_238 = tpu.memref_squeeze %dma_wait3A_237 : memref<1x40x1024xf32, #tpu.memory_space<vmem>> -> memref<40x1024xf32, #tpu.memory_space<vmem>>
      %dma_wait3A_239 = arith.constant 0 : i32
      %dma_wait3A_240 = tpu.memref_slice %arg2[%add3A_151, %dma_wait3A_239] : memref<10240x1024xf32, #tpu.memory_space<hbm>> -> memref<40x1024xf32, #tpu.memory_space<hbm>>
      tpu.wait_dma2 semaphore(%run_scoped3A_216 : memref<!tpu.dma_semaphore, #tpu.memory_space<semaphore_mem>>) src(%dma_wait3A_240 : memref<40x1024xf32, #tpu.memory_space<hbm>>) dst(%dma_wait3A_238 : memref<40x1024xf32, #tpu.memory_space<vmem>>)
      tpu.yield
    }) : () -> ()
    %dma_start3A_153 = arith.constant 0 : i32
    %dma_start3A_154 = arith.constant 6 : i32
    %dma_start3A_155 = arith.constant 0 : i32
    %dma_start3A_156 = arith.constant 0 : i32
    %dma_start3A_157 = tpu.memref_slice %arg6[%dma_start3A_153, %dma_start3A_155, %dma_start3A_156] : memref<2x40x1024xf32, #tpu.memory_space<vmem>> -> memref<1x40x1024xf32, #tpu.memory_space<vmem>>
    %dma_start3A_158 = tpu.memref_squeeze %dma_start3A_157 : memref<1x40x1024xf32, #tpu.memory_space<vmem>> -> memref<40x1024xf32, #tpu.memory_space<vmem>>
    %dma_start3A_159 = arith.constant 0 : i32
    %dma_start3A_160 = tpu.memref_slice %arg5[%dma_start3A_154, %dma_start3A_159] : memref<8x40xi32, #tpu.memory_space<vmem>> -> memref<1x40xi32, #tpu.memory_space<vmem>>
    %dma_start3A_161 = tpu.memref_squeeze %dma_start3A_160 : memref<1x40xi32, #tpu.memory_space<vmem>> -> memref<40xi32, #tpu.memory_space<vmem>>
    %dma_start3A_162 = arith.constant 0 : i32
    %dma_start3A_163 = arith.constant 0 : i32
    %dma_start3A_164 = tpu.memref_slice %arg4[%dma_start3A_162, %dma_start3A_163] : memref<8200x1024xf32, #tpu.memory_space<hbm>> -> memref<8200x1024xf32, #tpu.memory_space<hbm>>
    tpu.enqueue_indirect_dma source(%dma_start3A_158 : memref<40x1024xf32, #tpu.memory_space<vmem>>) target(%dma_start3A_164 : memref<8200x1024xf32, #tpu.memory_space<hbm>>) offsets(%dma_start3A_161 : memref<40xi32, #tpu.memory_space<vmem>>) semaphore(%arg7 : memref<!tpu.dma_semaphore, #tpu.memory_space<semaphore_mem>>)
    %dma_wait3A_165 = arith.constant 1 : i32
    %dma_wait3A_166 = arith.constant 5 : i32
    %dma_wait3A_167 = arith.constant 0 : i32
    %dma_wait3A_168 = arith.constant 0 : i32
    %dma_wait3A_169 = tpu.memref_slice %arg6[%dma_wait3A_165, %dma_wait3A_167, %dma_wait3A_168] : memref<2x40x1024xf32, #tpu.memory_space<vmem>> -> memref<1x40x1024xf32, #tpu.memory_space<vmem>>
    %dma_wait3A_170 = tpu.memref_squeeze %dma_wait3A_169 : memref<1x40x1024xf32, #tpu.memory_space<vmem>> -> memref<40x1024xf32, #tpu.memory_space<vmem>>
    %dma_wait3A_171 = arith.constant 0 : i32
    %dma_wait3A_172 = tpu.memref_slice %arg5[%dma_wait3A_166, %dma_wait3A_171] : memref<8x40xi32, #tpu.memory_space<vmem>> -> memref<1x40xi32, #tpu.memory_space<vmem>>
    %dma_wait3A_173 = tpu.memref_squeeze %dma_wait3A_172 : memref<1x40xi32, #tpu.memory_space<vmem>> -> memref<40xi32, #tpu.memory_space<vmem>>
    %dma_wait3A_174 = arith.constant 0 : i32
    %dma_wait3A_175 = arith.constant 0 : i32
    %dma_wait3A_176 = tpu.memref_slice %arg4[%dma_wait3A_174, %dma_wait3A_175] : memref<8200x1024xf32, #tpu.memory_space<hbm>> -> memref<8200x1024xf32, #tpu.memory_space<hbm>>
    tpu.wait_indirect_dma semaphore(%arg8 : memref<!tpu.dma_semaphore, #tpu.memory_space<semaphore_mem>>) src(%dma_wait3A_170 : memref<40x1024xf32, #tpu.memory_space<vmem>>) dst(%dma_wait3A_176 : memref<8200x1024xf32, #tpu.memory_space<hbm>>)
    %add3A_177 = arith.constant 280 : i32
    %add3A_178 = arith.addi %mul3A_2, %add3A_177 : i32
    %run_scoped3A_179 = arith.constant 1 : i32
    "tpu.region"() ({
      %run_scoped3A_216 = tpu.sem_alloc : memref<!tpu.dma_semaphore, #tpu.memory_space<semaphore_mem>>
      %dma_start3A_217 = arith.constant 0 : i32
      %dma_start3A_218 = arith.constant 0 : i32
      %dma_start3A_219 = tpu.memref_slice %arg6[%run_scoped3A_179, %dma_start3A_217, %dma_start3A_218] : memref<2x40x1024xf32, #tpu.memory_space<vmem>> -> memref<1x40x1024xf32, #tpu.memory_space<vmem>>
      %dma_start3A_220 = tpu.memref_squeeze %dma_start3A_219 : memref<1x40x1024xf32, #tpu.memory_space<vmem>> -> memref<40x1024xf32, #tpu.memory_space<vmem>>
      %dma_start3A_221 = arith.constant 0 : i32
      %dma_start3A_222 = tpu.memref_slice %arg2[%add3A_178, %dma_start3A_221] : memref<10240x1024xf32, #tpu.memory_space<hbm>> -> memref<40x1024xf32, #tpu.memory_space<hbm>>
      %dma_start3A_223 = arith.constant 0 : i32
      %dma_start3A_224 = arith.constant 0 : i32
      %dma_start3A_225 = tpu.memref_slice %arg6[%run_scoped3A_179, %dma_start3A_223, %dma_start3A_224] : memref<2x40x1024xf32, #tpu.memory_space<vmem>> -> memref<1x40x1024xf32, #tpu.memory_space<vmem>>
      %dma_start3A_226 = tpu.memref_squeeze %dma_start3A_225 : memref<1x40x1024xf32, #tpu.memory_space<vmem>> -> memref<40x1024xf32, #tpu.memory_space<vmem>>
      %dma_start3A_227 = arith.constant 0 : i32
      %dma_start3A_228 = tpu.memref_slice %arg2[%add3A_178, %dma_start3A_227] : memref<10240x1024xf32, #tpu.memory_space<hbm>> -> memref<40x1024xf32, #tpu.memory_space<hbm>>
      tpu.enqueue_dma source(%dma_start3A_228 : memref<40x1024xf32, #tpu.memory_space<hbm>>) target(%dma_start3A_226 : memref<40x1024xf32, #tpu.memory_space<vmem>>) target_semaphore(%run_scoped3A_216 : memref<!tpu.dma_semaphore, #tpu.memory_space<semaphore_mem>>)
      %dma_wait3A_229 = arith.constant 0 : i32
      %dma_wait3A_230 = arith.constant 0 : i32
      %dma_wait3A_231 = tpu.memref_slice %arg6[%run_scoped3A_179, %dma_wait3A_229, %dma_wait3A_230] : memref<2x40x1024xf32, #tpu.memory_space<vmem>> -> memref<1x40x1024xf32, #tpu.memory_space<vmem>>
      %dma_wait3A_232 = tpu.memref_squeeze %dma_wait3A_231 : memref<1x40x1024xf32, #tpu.memory_space<vmem>> -> memref<40x1024xf32, #tpu.memory_space<vmem>>
      %dma_wait3A_233 = arith.constant 0 : i32
      %dma_wait3A_234 = tpu.memref_slice %arg2[%add3A_178, %dma_wait3A_233] : memref<10240x1024xf32, #tpu.memory_space<hbm>> -> memref<40x1024xf32, #tpu.memory_space<hbm>>
      %dma_wait3A_235 = arith.constant 0 : i32
      %dma_wait3A_236 = arith.constant 0 : i32
      %dma_wait3A_237 = tpu.memref_slice %arg6[%run_scoped3A_179, %dma_wait3A_235, %dma_wait3A_236] : memref<2x40x1024xf32, #tpu.memory_space<vmem>> -> memref<1x40x1024xf32, #tpu.memory_space<vmem>>
      %dma_wait3A_238 = tpu.memref_squeeze %dma_wait3A_237 : memref<1x40x1024xf32, #tpu.memory_space<vmem>> -> memref<40x1024xf32, #tpu.memory_space<vmem>>
      %dma_wait3A_239 = arith.constant 0 : i32
      %dma_wait3A_240 = tpu.memref_slice %arg2[%add3A_178, %dma_wait3A_239] : memref<10240x1024xf32, #tpu.memory_space<hbm>> -> memref<40x1024xf32, #tpu.memory_space<hbm>>
      tpu.wait_dma2 semaphore(%run_scoped3A_216 : memref<!tpu.dma_semaphore, #tpu.memory_space<semaphore_mem>>) src(%dma_wait3A_240 : memref<40x1024xf32, #tpu.memory_space<hbm>>) dst(%dma_wait3A_238 : memref<40x1024xf32, #tpu.memory_space<vmem>>)
      tpu.yield
    }) : () -> ()
    %dma_start3A_180 = arith.constant 1 : i32
    %dma_start3A_181 = arith.constant 7 : i32
    %dma_start3A_182 = arith.constant 0 : i32
    %dma_start3A_183 = arith.constant 0 : i32
    %dma_start3A_184 = tpu.memref_slice %arg6[%dma_start3A_180, %dma_start3A_182, %dma_start3A_183] : memref<2x40x1024xf32, #tpu.memory_space<vmem>> -> memref<1x40x1024xf32, #tpu.memory_space<vmem>>
    %dma_start3A_185 = tpu.memref_squeeze %dma_start3A_184 : memref<1x40x1024xf32, #tpu.memory_space<vmem>> -> memref<40x1024xf32, #tpu.memory_space<vmem>>
    %dma_start3A_186 = arith.constant 0 : i32
    %dma_start3A_187 = tpu.memref_slice %arg5[%dma_start3A_181, %dma_start3A_186] : memref<8x40xi32, #tpu.memory_space<vmem>> -> memref<1x40xi32, #tpu.memory_space<vmem>>
    %dma_start3A_188 = tpu.memref_squeeze %dma_start3A_187 : memref<1x40xi32, #tpu.memory_space<vmem>> -> memref<40xi32, #tpu.memory_space<vmem>>
    %dma_start3A_189 = arith.constant 0 : i32
    %dma_start3A_190 = arith.constant 0 : i32
    %dma_start3A_191 = tpu.memref_slice %arg4[%dma_start3A_189, %dma_start3A_190] : memref<8200x1024xf32, #tpu.memory_space<hbm>> -> memref<8200x1024xf32, #tpu.memory_space<hbm>>
    tpu.enqueue_indirect_dma source(%dma_start3A_185 : memref<40x1024xf32, #tpu.memory_space<vmem>>) target(%dma_start3A_191 : memref<8200x1024xf32, #tpu.memory_space<hbm>>) offsets(%dma_start3A_188 : memref<40xi32, #tpu.memory_space<vmem>>) semaphore(%arg8 : memref<!tpu.dma_semaphore, #tpu.memory_space<semaphore_mem>>)
    %dma_wait3A_192 = arith.constant 0 : i32
    %dma_wait3A_193 = arith.constant 6 : i32
    %dma_wait3A_194 = arith.constant 0 : i32
    %dma_wait3A_195 = arith.constant 0 : i32
    %dma_wait3A_196 = tpu.memref_slice %arg6[%dma_wait3A_192, %dma_wait3A_194, %dma_wait3A_195] : memref<2x40x1024xf32, #tpu.memory_space<vmem>> -> memref<1x40x1024xf32, #tpu.memory_space<vmem>>
    %dma_wait3A_197 = tpu.memref_squeeze %dma_wait3A_196 : memref<1x40x1024xf32, #tpu.memory_space<vmem>> -> memref<40x1024xf32, #tpu.memory_space<vmem>>
    %dma_wait3A_198 = arith.constant 0 : i32
    %dma_wait3A_199 = tpu.memref_slice %arg5[%dma_wait3A_193, %dma_wait3A_198] : memref<8x40xi32, #tpu.memory_space<vmem>> -> memref<1x40xi32, #tpu.memory_space<vmem>>
    %dma_wait3A_200 = tpu.memref_squeeze %dma_wait3A_199 : memref<1x40xi32, #tpu.memory_space<vmem>> -> memref<40xi32, #tpu.memory_space<vmem>>
    %dma_wait3A_201 = arith.constant 0 : i32
    %dma_wait3A_202 = arith.constant 0 : i32
    %dma_wait3A_203 = tpu.memref_slice %arg4[%dma_wait3A_201, %dma_wait3A_202] : memref<8200x1024xf32, #tpu.memory_space<hbm>> -> memref<8200x1024xf32, #tpu.memory_space<hbm>>
    tpu.wait_indirect_dma semaphore(%arg7 : memref<!tpu.dma_semaphore, #tpu.memory_space<semaphore_mem>>) src(%dma_wait3A_197 : memref<40x1024xf32, #tpu.memory_space<vmem>>) dst(%dma_wait3A_203 : memref<8200x1024xf32, #tpu.memory_space<hbm>>)
    %dma_wait3A_204 = arith.constant 1 : i32
    %dma_wait3A_205 = arith.constant 7 : i32
    %dma_wait3A_206 = arith.constant 0 : i32
    %dma_wait3A_207 = arith.constant 0 : i32
    %dma_wait3A_208 = tpu.memref_slice %arg6[%dma_wait3A_204, %dma_wait3A_206, %dma_wait3A_207] : memref<2x40x1024xf32, #tpu.memory_space<vmem>> -> memref<1x40x1024xf32, #tpu.memory_space<vmem>>
    %dma_wait3A_209 = tpu.memref_squeeze %dma_wait3A_208 : memref<1x40x1024xf32, #tpu.memory_space<vmem>> -> memref<40x1024xf32, #tpu.memory_space<vmem>>
    %dma_wait3A_210 = arith.constant 0 : i32
    %dma_wait3A_211 = tpu.memref_slice %arg5[%dma_wait3A_205, %dma_wait3A_210] : memref<8x40xi32, #tpu.memory_space<vmem>> -> memref<1x40xi32, #tpu.memory_space<vmem>>
    %dma_wait3A_212 = tpu.memref_squeeze %dma_wait3A_211 : memref<1x40xi32, #tpu.memory_space<vmem>> -> memref<40xi32, #tpu.memory_space<vmem>>
    %dma_wait3A_213 = arith.constant 0 : i32
    %dma_wait3A_214 = arith.constant 0 : i32
    %dma_wait3A_215 = tpu.memref_slice %arg4[%dma_wait3A_213, %dma_wait3A_214] : memref<8200x1024xf32, #tpu.memory_space<hbm>> -> memref<8200x1024xf32, #tpu.memory_space<hbm>>
    tpu.wait_indirect_dma semaphore(%arg8 : memref<!tpu.dma_semaphore, #tpu.memory_space<semaphore_mem>>) src(%dma_wait3A_209 : memref<40x1024xf32, #tpu.memory_space<vmem>>) dst(%dma_wait3A_215 : memref<8200x1024xf32, #tpu.memory_space<hbm>>)
    return
  }
}

#map = affine_map<(d0, d1) -> (0, 0)>
#map1 = affine_map<(d0, d1) -> (0, 0, 0)>
module attributes {stable_mosaic.version = 14 : i64} {
  func.func @k(%arg0: i32, %arg1: i32, %arg2: memref<4096x1024xf32, #tpu.memory_space<hbm>>, %arg3: memref<32x8x40xi32, #tpu.memory_space<hbm>>, %arg4: memref<10240x1024xf32, #tpu.memory_space<hbm>>, %arg5: memref<8x40xi32, #tpu.memory_space<vmem>>, %arg6: memref<2x40x1024xf32, #tpu.memory_space<vmem>>, %arg7: memref<!tpu.dma_semaphore, #tpu.memory_space<semaphore_mem>>, %arg8: memref<!tpu.dma_semaphore, #tpu.memory_space<semaphore_mem>>) attributes {dimension_semantics = [#tpu.dimension_semantics<core_parallel>, #tpu.dimension_semantics<subcore_parallel>], iteration_bounds = array<i64: 2, 16>, scalar_prefetch = 0 : i64, scratch_operands = 4 : i64, tpu.core_type = #tpu.core_type<sc_vector_subcore>, window_params = [{transform_indices = #map}, {transform_indices = #map1}, {transform_indices = #map}]} {
    %mul3A = arith.constant 2 : i32
    %mul3A_0 = arith.muli %arg1, %mul3A : i32
    %add3A = arith.addi %mul3A_0, %arg0 : i32
    %mul3A_1 = arith.constant 320 : i32
    %mul3A_2 = arith.muli %add3A, %mul3A_1 : i32
    "tpu.region"() ({
      %run_scoped3A_216 = tpu.sem_alloc : memref<!tpu.dma_semaphore, #tpu.memory_space<semaphore_mem>>
      %dma_start3A_217 = arith.constant 0 : i32
      %dma_start3A_218 = arith.constant 0 : i32
      %dma_start3A_219 = tpu.memref_slice %arg3[%add3A, %dma_start3A_217, %dma_start3A_218] : memref<32x8x40xi32, #tpu.memory_space<hbm>> -> memref<1x8x40xi32, #tpu.memory_space<hbm>>
      %dma_start3A_220 = tpu.memref_squeeze %dma_start3A_219 : memref<1x8x40xi32, #tpu.memory_space<hbm>> -> memref<8x40xi32, #tpu.memory_space<hbm>>
      %dma_start3A_221 = arith.constant 0 : i32
      %dma_start3A_222 = arith.constant 0 : i32
      %dma_start3A_223 = tpu.memref_slice %arg3[%add3A, %dma_start3A_221, %dma_start3A_222] : memref<32x8x40xi32, #tpu.memory_space<hbm>> -> memref<1x8x40xi32, #tpu.memory_space<hbm>>
      %dma_start3A_224 = tpu.memref_squeeze %dma_start3A_223 : memref<1x8x40xi32, #tpu.memory_space<hbm>> -> memref<8x40xi32, #tpu.memory_space<hbm>>
      tpu.enqueue_dma source(%dma_start3A_224 : memref<8x40xi32, #tpu.memory_space<hbm>>) target(%arg5 : memref<8x40xi32, #tpu.memory_space<vmem>>) target_semaphore(%run_scoped3A_216 : memref<!tpu.dma_semaphore, #tpu.memory_space<semaphore_mem>>)
      %dma_wait3A_225 = arith.constant 0 : i32
      %dma_wait3A_226 = arith.constant 0 : i32
      %dma_wait3A_227 = tpu.memref_slice %arg3[%add3A, %dma_wait3A_225, %dma_wait3A_226] : memref<32x8x40xi32, #tpu.memory_space<hbm>> -> memref<1x8x40xi32, #tpu.memory_space<hbm>>
      %dma_wait3A_228 = tpu.memref_squeeze %dma_wait3A_227 : memref<1x8x40xi32, #tpu.memory_space<hbm>> -> memref<8x40xi32, #tpu.memory_space<hbm>>
      %dma_wait3A_229 = arith.constant 0 : i32
      %dma_wait3A_230 = arith.constant 0 : i32
      %dma_wait3A_231 = tpu.memref_slice %arg3[%add3A, %dma_wait3A_229, %dma_wait3A_230] : memref<32x8x40xi32, #tpu.memory_space<hbm>> -> memref<1x8x40xi32, #tpu.memory_space<hbm>>
      %dma_wait3A_232 = tpu.memref_squeeze %dma_wait3A_231 : memref<1x8x40xi32, #tpu.memory_space<hbm>> -> memref<8x40xi32, #tpu.memory_space<hbm>>
      tpu.wait_dma2 semaphore(%run_scoped3A_216 : memref<!tpu.dma_semaphore, #tpu.memory_space<semaphore_mem>>) src(%dma_wait3A_232 : memref<8x40xi32, #tpu.memory_space<hbm>>) dst(%arg5 : memref<8x40xi32, #tpu.memory_space<vmem>>)
      tpu.yield
    }) : () -> ()
    %dma_start3A = arith.constant 0 : i32
    %dma_start3A_3 = arith.constant 0 : i32
    %dma_start3A_4 = arith.constant 0 : i32
    %dma_start3A_5 = arith.constant 0 : i32
    %dma_start3A_6 = tpu.memref_slice %arg6[%dma_start3A_3, %dma_start3A_4, %dma_start3A_5] : memref<2x40x1024xf32, #tpu.memory_space<vmem>> -> memref<1x40x1024xf32, #tpu.memory_space<vmem>>
    %dma_start3A_7 = tpu.memref_squeeze %dma_start3A_6 : memref<1x40x1024xf32, #tpu.memory_space<vmem>> -> memref<40x1024xf32, #tpu.memory_space<vmem>>
    %dma_start3A_8 = arith.constant 0 : i32
    %dma_start3A_9 = tpu.memref_slice %arg5[%dma_start3A, %dma_start3A_8] : memref<8x40xi32, #tpu.memory_space<vmem>> -> memref<1x40xi32, #tpu.memory_space<vmem>>
    %dma_start3A_10 = tpu.memref_squeeze %dma_start3A_9 : memref<1x40xi32, #tpu.memory_space<vmem>> -> memref<40xi32, #tpu.memory_space<vmem>>
    %dma_start3A_11 = arith.constant 0 : i32
    %dma_start3A_12 = arith.constant 0 : i32
    %dma_start3A_13 = tpu.memref_slice %arg2[%dma_start3A_11, %dma_start3A_12] : memref<4096x1024xf32, #tpu.memory_space<hbm>> -> memref<4096x1024xf32, #tpu.memory_space<hbm>>
    tpu.enqueue_indirect_dma source(%dma_start3A_13 : memref<4096x1024xf32, #tpu.memory_space<hbm>>) target(%dma_start3A_7 : memref<40x1024xf32, #tpu.memory_space<vmem>>) offsets(%dma_start3A_10 : memref<40xi32, #tpu.memory_space<vmem>>) semaphore(%arg7 : memref<!tpu.dma_semaphore, #tpu.memory_space<semaphore_mem>>)
    %dma_wait3A = arith.constant 0 : i32
    %dma_wait3A_14 = arith.constant 0 : i32
    %dma_wait3A_15 = arith.constant 0 : i32
    %dma_wait3A_16 = arith.constant 0 : i32
    %dma_wait3A_17 = tpu.memref_slice %arg6[%dma_wait3A_14, %dma_wait3A_15, %dma_wait3A_16] : memref<2x40x1024xf32, #tpu.memory_space<vmem>> -> memref<1x40x1024xf32, #tpu.memory_space<vmem>>
    %dma_wait3A_18 = tpu.memref_squeeze %dma_wait3A_17 : memref<1x40x1024xf32, #tpu.memory_space<vmem>> -> memref<40x1024xf32, #tpu.memory_space<vmem>>
    %dma_wait3A_19 = arith.constant 0 : i32
    %dma_wait3A_20 = tpu.memref_slice %arg5[%dma_wait3A, %dma_wait3A_19] : memref<8x40xi32, #tpu.memory_space<vmem>> -> memref<1x40xi32, #tpu.memory_space<vmem>>
    %dma_wait3A_21 = tpu.memref_squeeze %dma_wait3A_20 : memref<1x40xi32, #tpu.memory_space<vmem>> -> memref<40xi32, #tpu.memory_space<vmem>>
    %dma_wait3A_22 = arith.constant 0 : i32
    %dma_wait3A_23 = arith.constant 0 : i32
    %dma_wait3A_24 = tpu.memref_slice %arg2[%dma_wait3A_22, %dma_wait3A_23] : memref<4096x1024xf32, #tpu.memory_space<hbm>> -> memref<4096x1024xf32, #tpu.memory_space<hbm>>
    tpu.wait_indirect_dma semaphore(%arg7 : memref<!tpu.dma_semaphore, #tpu.memory_space<semaphore_mem>>) src(%dma_wait3A_24 : memref<4096x1024xf32, #tpu.memory_space<hbm>>) dst(%dma_wait3A_18 : memref<40x1024xf32, #tpu.memory_space<vmem>>)
    %dma_start3A_25 = arith.constant 1 : i32
    %dma_start3A_26 = arith.constant 1 : i32
    %dma_start3A_27 = arith.constant 0 : i32
    %dma_start3A_28 = arith.constant 0 : i32
    %dma_start3A_29 = tpu.memref_slice %arg6[%dma_start3A_26, %dma_start3A_27, %dma_start3A_28] : memref<2x40x1024xf32, #tpu.memory_space<vmem>> -> memref<1x40x1024xf32, #tpu.memory_space<vmem>>
    %dma_start3A_30 = tpu.memref_squeeze %dma_start3A_29 : memref<1x40x1024xf32, #tpu.memory_space<vmem>> -> memref<40x1024xf32, #tpu.memory_space<vmem>>
    %dma_start3A_31 = arith.constant 0 : i32
    %dma_start3A_32 = tpu.memref_slice %arg5[%dma_start3A_25, %dma_start3A_31] : memref<8x40xi32, #tpu.memory_space<vmem>> -> memref<1x40xi32, #tpu.memory_space<vmem>>
    %dma_start3A_33 = tpu.memref_squeeze %dma_start3A_32 : memref<1x40xi32, #tpu.memory_space<vmem>> -> memref<40xi32, #tpu.memory_space<vmem>>
    %dma_start3A_34 = arith.constant 0 : i32
    %dma_start3A_35 = arith.constant 0 : i32
    %dma_start3A_36 = tpu.memref_slice %arg2[%dma_start3A_34, %dma_start3A_35] : memref<4096x1024xf32, #tpu.memory_space<hbm>> -> memref<4096x1024xf32, #tpu.memory_space<hbm>>
    tpu.enqueue_indirect_dma source(%dma_start3A_36 : memref<4096x1024xf32, #tpu.memory_space<hbm>>) target(%dma_start3A_30 : memref<40x1024xf32, #tpu.memory_space<vmem>>) offsets(%dma_start3A_33 : memref<40xi32, #tpu.memory_space<vmem>>) semaphore(%arg8 : memref<!tpu.dma_semaphore, #tpu.memory_space<semaphore_mem>>)
    %add3A_37 = arith.constant 0 : i32
    %add3A_38 = arith.addi %mul3A_2, %add3A_37 : i32
    %run_scoped3A = arith.constant 0 : i32
    "tpu.region"() ({
      %run_scoped3A_216 = tpu.sem_alloc : memref<!tpu.dma_semaphore, #tpu.memory_space<semaphore_mem>>
      %dma_start3A_217 = arith.constant 0 : i32
      %dma_start3A_218 = arith.constant 0 : i32
      %dma_start3A_219 = tpu.memref_slice %arg6[%run_scoped3A, %dma_start3A_217, %dma_start3A_218] : memref<2x40x1024xf32, #tpu.memory_space<vmem>> -> memref<1x40x1024xf32, #tpu.memory_space<vmem>>
      %dma_start3A_220 = tpu.memref_squeeze %dma_start3A_219 : memref<1x40x1024xf32, #tpu.memory_space<vmem>> -> memref<40x1024xf32, #tpu.memory_space<vmem>>
      %dma_start3A_221 = arith.constant 0 : i32
      %dma_start3A_222 = tpu.memref_slice %arg4[%add3A_38, %dma_start3A_221] : memref<10240x1024xf32, #tpu.memory_space<hbm>> -> memref<40x1024xf32, #tpu.memory_space<hbm>>
      %dma_start3A_223 = arith.constant 0 : i32
      %dma_start3A_224 = tpu.memref_slice %arg4[%add3A_38, %dma_start3A_223] : memref<10240x1024xf32, #tpu.memory_space<hbm>> -> memref<40x1024xf32, #tpu.memory_space<hbm>>
      %dma_start3A_225 = arith.constant 0 : i32
      %dma_start3A_226 = arith.constant 0 : i32
      %dma_start3A_227 = tpu.memref_slice %arg6[%run_scoped3A, %dma_start3A_225, %dma_start3A_226] : memref<2x40x1024xf32, #tpu.memory_space<vmem>> -> memref<1x40x1024xf32, #tpu.memory_space<vmem>>
      %dma_start3A_228 = tpu.memref_squeeze %dma_start3A_227 : memref<1x40x1024xf32, #tpu.memory_space<vmem>> -> memref<40x1024xf32, #tpu.memory_space<vmem>>
      tpu.enqueue_dma source(%dma_start3A_228 : memref<40x1024xf32, #tpu.memory_space<vmem>>) target(%dma_start3A_224 : memref<40x1024xf32, #tpu.memory_space<hbm>>) target_semaphore(%run_scoped3A_216 : memref<!tpu.dma_semaphore, #tpu.memory_space<semaphore_mem>>)
      %dma_wait3A_229 = arith.constant 0 : i32
      %dma_wait3A_230 = arith.constant 0 : i32
      %dma_wait3A_231 = tpu.memref_slice %arg6[%run_scoped3A, %dma_wait3A_229, %dma_wait3A_230] : memref<2x40x1024xf32, #tpu.memory_space<vmem>> -> memref<1x40x1024xf32, #tpu.memory_space<vmem>>
      %dma_wait3A_232 = tpu.memref_squeeze %dma_wait3A_231 : memref<1x40x1024xf32, #tpu.memory_space<vmem>> -> memref<40x1024xf32, #tpu.memory_space<vmem>>
      %dma_wait3A_233 = arith.constant 0 : i32
      %dma_wait3A_234 = tpu.memref_slice %arg4[%add3A_38, %dma_wait3A_233] : memref<10240x1024xf32, #tpu.memory_space<hbm>> -> memref<40x1024xf32, #tpu.memory_space<hbm>>
      %dma_wait3A_235 = arith.constant 0 : i32
      %dma_wait3A_236 = tpu.memref_slice %arg4[%add3A_38, %dma_wait3A_235] : memref<10240x1024xf32, #tpu.memory_space<hbm>> -> memref<40x1024xf32, #tpu.memory_space<hbm>>
      %dma_wait3A_237 = arith.constant 0 : i32
      %dma_wait3A_238 = arith.constant 0 : i32
      %dma_wait3A_239 = tpu.memref_slice %arg6[%run_scoped3A, %dma_wait3A_237, %dma_wait3A_238] : memref<2x40x1024xf32, #tpu.memory_space<vmem>> -> memref<1x40x1024xf32, #tpu.memory_space<vmem>>
      %dma_wait3A_240 = tpu.memref_squeeze %dma_wait3A_239 : memref<1x40x1024xf32, #tpu.memory_space<vmem>> -> memref<40x1024xf32, #tpu.memory_space<vmem>>
      tpu.wait_dma2 semaphore(%run_scoped3A_216 : memref<!tpu.dma_semaphore, #tpu.memory_space<semaphore_mem>>) src(%dma_wait3A_240 : memref<40x1024xf32, #tpu.memory_space<vmem>>) dst(%dma_wait3A_236 : memref<40x1024xf32, #tpu.memory_space<hbm>>)
      tpu.yield
    }) : () -> ()
    %dma_wait3A_39 = arith.constant 1 : i32
    %dma_wait3A_40 = arith.constant 1 : i32
    %dma_wait3A_41 = arith.constant 0 : i32
    %dma_wait3A_42 = arith.constant 0 : i32
    %dma_wait3A_43 = tpu.memref_slice %arg6[%dma_wait3A_40, %dma_wait3A_41, %dma_wait3A_42] : memref<2x40x1024xf32, #tpu.memory_space<vmem>> -> memref<1x40x1024xf32, #tpu.memory_space<vmem>>
    %dma_wait3A_44 = tpu.memref_squeeze %dma_wait3A_43 : memref<1x40x1024xf32, #tpu.memory_space<vmem>> -> memref<40x1024xf32, #tpu.memory_space<vmem>>
    %dma_wait3A_45 = arith.constant 0 : i32
    %dma_wait3A_46 = tpu.memref_slice %arg5[%dma_wait3A_39, %dma_wait3A_45] : memref<8x40xi32, #tpu.memory_space<vmem>> -> memref<1x40xi32, #tpu.memory_space<vmem>>
    %dma_wait3A_47 = tpu.memref_squeeze %dma_wait3A_46 : memref<1x40xi32, #tpu.memory_space<vmem>> -> memref<40xi32, #tpu.memory_space<vmem>>
    %dma_wait3A_48 = arith.constant 0 : i32
    %dma_wait3A_49 = arith.constant 0 : i32
    %dma_wait3A_50 = tpu.memref_slice %arg2[%dma_wait3A_48, %dma_wait3A_49] : memref<4096x1024xf32, #tpu.memory_space<hbm>> -> memref<4096x1024xf32, #tpu.memory_space<hbm>>
    tpu.wait_indirect_dma semaphore(%arg8 : memref<!tpu.dma_semaphore, #tpu.memory_space<semaphore_mem>>) src(%dma_wait3A_50 : memref<4096x1024xf32, #tpu.memory_space<hbm>>) dst(%dma_wait3A_44 : memref<40x1024xf32, #tpu.memory_space<vmem>>)
    %dma_start3A_51 = arith.constant 2 : i32
    %dma_start3A_52 = arith.constant 0 : i32
    %dma_start3A_53 = arith.constant 0 : i32
    %dma_start3A_54 = arith.constant 0 : i32
    %dma_start3A_55 = tpu.memref_slice %arg6[%dma_start3A_52, %dma_start3A_53, %dma_start3A_54] : memref<2x40x1024xf32, #tpu.memory_space<vmem>> -> memref<1x40x1024xf32, #tpu.memory_space<vmem>>
    %dma_start3A_56 = tpu.memref_squeeze %dma_start3A_55 : memref<1x40x1024xf32, #tpu.memory_space<vmem>> -> memref<40x1024xf32, #tpu.memory_space<vmem>>
    %dma_start3A_57 = arith.constant 0 : i32
    %dma_start3A_58 = tpu.memref_slice %arg5[%dma_start3A_51, %dma_start3A_57] : memref<8x40xi32, #tpu.memory_space<vmem>> -> memref<1x40xi32, #tpu.memory_space<vmem>>
    %dma_start3A_59 = tpu.memref_squeeze %dma_start3A_58 : memref<1x40xi32, #tpu.memory_space<vmem>> -> memref<40xi32, #tpu.memory_space<vmem>>
    %dma_start3A_60 = arith.constant 0 : i32
    %dma_start3A_61 = arith.constant 0 : i32
    %dma_start3A_62 = tpu.memref_slice %arg2[%dma_start3A_60, %dma_start3A_61] : memref<4096x1024xf32, #tpu.memory_space<hbm>> -> memref<4096x1024xf32, #tpu.memory_space<hbm>>
    tpu.enqueue_indirect_dma source(%dma_start3A_62 : memref<4096x1024xf32, #tpu.memory_space<hbm>>) target(%dma_start3A_56 : memref<40x1024xf32, #tpu.memory_space<vmem>>) offsets(%dma_start3A_59 : memref<40xi32, #tpu.memory_space<vmem>>) semaphore(%arg7 : memref<!tpu.dma_semaphore, #tpu.memory_space<semaphore_mem>>)
    %add3A_63 = arith.constant 40 : i32
    %add3A_64 = arith.addi %mul3A_2, %add3A_63 : i32
    %run_scoped3A_65 = arith.constant 1 : i32
    "tpu.region"() ({
      %run_scoped3A_216 = tpu.sem_alloc : memref<!tpu.dma_semaphore, #tpu.memory_space<semaphore_mem>>
      %dma_start3A_217 = arith.constant 0 : i32
      %dma_start3A_218 = arith.constant 0 : i32
      %dma_start3A_219 = tpu.memref_slice %arg6[%run_scoped3A_65, %dma_start3A_217, %dma_start3A_218] : memref<2x40x1024xf32, #tpu.memory_space<vmem>> -> memref<1x40x1024xf32, #tpu.memory_space<vmem>>
      %dma_start3A_220 = tpu.memref_squeeze %dma_start3A_219 : memref<1x40x1024xf32, #tpu.memory_space<vmem>> -> memref<40x1024xf32, #tpu.memory_space<vmem>>
      %dma_start3A_221 = arith.constant 0 : i32
      %dma_start3A_222 = tpu.memref_slice %arg4[%add3A_64, %dma_start3A_221] : memref<10240x1024xf32, #tpu.memory_space<hbm>> -> memref<40x1024xf32, #tpu.memory_space<hbm>>
      %dma_start3A_223 = arith.constant 0 : i32
      %dma_start3A_224 = tpu.memref_slice %arg4[%add3A_64, %dma_start3A_223] : memref<10240x1024xf32, #tpu.memory_space<hbm>> -> memref<40x1024xf32, #tpu.memory_space<hbm>>
      %dma_start3A_225 = arith.constant 0 : i32
      %dma_start3A_226 = arith.constant 0 : i32
      %dma_start3A_227 = tpu.memref_slice %arg6[%run_scoped3A_65, %dma_start3A_225, %dma_start3A_226] : memref<2x40x1024xf32, #tpu.memory_space<vmem>> -> memref<1x40x1024xf32, #tpu.memory_space<vmem>>
      %dma_start3A_228 = tpu.memref_squeeze %dma_start3A_227 : memref<1x40x1024xf32, #tpu.memory_space<vmem>> -> memref<40x1024xf32, #tpu.memory_space<vmem>>
      tpu.enqueue_dma source(%dma_start3A_228 : memref<40x1024xf32, #tpu.memory_space<vmem>>) target(%dma_start3A_224 : memref<40x1024xf32, #tpu.memory_space<hbm>>) target_semaphore(%run_scoped3A_216 : memref<!tpu.dma_semaphore, #tpu.memory_space<semaphore_mem>>)
      %dma_wait3A_229 = arith.constant 0 : i32
      %dma_wait3A_230 = arith.constant 0 : i32
      %dma_wait3A_231 = tpu.memref_slice %arg6[%run_scoped3A_65, %dma_wait3A_229, %dma_wait3A_230] : memref<2x40x1024xf32, #tpu.memory_space<vmem>> -> memref<1x40x1024xf32, #tpu.memory_space<vmem>>
      %dma_wait3A_232 = tpu.memref_squeeze %dma_wait3A_231 : memref<1x40x1024xf32, #tpu.memory_space<vmem>> -> memref<40x1024xf32, #tpu.memory_space<vmem>>
      %dma_wait3A_233 = arith.constant 0 : i32
      %dma_wait3A_234 = tpu.memref_slice %arg4[%add3A_64, %dma_wait3A_233] : memref<10240x1024xf32, #tpu.memory_space<hbm>> -> memref<40x1024xf32, #tpu.memory_space<hbm>>
      %dma_wait3A_235 = arith.constant 0 : i32
      %dma_wait3A_236 = tpu.memref_slice %arg4[%add3A_64, %dma_wait3A_235] : memref<10240x1024xf32, #tpu.memory_space<hbm>> -> memref<40x1024xf32, #tpu.memory_space<hbm>>
      %dma_wait3A_237 = arith.constant 0 : i32
      %dma_wait3A_238 = arith.constant 0 : i32
      %dma_wait3A_239 = tpu.memref_slice %arg6[%run_scoped3A_65, %dma_wait3A_237, %dma_wait3A_238] : memref<2x40x1024xf32, #tpu.memory_space<vmem>> -> memref<1x40x1024xf32, #tpu.memory_space<vmem>>
      %dma_wait3A_240 = tpu.memref_squeeze %dma_wait3A_239 : memref<1x40x1024xf32, #tpu.memory_space<vmem>> -> memref<40x1024xf32, #tpu.memory_space<vmem>>
      tpu.wait_dma2 semaphore(%run_scoped3A_216 : memref<!tpu.dma_semaphore, #tpu.memory_space<semaphore_mem>>) src(%dma_wait3A_240 : memref<40x1024xf32, #tpu.memory_space<vmem>>) dst(%dma_wait3A_236 : memref<40x1024xf32, #tpu.memory_space<hbm>>)
      tpu.yield
    }) : () -> ()
    %dma_wait3A_66 = arith.constant 2 : i32
    %dma_wait3A_67 = arith.constant 0 : i32
    %dma_wait3A_68 = arith.constant 0 : i32
    %dma_wait3A_69 = arith.constant 0 : i32
    %dma_wait3A_70 = tpu.memref_slice %arg6[%dma_wait3A_67, %dma_wait3A_68, %dma_wait3A_69] : memref<2x40x1024xf32, #tpu.memory_space<vmem>> -> memref<1x40x1024xf32, #tpu.memory_space<vmem>>
    %dma_wait3A_71 = tpu.memref_squeeze %dma_wait3A_70 : memref<1x40x1024xf32, #tpu.memory_space<vmem>> -> memref<40x1024xf32, #tpu.memory_space<vmem>>
    %dma_wait3A_72 = arith.constant 0 : i32
    %dma_wait3A_73 = tpu.memref_slice %arg5[%dma_wait3A_66, %dma_wait3A_72] : memref<8x40xi32, #tpu.memory_space<vmem>> -> memref<1x40xi32, #tpu.memory_space<vmem>>
    %dma_wait3A_74 = tpu.memref_squeeze %dma_wait3A_73 : memref<1x40xi32, #tpu.memory_space<vmem>> -> memref<40xi32, #tpu.memory_space<vmem>>
    %dma_wait3A_75 = arith.constant 0 : i32
    %dma_wait3A_76 = arith.constant 0 : i32
    %dma_wait3A_77 = tpu.memref_slice %arg2[%dma_wait3A_75, %dma_wait3A_76] : memref<4096x1024xf32, #tpu.memory_space<hbm>> -> memref<4096x1024xf32, #tpu.memory_space<hbm>>
    tpu.wait_indirect_dma semaphore(%arg7 : memref<!tpu.dma_semaphore, #tpu.memory_space<semaphore_mem>>) src(%dma_wait3A_77 : memref<4096x1024xf32, #tpu.memory_space<hbm>>) dst(%dma_wait3A_71 : memref<40x1024xf32, #tpu.memory_space<vmem>>)
    %dma_start3A_78 = arith.constant 3 : i32
    %dma_start3A_79 = arith.constant 1 : i32
    %dma_start3A_80 = arith.constant 0 : i32
    %dma_start3A_81 = arith.constant 0 : i32
    %dma_start3A_82 = tpu.memref_slice %arg6[%dma_start3A_79, %dma_start3A_80, %dma_start3A_81] : memref<2x40x1024xf32, #tpu.memory_space<vmem>> -> memref<1x40x1024xf32, #tpu.memory_space<vmem>>
    %dma_start3A_83 = tpu.memref_squeeze %dma_start3A_82 : memref<1x40x1024xf32, #tpu.memory_space<vmem>> -> memref<40x1024xf32, #tpu.memory_space<vmem>>
    %dma_start3A_84 = arith.constant 0 : i32
    %dma_start3A_85 = tpu.memref_slice %arg5[%dma_start3A_78, %dma_start3A_84] : memref<8x40xi32, #tpu.memory_space<vmem>> -> memref<1x40xi32, #tpu.memory_space<vmem>>
    %dma_start3A_86 = tpu.memref_squeeze %dma_start3A_85 : memref<1x40xi32, #tpu.memory_space<vmem>> -> memref<40xi32, #tpu.memory_space<vmem>>
    %dma_start3A_87 = arith.constant 0 : i32
    %dma_start3A_88 = arith.constant 0 : i32
    %dma_start3A_89 = tpu.memref_slice %arg2[%dma_start3A_87, %dma_start3A_88] : memref<4096x1024xf32, #tpu.memory_space<hbm>> -> memref<4096x1024xf32, #tpu.memory_space<hbm>>
    tpu.enqueue_indirect_dma source(%dma_start3A_89 : memref<4096x1024xf32, #tpu.memory_space<hbm>>) target(%dma_start3A_83 : memref<40x1024xf32, #tpu.memory_space<vmem>>) offsets(%dma_start3A_86 : memref<40xi32, #tpu.memory_space<vmem>>) semaphore(%arg8 : memref<!tpu.dma_semaphore, #tpu.memory_space<semaphore_mem>>)
    %add3A_90 = arith.constant 80 : i32
    %add3A_91 = arith.addi %mul3A_2, %add3A_90 : i32
    %run_scoped3A_92 = arith.constant 0 : i32
    "tpu.region"() ({
      %run_scoped3A_216 = tpu.sem_alloc : memref<!tpu.dma_semaphore, #tpu.memory_space<semaphore_mem>>
      %dma_start3A_217 = arith.constant 0 : i32
      %dma_start3A_218 = arith.constant 0 : i32
      %dma_start3A_219 = tpu.memref_slice %arg6[%run_scoped3A_92, %dma_start3A_217, %dma_start3A_218] : memref<2x40x1024xf32, #tpu.memory_space<vmem>> -> memref<1x40x1024xf32, #tpu.memory_space<vmem>>
      %dma_start3A_220 = tpu.memref_squeeze %dma_start3A_219 : memref<1x40x1024xf32, #tpu.memory_space<vmem>> -> memref<40x1024xf32, #tpu.memory_space<vmem>>
      %dma_start3A_221 = arith.constant 0 : i32
      %dma_start3A_222 = tpu.memref_slice %arg4[%add3A_91, %dma_start3A_221] : memref<10240x1024xf32, #tpu.memory_space<hbm>> -> memref<40x1024xf32, #tpu.memory_space<hbm>>
      %dma_start3A_223 = arith.constant 0 : i32
      %dma_start3A_224 = tpu.memref_slice %arg4[%add3A_91, %dma_start3A_223] : memref<10240x1024xf32, #tpu.memory_space<hbm>> -> memref<40x1024xf32, #tpu.memory_space<hbm>>
      %dma_start3A_225 = arith.constant 0 : i32
      %dma_start3A_226 = arith.constant 0 : i32
      %dma_start3A_227 = tpu.memref_slice %arg6[%run_scoped3A_92, %dma_start3A_225, %dma_start3A_226] : memref<2x40x1024xf32, #tpu.memory_space<vmem>> -> memref<1x40x1024xf32, #tpu.memory_space<vmem>>
      %dma_start3A_228 = tpu.memref_squeeze %dma_start3A_227 : memref<1x40x1024xf32, #tpu.memory_space<vmem>> -> memref<40x1024xf32, #tpu.memory_space<vmem>>
      tpu.enqueue_dma source(%dma_start3A_228 : memref<40x1024xf32, #tpu.memory_space<vmem>>) target(%dma_start3A_224 : memref<40x1024xf32, #tpu.memory_space<hbm>>) target_semaphore(%run_scoped3A_216 : memref<!tpu.dma_semaphore, #tpu.memory_space<semaphore_mem>>)
      %dma_wait3A_229 = arith.constant 0 : i32
      %dma_wait3A_230 = arith.constant 0 : i32
      %dma_wait3A_231 = tpu.memref_slice %arg6[%run_scoped3A_92, %dma_wait3A_229, %dma_wait3A_230] : memref<2x40x1024xf32, #tpu.memory_space<vmem>> -> memref<1x40x1024xf32, #tpu.memory_space<vmem>>
      %dma_wait3A_232 = tpu.memref_squeeze %dma_wait3A_231 : memref<1x40x1024xf32, #tpu.memory_space<vmem>> -> memref<40x1024xf32, #tpu.memory_space<vmem>>
      %dma_wait3A_233 = arith.constant 0 : i32
      %dma_wait3A_234 = tpu.memref_slice %arg4[%add3A_91, %dma_wait3A_233] : memref<10240x1024xf32, #tpu.memory_space<hbm>> -> memref<40x1024xf32, #tpu.memory_space<hbm>>
      %dma_wait3A_235 = arith.constant 0 : i32
      %dma_wait3A_236 = tpu.memref_slice %arg4[%add3A_91, %dma_wait3A_235] : memref<10240x1024xf32, #tpu.memory_space<hbm>> -> memref<40x1024xf32, #tpu.memory_space<hbm>>
      %dma_wait3A_237 = arith.constant 0 : i32
      %dma_wait3A_238 = arith.constant 0 : i32
      %dma_wait3A_239 = tpu.memref_slice %arg6[%run_scoped3A_92, %dma_wait3A_237, %dma_wait3A_238] : memref<2x40x1024xf32, #tpu.memory_space<vmem>> -> memref<1x40x1024xf32, #tpu.memory_space<vmem>>
      %dma_wait3A_240 = tpu.memref_squeeze %dma_wait3A_239 : memref<1x40x1024xf32, #tpu.memory_space<vmem>> -> memref<40x1024xf32, #tpu.memory_space<vmem>>
      tpu.wait_dma2 semaphore(%run_scoped3A_216 : memref<!tpu.dma_semaphore, #tpu.memory_space<semaphore_mem>>) src(%dma_wait3A_240 : memref<40x1024xf32, #tpu.memory_space<vmem>>) dst(%dma_wait3A_236 : memref<40x1024xf32, #tpu.memory_space<hbm>>)
      tpu.yield
    }) : () -> ()
    %dma_wait3A_93 = arith.constant 3 : i32
    %dma_wait3A_94 = arith.constant 1 : i32
    %dma_wait3A_95 = arith.constant 0 : i32
    %dma_wait3A_96 = arith.constant 0 : i32
    %dma_wait3A_97 = tpu.memref_slice %arg6[%dma_wait3A_94, %dma_wait3A_95, %dma_wait3A_96] : memref<2x40x1024xf32, #tpu.memory_space<vmem>> -> memref<1x40x1024xf32, #tpu.memory_space<vmem>>
    %dma_wait3A_98 = tpu.memref_squeeze %dma_wait3A_97 : memref<1x40x1024xf32, #tpu.memory_space<vmem>> -> memref<40x1024xf32, #tpu.memory_space<vmem>>
    %dma_wait3A_99 = arith.constant 0 : i32
    %dma_wait3A_100 = tpu.memref_slice %arg5[%dma_wait3A_93, %dma_wait3A_99] : memref<8x40xi32, #tpu.memory_space<vmem>> -> memref<1x40xi32, #tpu.memory_space<vmem>>
    %dma_wait3A_101 = tpu.memref_squeeze %dma_wait3A_100 : memref<1x40xi32, #tpu.memory_space<vmem>> -> memref<40xi32, #tpu.memory_space<vmem>>
    %dma_wait3A_102 = arith.constant 0 : i32
    %dma_wait3A_103 = arith.constant 0 : i32
    %dma_wait3A_104 = tpu.memref_slice %arg2[%dma_wait3A_102, %dma_wait3A_103] : memref<4096x1024xf32, #tpu.memory_space<hbm>> -> memref<4096x1024xf32, #tpu.memory_space<hbm>>
    tpu.wait_indirect_dma semaphore(%arg8 : memref<!tpu.dma_semaphore, #tpu.memory_space<semaphore_mem>>) src(%dma_wait3A_104 : memref<4096x1024xf32, #tpu.memory_space<hbm>>) dst(%dma_wait3A_98 : memref<40x1024xf32, #tpu.memory_space<vmem>>)
    %dma_start3A_105 = arith.constant 4 : i32
    %dma_start3A_106 = arith.constant 0 : i32
    %dma_start3A_107 = arith.constant 0 : i32
    %dma_start3A_108 = arith.constant 0 : i32
    %dma_start3A_109 = tpu.memref_slice %arg6[%dma_start3A_106, %dma_start3A_107, %dma_start3A_108] : memref<2x40x1024xf32, #tpu.memory_space<vmem>> -> memref<1x40x1024xf32, #tpu.memory_space<vmem>>
    %dma_start3A_110 = tpu.memref_squeeze %dma_start3A_109 : memref<1x40x1024xf32, #tpu.memory_space<vmem>> -> memref<40x1024xf32, #tpu.memory_space<vmem>>
    %dma_start3A_111 = arith.constant 0 : i32
    %dma_start3A_112 = tpu.memref_slice %arg5[%dma_start3A_105, %dma_start3A_111] : memref<8x40xi32, #tpu.memory_space<vmem>> -> memref<1x40xi32, #tpu.memory_space<vmem>>
    %dma_start3A_113 = tpu.memref_squeeze %dma_start3A_112 : memref<1x40xi32, #tpu.memory_space<vmem>> -> memref<40xi32, #tpu.memory_space<vmem>>
    %dma_start3A_114 = arith.constant 0 : i32
    %dma_start3A_115 = arith.constant 0 : i32
    %dma_start3A_116 = tpu.memref_slice %arg2[%dma_start3A_114, %dma_start3A_115] : memref<4096x1024xf32, #tpu.memory_space<hbm>> -> memref<4096x1024xf32, #tpu.memory_space<hbm>>
    tpu.enqueue_indirect_dma source(%dma_start3A_116 : memref<4096x1024xf32, #tpu.memory_space<hbm>>) target(%dma_start3A_110 : memref<40x1024xf32, #tpu.memory_space<vmem>>) offsets(%dma_start3A_113 : memref<40xi32, #tpu.memory_space<vmem>>) semaphore(%arg7 : memref<!tpu.dma_semaphore, #tpu.memory_space<semaphore_mem>>)
    %add3A_117 = arith.constant 120 : i32
    %add3A_118 = arith.addi %mul3A_2, %add3A_117 : i32
    %run_scoped3A_119 = arith.constant 1 : i32
    "tpu.region"() ({
      %run_scoped3A_216 = tpu.sem_alloc : memref<!tpu.dma_semaphore, #tpu.memory_space<semaphore_mem>>
      %dma_start3A_217 = arith.constant 0 : i32
      %dma_start3A_218 = arith.constant 0 : i32
      %dma_start3A_219 = tpu.memref_slice %arg6[%run_scoped3A_119, %dma_start3A_217, %dma_start3A_218] : memref<2x40x1024xf32, #tpu.memory_space<vmem>> -> memref<1x40x1024xf32, #tpu.memory_space<vmem>>
      %dma_start3A_220 = tpu.memref_squeeze %dma_start3A_219 : memref<1x40x1024xf32, #tpu.memory_space<vmem>> -> memref<40x1024xf32, #tpu.memory_space<vmem>>
      %dma_start3A_221 = arith.constant 0 : i32
      %dma_start3A_222 = tpu.memref_slice %arg4[%add3A_118, %dma_start3A_221] : memref<10240x1024xf32, #tpu.memory_space<hbm>> -> memref<40x1024xf32, #tpu.memory_space<hbm>>
      %dma_start3A_223 = arith.constant 0 : i32
      %dma_start3A_224 = tpu.memref_slice %arg4[%add3A_118, %dma_start3A_223] : memref<10240x1024xf32, #tpu.memory_space<hbm>> -> memref<40x1024xf32, #tpu.memory_space<hbm>>
      %dma_start3A_225 = arith.constant 0 : i32
      %dma_start3A_226 = arith.constant 0 : i32
      %dma_start3A_227 = tpu.memref_slice %arg6[%run_scoped3A_119, %dma_start3A_225, %dma_start3A_226] : memref<2x40x1024xf32, #tpu.memory_space<vmem>> -> memref<1x40x1024xf32, #tpu.memory_space<vmem>>
      %dma_start3A_228 = tpu.memref_squeeze %dma_start3A_227 : memref<1x40x1024xf32, #tpu.memory_space<vmem>> -> memref<40x1024xf32, #tpu.memory_space<vmem>>
      tpu.enqueue_dma source(%dma_start3A_228 : memref<40x1024xf32, #tpu.memory_space<vmem>>) target(%dma_start3A_224 : memref<40x1024xf32, #tpu.memory_space<hbm>>) target_semaphore(%run_scoped3A_216 : memref<!tpu.dma_semaphore, #tpu.memory_space<semaphore_mem>>)
      %dma_wait3A_229 = arith.constant 0 : i32
      %dma_wait3A_230 = arith.constant 0 : i32
      %dma_wait3A_231 = tpu.memref_slice %arg6[%run_scoped3A_119, %dma_wait3A_229, %dma_wait3A_230] : memref<2x40x1024xf32, #tpu.memory_space<vmem>> -> memref<1x40x1024xf32, #tpu.memory_space<vmem>>
      %dma_wait3A_232 = tpu.memref_squeeze %dma_wait3A_231 : memref<1x40x1024xf32, #tpu.memory_space<vmem>> -> memref<40x1024xf32, #tpu.memory_space<vmem>>
      %dma_wait3A_233 = arith.constant 0 : i32
      %dma_wait3A_234 = tpu.memref_slice %arg4[%add3A_118, %dma_wait3A_233] : memref<10240x1024xf32, #tpu.memory_space<hbm>> -> memref<40x1024xf32, #tpu.memory_space<hbm>>
      %dma_wait3A_235 = arith.constant 0 : i32
      %dma_wait3A_236 = tpu.memref_slice %arg4[%add3A_118, %dma_wait3A_235] : memref<10240x1024xf32, #tpu.memory_space<hbm>> -> memref<40x1024xf32, #tpu.memory_space<hbm>>
      %dma_wait3A_237 = arith.constant 0 : i32
      %dma_wait3A_238 = arith.constant 0 : i32
      %dma_wait3A_239 = tpu.memref_slice %arg6[%run_scoped3A_119, %dma_wait3A_237, %dma_wait3A_238] : memref<2x40x1024xf32, #tpu.memory_space<vmem>> -> memref<1x40x1024xf32, #tpu.memory_space<vmem>>
      %dma_wait3A_240 = tpu.memref_squeeze %dma_wait3A_239 : memref<1x40x1024xf32, #tpu.memory_space<vmem>> -> memref<40x1024xf32, #tpu.memory_space<vmem>>
      tpu.wait_dma2 semaphore(%run_scoped3A_216 : memref<!tpu.dma_semaphore, #tpu.memory_space<semaphore_mem>>) src(%dma_wait3A_240 : memref<40x1024xf32, #tpu.memory_space<vmem>>) dst(%dma_wait3A_236 : memref<40x1024xf32, #tpu.memory_space<hbm>>)
      tpu.yield
    }) : () -> ()
    %dma_wait3A_120 = arith.constant 4 : i32
    %dma_wait3A_121 = arith.constant 0 : i32
    %dma_wait3A_122 = arith.constant 0 : i32
    %dma_wait3A_123 = arith.constant 0 : i32
    %dma_wait3A_124 = tpu.memref_slice %arg6[%dma_wait3A_121, %dma_wait3A_122, %dma_wait3A_123] : memref<2x40x1024xf32, #tpu.memory_space<vmem>> -> memref<1x40x1024xf32, #tpu.memory_space<vmem>>
    %dma_wait3A_125 = tpu.memref_squeeze %dma_wait3A_124 : memref<1x40x1024xf32, #tpu.memory_space<vmem>> -> memref<40x1024xf32, #tpu.memory_space<vmem>>
    %dma_wait3A_126 = arith.constant 0 : i32
    %dma_wait3A_127 = tpu.memref_slice %arg5[%dma_wait3A_120, %dma_wait3A_126] : memref<8x40xi32, #tpu.memory_space<vmem>> -> memref<1x40xi32, #tpu.memory_space<vmem>>
    %dma_wait3A_128 = tpu.memref_squeeze %dma_wait3A_127 : memref<1x40xi32, #tpu.memory_space<vmem>> -> memref<40xi32, #tpu.memory_space<vmem>>
    %dma_wait3A_129 = arith.constant 0 : i32
    %dma_wait3A_130 = arith.constant 0 : i32
    %dma_wait3A_131 = tpu.memref_slice %arg2[%dma_wait3A_129, %dma_wait3A_130] : memref<4096x1024xf32, #tpu.memory_space<hbm>> -> memref<4096x1024xf32, #tpu.memory_space<hbm>>
    tpu.wait_indirect_dma semaphore(%arg7 : memref<!tpu.dma_semaphore, #tpu.memory_space<semaphore_mem>>) src(%dma_wait3A_131 : memref<4096x1024xf32, #tpu.memory_space<hbm>>) dst(%dma_wait3A_125 : memref<40x1024xf32, #tpu.memory_space<vmem>>)
    %dma_start3A_132 = arith.constant 5 : i32
    %dma_start3A_133 = arith.constant 1 : i32
    %dma_start3A_134 = arith.constant 0 : i32
    %dma_start3A_135 = arith.constant 0 : i32
    %dma_start3A_136 = tpu.memref_slice %arg6[%dma_start3A_133, %dma_start3A_134, %dma_start3A_135] : memref<2x40x1024xf32, #tpu.memory_space<vmem>> -> memref<1x40x1024xf32, #tpu.memory_space<vmem>>
    %dma_start3A_137 = tpu.memref_squeeze %dma_start3A_136 : memref<1x40x1024xf32, #tpu.memory_space<vmem>> -> memref<40x1024xf32, #tpu.memory_space<vmem>>
    %dma_start3A_138 = arith.constant 0 : i32
    %dma_start3A_139 = tpu.memref_slice %arg5[%dma_start3A_132, %dma_start3A_138] : memref<8x40xi32, #tpu.memory_space<vmem>> -> memref<1x40xi32, #tpu.memory_space<vmem>>
    %dma_start3A_140 = tpu.memref_squeeze %dma_start3A_139 : memref<1x40xi32, #tpu.memory_space<vmem>> -> memref<40xi32, #tpu.memory_space<vmem>>
    %dma_start3A_141 = arith.constant 0 : i32
    %dma_start3A_142 = arith.constant 0 : i32
    %dma_start3A_143 = tpu.memref_slice %arg2[%dma_start3A_141, %dma_start3A_142] : memref<4096x1024xf32, #tpu.memory_space<hbm>> -> memref<4096x1024xf32, #tpu.memory_space<hbm>>
    tpu.enqueue_indirect_dma source(%dma_start3A_143 : memref<4096x1024xf32, #tpu.memory_space<hbm>>) target(%dma_start3A_137 : memref<40x1024xf32, #tpu.memory_space<vmem>>) offsets(%dma_start3A_140 : memref<40xi32, #tpu.memory_space<vmem>>) semaphore(%arg8 : memref<!tpu.dma_semaphore, #tpu.memory_space<semaphore_mem>>)
    %add3A_144 = arith.constant 160 : i32
    %add3A_145 = arith.addi %mul3A_2, %add3A_144 : i32
    %run_scoped3A_146 = arith.constant 0 : i32
    "tpu.region"() ({
      %run_scoped3A_216 = tpu.sem_alloc : memref<!tpu.dma_semaphore, #tpu.memory_space<semaphore_mem>>
      %dma_start3A_217 = arith.constant 0 : i32
      %dma_start3A_218 = arith.constant 0 : i32
      %dma_start3A_219 = tpu.memref_slice %arg6[%run_scoped3A_146, %dma_start3A_217, %dma_start3A_218] : memref<2x40x1024xf32, #tpu.memory_space<vmem>> -> memref<1x40x1024xf32, #tpu.memory_space<vmem>>
      %dma_start3A_220 = tpu.memref_squeeze %dma_start3A_219 : memref<1x40x1024xf32, #tpu.memory_space<vmem>> -> memref<40x1024xf32, #tpu.memory_space<vmem>>
      %dma_start3A_221 = arith.constant 0 : i32
      %dma_start3A_222 = tpu.memref_slice %arg4[%add3A_145, %dma_start3A_221] : memref<10240x1024xf32, #tpu.memory_space<hbm>> -> memref<40x1024xf32, #tpu.memory_space<hbm>>
      %dma_start3A_223 = arith.constant 0 : i32
      %dma_start3A_224 = tpu.memref_slice %arg4[%add3A_145, %dma_start3A_223] : memref<10240x1024xf32, #tpu.memory_space<hbm>> -> memref<40x1024xf32, #tpu.memory_space<hbm>>
      %dma_start3A_225 = arith.constant 0 : i32
      %dma_start3A_226 = arith.constant 0 : i32
      %dma_start3A_227 = tpu.memref_slice %arg6[%run_scoped3A_146, %dma_start3A_225, %dma_start3A_226] : memref<2x40x1024xf32, #tpu.memory_space<vmem>> -> memref<1x40x1024xf32, #tpu.memory_space<vmem>>
      %dma_start3A_228 = tpu.memref_squeeze %dma_start3A_227 : memref<1x40x1024xf32, #tpu.memory_space<vmem>> -> memref<40x1024xf32, #tpu.memory_space<vmem>>
      tpu.enqueue_dma source(%dma_start3A_228 : memref<40x1024xf32, #tpu.memory_space<vmem>>) target(%dma_start3A_224 : memref<40x1024xf32, #tpu.memory_space<hbm>>) target_semaphore(%run_scoped3A_216 : memref<!tpu.dma_semaphore, #tpu.memory_space<semaphore_mem>>)
      %dma_wait3A_229 = arith.constant 0 : i32
      %dma_wait3A_230 = arith.constant 0 : i32
      %dma_wait3A_231 = tpu.memref_slice %arg6[%run_scoped3A_146, %dma_wait3A_229, %dma_wait3A_230] : memref<2x40x1024xf32, #tpu.memory_space<vmem>> -> memref<1x40x1024xf32, #tpu.memory_space<vmem>>
      %dma_wait3A_232 = tpu.memref_squeeze %dma_wait3A_231 : memref<1x40x1024xf32, #tpu.memory_space<vmem>> -> memref<40x1024xf32, #tpu.memory_space<vmem>>
      %dma_wait3A_233 = arith.constant 0 : i32
      %dma_wait3A_234 = tpu.memref_slice %arg4[%add3A_145, %dma_wait3A_233] : memref<10240x1024xf32, #tpu.memory_space<hbm>> -> memref<40x1024xf32, #tpu.memory_space<hbm>>
      %dma_wait3A_235 = arith.constant 0 : i32
      %dma_wait3A_236 = tpu.memref_slice %arg4[%add3A_145, %dma_wait3A_235] : memref<10240x1024xf32, #tpu.memory_space<hbm>> -> memref<40x1024xf32, #tpu.memory_space<hbm>>
      %dma_wait3A_237 = arith.constant 0 : i32
      %dma_wait3A_238 = arith.constant 0 : i32
      %dma_wait3A_239 = tpu.memref_slice %arg6[%run_scoped3A_146, %dma_wait3A_237, %dma_wait3A_238] : memref<2x40x1024xf32, #tpu.memory_space<vmem>> -> memref<1x40x1024xf32, #tpu.memory_space<vmem>>
      %dma_wait3A_240 = tpu.memref_squeeze %dma_wait3A_239 : memref<1x40x1024xf32, #tpu.memory_space<vmem>> -> memref<40x1024xf32, #tpu.memory_space<vmem>>
      tpu.wait_dma2 semaphore(%run_scoped3A_216 : memref<!tpu.dma_semaphore, #tpu.memory_space<semaphore_mem>>) src(%dma_wait3A_240 : memref<40x1024xf32, #tpu.memory_space<vmem>>) dst(%dma_wait3A_236 : memref<40x1024xf32, #tpu.memory_space<hbm>>)
      tpu.yield
    }) : () -> ()
    %dma_wait3A_147 = arith.constant 5 : i32
    %dma_wait3A_148 = arith.constant 1 : i32
    %dma_wait3A_149 = arith.constant 0 : i32
    %dma_wait3A_150 = arith.constant 0 : i32
    %dma_wait3A_151 = tpu.memref_slice %arg6[%dma_wait3A_148, %dma_wait3A_149, %dma_wait3A_150] : memref<2x40x1024xf32, #tpu.memory_space<vmem>> -> memref<1x40x1024xf32, #tpu.memory_space<vmem>>
    %dma_wait3A_152 = tpu.memref_squeeze %dma_wait3A_151 : memref<1x40x1024xf32, #tpu.memory_space<vmem>> -> memref<40x1024xf32, #tpu.memory_space<vmem>>
    %dma_wait3A_153 = arith.constant 0 : i32
    %dma_wait3A_154 = tpu.memref_slice %arg5[%dma_wait3A_147, %dma_wait3A_153] : memref<8x40xi32, #tpu.memory_space<vmem>> -> memref<1x40xi32, #tpu.memory_space<vmem>>
    %dma_wait3A_155 = tpu.memref_squeeze %dma_wait3A_154 : memref<1x40xi32, #tpu.memory_space<vmem>> -> memref<40xi32, #tpu.memory_space<vmem>>
    %dma_wait3A_156 = arith.constant 0 : i32
    %dma_wait3A_157 = arith.constant 0 : i32
    %dma_wait3A_158 = tpu.memref_slice %arg2[%dma_wait3A_156, %dma_wait3A_157] : memref<4096x1024xf32, #tpu.memory_space<hbm>> -> memref<4096x1024xf32, #tpu.memory_space<hbm>>
    tpu.wait_indirect_dma semaphore(%arg8 : memref<!tpu.dma_semaphore, #tpu.memory_space<semaphore_mem>>) src(%dma_wait3A_158 : memref<4096x1024xf32, #tpu.memory_space<hbm>>) dst(%dma_wait3A_152 : memref<40x1024xf32, #tpu.memory_space<vmem>>)
    %dma_start3A_159 = arith.constant 6 : i32
    %dma_start3A_160 = arith.constant 0 : i32
    %dma_start3A_161 = arith.constant 0 : i32
    %dma_start3A_162 = arith.constant 0 : i32
    %dma_start3A_163 = tpu.memref_slice %arg6[%dma_start3A_160, %dma_start3A_161, %dma_start3A_162] : memref<2x40x1024xf32, #tpu.memory_space<vmem>> -> memref<1x40x1024xf32, #tpu.memory_space<vmem>>
    %dma_start3A_164 = tpu.memref_squeeze %dma_start3A_163 : memref<1x40x1024xf32, #tpu.memory_space<vmem>> -> memref<40x1024xf32, #tpu.memory_space<vmem>>
    %dma_start3A_165 = arith.constant 0 : i32
    %dma_start3A_166 = tpu.memref_slice %arg5[%dma_start3A_159, %dma_start3A_165] : memref<8x40xi32, #tpu.memory_space<vmem>> -> memref<1x40xi32, #tpu.memory_space<vmem>>
    %dma_start3A_167 = tpu.memref_squeeze %dma_start3A_166 : memref<1x40xi32, #tpu.memory_space<vmem>> -> memref<40xi32, #tpu.memory_space<vmem>>
    %dma_start3A_168 = arith.constant 0 : i32
    %dma_start3A_169 = arith.constant 0 : i32
    %dma_start3A_170 = tpu.memref_slice %arg2[%dma_start3A_168, %dma_start3A_169] : memref<4096x1024xf32, #tpu.memory_space<hbm>> -> memref<4096x1024xf32, #tpu.memory_space<hbm>>
    tpu.enqueue_indirect_dma source(%dma_start3A_170 : memref<4096x1024xf32, #tpu.memory_space<hbm>>) target(%dma_start3A_164 : memref<40x1024xf32, #tpu.memory_space<vmem>>) offsets(%dma_start3A_167 : memref<40xi32, #tpu.memory_space<vmem>>) semaphore(%arg7 : memref<!tpu.dma_semaphore, #tpu.memory_space<semaphore_mem>>)
    %add3A_171 = arith.constant 200 : i32
    %add3A_172 = arith.addi %mul3A_2, %add3A_171 : i32
    %run_scoped3A_173 = arith.constant 1 : i32
    "tpu.region"() ({
      %run_scoped3A_216 = tpu.sem_alloc : memref<!tpu.dma_semaphore, #tpu.memory_space<semaphore_mem>>
      %dma_start3A_217 = arith.constant 0 : i32
      %dma_start3A_218 = arith.constant 0 : i32
      %dma_start3A_219 = tpu.memref_slice %arg6[%run_scoped3A_173, %dma_start3A_217, %dma_start3A_218] : memref<2x40x1024xf32, #tpu.memory_space<vmem>> -> memref<1x40x1024xf32, #tpu.memory_space<vmem>>
      %dma_start3A_220 = tpu.memref_squeeze %dma_start3A_219 : memref<1x40x1024xf32, #tpu.memory_space<vmem>> -> memref<40x1024xf32, #tpu.memory_space<vmem>>
      %dma_start3A_221 = arith.constant 0 : i32
      %dma_start3A_222 = tpu.memref_slice %arg4[%add3A_172, %dma_start3A_221] : memref<10240x1024xf32, #tpu.memory_space<hbm>> -> memref<40x1024xf32, #tpu.memory_space<hbm>>
      %dma_start3A_223 = arith.constant 0 : i32
      %dma_start3A_224 = tpu.memref_slice %arg4[%add3A_172, %dma_start3A_223] : memref<10240x1024xf32, #tpu.memory_space<hbm>> -> memref<40x1024xf32, #tpu.memory_space<hbm>>
      %dma_start3A_225 = arith.constant 0 : i32
      %dma_start3A_226 = arith.constant 0 : i32
      %dma_start3A_227 = tpu.memref_slice %arg6[%run_scoped3A_173, %dma_start3A_225, %dma_start3A_226] : memref<2x40x1024xf32, #tpu.memory_space<vmem>> -> memref<1x40x1024xf32, #tpu.memory_space<vmem>>
      %dma_start3A_228 = tpu.memref_squeeze %dma_start3A_227 : memref<1x40x1024xf32, #tpu.memory_space<vmem>> -> memref<40x1024xf32, #tpu.memory_space<vmem>>
      tpu.enqueue_dma source(%dma_start3A_228 : memref<40x1024xf32, #tpu.memory_space<vmem>>) target(%dma_start3A_224 : memref<40x1024xf32, #tpu.memory_space<hbm>>) target_semaphore(%run_scoped3A_216 : memref<!tpu.dma_semaphore, #tpu.memory_space<semaphore_mem>>)
      %dma_wait3A_229 = arith.constant 0 : i32
      %dma_wait3A_230 = arith.constant 0 : i32
      %dma_wait3A_231 = tpu.memref_slice %arg6[%run_scoped3A_173, %dma_wait3A_229, %dma_wait3A_230] : memref<2x40x1024xf32, #tpu.memory_space<vmem>> -> memref<1x40x1024xf32, #tpu.memory_space<vmem>>
      %dma_wait3A_232 = tpu.memref_squeeze %dma_wait3A_231 : memref<1x40x1024xf32, #tpu.memory_space<vmem>> -> memref<40x1024xf32, #tpu.memory_space<vmem>>
      %dma_wait3A_233 = arith.constant 0 : i32
      %dma_wait3A_234 = tpu.memref_slice %arg4[%add3A_172, %dma_wait3A_233] : memref<10240x1024xf32, #tpu.memory_space<hbm>> -> memref<40x1024xf32, #tpu.memory_space<hbm>>
      %dma_wait3A_235 = arith.constant 0 : i32
      %dma_wait3A_236 = tpu.memref_slice %arg4[%add3A_172, %dma_wait3A_235] : memref<10240x1024xf32, #tpu.memory_space<hbm>> -> memref<40x1024xf32, #tpu.memory_space<hbm>>
      %dma_wait3A_237 = arith.constant 0 : i32
      %dma_wait3A_238 = arith.constant 0 : i32
      %dma_wait3A_239 = tpu.memref_slice %arg6[%run_scoped3A_173, %dma_wait3A_237, %dma_wait3A_238] : memref<2x40x1024xf32, #tpu.memory_space<vmem>> -> memref<1x40x1024xf32, #tpu.memory_space<vmem>>
      %dma_wait3A_240 = tpu.memref_squeeze %dma_wait3A_239 : memref<1x40x1024xf32, #tpu.memory_space<vmem>> -> memref<40x1024xf32, #tpu.memory_space<vmem>>
      tpu.wait_dma2 semaphore(%run_scoped3A_216 : memref<!tpu.dma_semaphore, #tpu.memory_space<semaphore_mem>>) src(%dma_wait3A_240 : memref<40x1024xf32, #tpu.memory_space<vmem>>) dst(%dma_wait3A_236 : memref<40x1024xf32, #tpu.memory_space<hbm>>)
      tpu.yield
    }) : () -> ()
    %dma_wait3A_174 = arith.constant 6 : i32
    %dma_wait3A_175 = arith.constant 0 : i32
    %dma_wait3A_176 = arith.constant 0 : i32
    %dma_wait3A_177 = arith.constant 0 : i32
    %dma_wait3A_178 = tpu.memref_slice %arg6[%dma_wait3A_175, %dma_wait3A_176, %dma_wait3A_177] : memref<2x40x1024xf32, #tpu.memory_space<vmem>> -> memref<1x40x1024xf32, #tpu.memory_space<vmem>>
    %dma_wait3A_179 = tpu.memref_squeeze %dma_wait3A_178 : memref<1x40x1024xf32, #tpu.memory_space<vmem>> -> memref<40x1024xf32, #tpu.memory_space<vmem>>
    %dma_wait3A_180 = arith.constant 0 : i32
    %dma_wait3A_181 = tpu.memref_slice %arg5[%dma_wait3A_174, %dma_wait3A_180] : memref<8x40xi32, #tpu.memory_space<vmem>> -> memref<1x40xi32, #tpu.memory_space<vmem>>
    %dma_wait3A_182 = tpu.memref_squeeze %dma_wait3A_181 : memref<1x40xi32, #tpu.memory_space<vmem>> -> memref<40xi32, #tpu.memory_space<vmem>>
    %dma_wait3A_183 = arith.constant 0 : i32
    %dma_wait3A_184 = arith.constant 0 : i32
    %dma_wait3A_185 = tpu.memref_slice %arg2[%dma_wait3A_183, %dma_wait3A_184] : memref<4096x1024xf32, #tpu.memory_space<hbm>> -> memref<4096x1024xf32, #tpu.memory_space<hbm>>
    tpu.wait_indirect_dma semaphore(%arg7 : memref<!tpu.dma_semaphore, #tpu.memory_space<semaphore_mem>>) src(%dma_wait3A_185 : memref<4096x1024xf32, #tpu.memory_space<hbm>>) dst(%dma_wait3A_179 : memref<40x1024xf32, #tpu.memory_space<vmem>>)
    %dma_start3A_186 = arith.constant 7 : i32
    %dma_start3A_187 = arith.constant 1 : i32
    %dma_start3A_188 = arith.constant 0 : i32
    %dma_start3A_189 = arith.constant 0 : i32
    %dma_start3A_190 = tpu.memref_slice %arg6[%dma_start3A_187, %dma_start3A_188, %dma_start3A_189] : memref<2x40x1024xf32, #tpu.memory_space<vmem>> -> memref<1x40x1024xf32, #tpu.memory_space<vmem>>
    %dma_start3A_191 = tpu.memref_squeeze %dma_start3A_190 : memref<1x40x1024xf32, #tpu.memory_space<vmem>> -> memref<40x1024xf32, #tpu.memory_space<vmem>>
    %dma_start3A_192 = arith.constant 0 : i32
    %dma_start3A_193 = tpu.memref_slice %arg5[%dma_start3A_186, %dma_start3A_192] : memref<8x40xi32, #tpu.memory_space<vmem>> -> memref<1x40xi32, #tpu.memory_space<vmem>>
    %dma_start3A_194 = tpu.memref_squeeze %dma_start3A_193 : memref<1x40xi32, #tpu.memory_space<vmem>> -> memref<40xi32, #tpu.memory_space<vmem>>
    %dma_start3A_195 = arith.constant 0 : i32
    %dma_start3A_196 = arith.constant 0 : i32
    %dma_start3A_197 = tpu.memref_slice %arg2[%dma_start3A_195, %dma_start3A_196] : memref<4096x1024xf32, #tpu.memory_space<hbm>> -> memref<4096x1024xf32, #tpu.memory_space<hbm>>
    tpu.enqueue_indirect_dma source(%dma_start3A_197 : memref<4096x1024xf32, #tpu.memory_space<hbm>>) target(%dma_start3A_191 : memref<40x1024xf32, #tpu.memory_space<vmem>>) offsets(%dma_start3A_194 : memref<40xi32, #tpu.memory_space<vmem>>) semaphore(%arg8 : memref<!tpu.dma_semaphore, #tpu.memory_space<semaphore_mem>>)
    %add3A_198 = arith.constant 240 : i32
    %add3A_199 = arith.addi %mul3A_2, %add3A_198 : i32
    %run_scoped3A_200 = arith.constant 0 : i32
    "tpu.region"() ({
      %run_scoped3A_216 = tpu.sem_alloc : memref<!tpu.dma_semaphore, #tpu.memory_space<semaphore_mem>>
      %dma_start3A_217 = arith.constant 0 : i32
      %dma_start3A_218 = arith.constant 0 : i32
      %dma_start3A_219 = tpu.memref_slice %arg6[%run_scoped3A_200, %dma_start3A_217, %dma_start3A_218] : memref<2x40x1024xf32, #tpu.memory_space<vmem>> -> memref<1x40x1024xf32, #tpu.memory_space<vmem>>
      %dma_start3A_220 = tpu.memref_squeeze %dma_start3A_219 : memref<1x40x1024xf32, #tpu.memory_space<vmem>> -> memref<40x1024xf32, #tpu.memory_space<vmem>>
      %dma_start3A_221 = arith.constant 0 : i32
      %dma_start3A_222 = tpu.memref_slice %arg4[%add3A_199, %dma_start3A_221] : memref<10240x1024xf32, #tpu.memory_space<hbm>> -> memref<40x1024xf32, #tpu.memory_space<hbm>>
      %dma_start3A_223 = arith.constant 0 : i32
      %dma_start3A_224 = tpu.memref_slice %arg4[%add3A_199, %dma_start3A_223] : memref<10240x1024xf32, #tpu.memory_space<hbm>> -> memref<40x1024xf32, #tpu.memory_space<hbm>>
      %dma_start3A_225 = arith.constant 0 : i32
      %dma_start3A_226 = arith.constant 0 : i32
      %dma_start3A_227 = tpu.memref_slice %arg6[%run_scoped3A_200, %dma_start3A_225, %dma_start3A_226] : memref<2x40x1024xf32, #tpu.memory_space<vmem>> -> memref<1x40x1024xf32, #tpu.memory_space<vmem>>
      %dma_start3A_228 = tpu.memref_squeeze %dma_start3A_227 : memref<1x40x1024xf32, #tpu.memory_space<vmem>> -> memref<40x1024xf32, #tpu.memory_space<vmem>>
      tpu.enqueue_dma source(%dma_start3A_228 : memref<40x1024xf32, #tpu.memory_space<vmem>>) target(%dma_start3A_224 : memref<40x1024xf32, #tpu.memory_space<hbm>>) target_semaphore(%run_scoped3A_216 : memref<!tpu.dma_semaphore, #tpu.memory_space<semaphore_mem>>)
      %dma_wait3A_229 = arith.constant 0 : i32
      %dma_wait3A_230 = arith.constant 0 : i32
      %dma_wait3A_231 = tpu.memref_slice %arg6[%run_scoped3A_200, %dma_wait3A_229, %dma_wait3A_230] : memref<2x40x1024xf32, #tpu.memory_space<vmem>> -> memref<1x40x1024xf32, #tpu.memory_space<vmem>>
      %dma_wait3A_232 = tpu.memref_squeeze %dma_wait3A_231 : memref<1x40x1024xf32, #tpu.memory_space<vmem>> -> memref<40x1024xf32, #tpu.memory_space<vmem>>
      %dma_wait3A_233 = arith.constant 0 : i32
      %dma_wait3A_234 = tpu.memref_slice %arg4[%add3A_199, %dma_wait3A_233] : memref<10240x1024xf32, #tpu.memory_space<hbm>> -> memref<40x1024xf32, #tpu.memory_space<hbm>>
      %dma_wait3A_235 = arith.constant 0 : i32
      %dma_wait3A_236 = tpu.memref_slice %arg4[%add3A_199, %dma_wait3A_235] : memref<10240x1024xf32, #tpu.memory_space<hbm>> -> memref<40x1024xf32, #tpu.memory_space<hbm>>
      %dma_wait3A_237 = arith.constant 0 : i32
      %dma_wait3A_238 = arith.constant 0 : i32
      %dma_wait3A_239 = tpu.memref_slice %arg6[%run_scoped3A_200, %dma_wait3A_237, %dma_wait3A_238] : memref<2x40x1024xf32, #tpu.memory_space<vmem>> -> memref<1x40x1024xf32, #tpu.memory_space<vmem>>
      %dma_wait3A_240 = tpu.memref_squeeze %dma_wait3A_239 : memref<1x40x1024xf32, #tpu.memory_space<vmem>> -> memref<40x1024xf32, #tpu.memory_space<vmem>>
      tpu.wait_dma2 semaphore(%run_scoped3A_216 : memref<!tpu.dma_semaphore, #tpu.memory_space<semaphore_mem>>) src(%dma_wait3A_240 : memref<40x1024xf32, #tpu.memory_space<vmem>>) dst(%dma_wait3A_236 : memref<40x1024xf32, #tpu.memory_space<hbm>>)
      tpu.yield
    }) : () -> ()
    %dma_wait3A_201 = arith.constant 7 : i32
    %dma_wait3A_202 = arith.constant 1 : i32
    %dma_wait3A_203 = arith.constant 0 : i32
    %dma_wait3A_204 = arith.constant 0 : i32
    %dma_wait3A_205 = tpu.memref_slice %arg6[%dma_wait3A_202, %dma_wait3A_203, %dma_wait3A_204] : memref<2x40x1024xf32, #tpu.memory_space<vmem>> -> memref<1x40x1024xf32, #tpu.memory_space<vmem>>
    %dma_wait3A_206 = tpu.memref_squeeze %dma_wait3A_205 : memref<1x40x1024xf32, #tpu.memory_space<vmem>> -> memref<40x1024xf32, #tpu.memory_space<vmem>>
    %dma_wait3A_207 = arith.constant 0 : i32
    %dma_wait3A_208 = tpu.memref_slice %arg5[%dma_wait3A_201, %dma_wait3A_207] : memref<8x40xi32, #tpu.memory_space<vmem>> -> memref<1x40xi32, #tpu.memory_space<vmem>>
    %dma_wait3A_209 = tpu.memref_squeeze %dma_wait3A_208 : memref<1x40xi32, #tpu.memory_space<vmem>> -> memref<40xi32, #tpu.memory_space<vmem>>
    %dma_wait3A_210 = arith.constant 0 : i32
    %dma_wait3A_211 = arith.constant 0 : i32
    %dma_wait3A_212 = tpu.memref_slice %arg2[%dma_wait3A_210, %dma_wait3A_211] : memref<4096x1024xf32, #tpu.memory_space<hbm>> -> memref<4096x1024xf32, #tpu.memory_space<hbm>>
    tpu.wait_indirect_dma semaphore(%arg8 : memref<!tpu.dma_semaphore, #tpu.memory_space<semaphore_mem>>) src(%dma_wait3A_212 : memref<4096x1024xf32, #tpu.memory_space<hbm>>) dst(%dma_wait3A_206 : memref<40x1024xf32, #tpu.memory_space<vmem>>)
    %add3A_213 = arith.constant 280 : i32
    %add3A_214 = arith.addi %mul3A_2, %add3A_213 : i32
    %run_scoped3A_215 = arith.constant 1 : i32
    "tpu.region"() ({
      %run_scoped3A_216 = tpu.sem_alloc : memref<!tpu.dma_semaphore, #tpu.memory_space<semaphore_mem>>
      %dma_start3A_217 = arith.constant 0 : i32
      %dma_start3A_218 = arith.constant 0 : i32
      %dma_start3A_219 = tpu.memref_slice %arg6[%run_scoped3A_215, %dma_start3A_217, %dma_start3A_218] : memref<2x40x1024xf32, #tpu.memory_space<vmem>> -> memref<1x40x1024xf32, #tpu.memory_space<vmem>>
      %dma_start3A_220 = tpu.memref_squeeze %dma_start3A_219 : memref<1x40x1024xf32, #tpu.memory_space<vmem>> -> memref<40x1024xf32, #tpu.memory_space<vmem>>
      %dma_start3A_221 = arith.constant 0 : i32
      %dma_start3A_222 = tpu.memref_slice %arg4[%add3A_214, %dma_start3A_221] : memref<10240x1024xf32, #tpu.memory_space<hbm>> -> memref<40x1024xf32, #tpu.memory_space<hbm>>
      %dma_start3A_223 = arith.constant 0 : i32
      %dma_start3A_224 = tpu.memref_slice %arg4[%add3A_214, %dma_start3A_223] : memref<10240x1024xf32, #tpu.memory_space<hbm>> -> memref<40x1024xf32, #tpu.memory_space<hbm>>
      %dma_start3A_225 = arith.constant 0 : i32
      %dma_start3A_226 = arith.constant 0 : i32
      %dma_start3A_227 = tpu.memref_slice %arg6[%run_scoped3A_215, %dma_start3A_225, %dma_start3A_226] : memref<2x40x1024xf32, #tpu.memory_space<vmem>> -> memref<1x40x1024xf32, #tpu.memory_space<vmem>>
      %dma_start3A_228 = tpu.memref_squeeze %dma_start3A_227 : memref<1x40x1024xf32, #tpu.memory_space<vmem>> -> memref<40x1024xf32, #tpu.memory_space<vmem>>
      tpu.enqueue_dma source(%dma_start3A_228 : memref<40x1024xf32, #tpu.memory_space<vmem>>) target(%dma_start3A_224 : memref<40x1024xf32, #tpu.memory_space<hbm>>) target_semaphore(%run_scoped3A_216 : memref<!tpu.dma_semaphore, #tpu.memory_space<semaphore_mem>>)
      %dma_wait3A_229 = arith.constant 0 : i32
      %dma_wait3A_230 = arith.constant 0 : i32
      %dma_wait3A_231 = tpu.memref_slice %arg6[%run_scoped3A_215, %dma_wait3A_229, %dma_wait3A_230] : memref<2x40x1024xf32, #tpu.memory_space<vmem>> -> memref<1x40x1024xf32, #tpu.memory_space<vmem>>
      %dma_wait3A_232 = tpu.memref_squeeze %dma_wait3A_231 : memref<1x40x1024xf32, #tpu.memory_space<vmem>> -> memref<40x1024xf32, #tpu.memory_space<vmem>>
      %dma_wait3A_233 = arith.constant 0 : i32
      %dma_wait3A_234 = tpu.memref_slice %arg4[%add3A_214, %dma_wait3A_233] : memref<10240x1024xf32, #tpu.memory_space<hbm>> -> memref<40x1024xf32, #tpu.memory_space<hbm>>
      %dma_wait3A_235 = arith.constant 0 : i32
      %dma_wait3A_236 = tpu.memref_slice %arg4[%add3A_214, %dma_wait3A_235] : memref<10240x1024xf32, #tpu.memory_space<hbm>> -> memref<40x1024xf32, #tpu.memory_space<hbm>>
      %dma_wait3A_237 = arith.constant 0 : i32
      %dma_wait3A_238 = arith.constant 0 : i32
      %dma_wait3A_239 = tpu.memref_slice %arg6[%run_scoped3A_215, %dma_wait3A_237, %dma_wait3A_238] : memref<2x40x1024xf32, #tpu.memory_space<vmem>> -> memref<1x40x1024xf32, #tpu.memory_space<vmem>>
      %dma_wait3A_240 = tpu.memref_squeeze %dma_wait3A_239 : memref<1x40x1024xf32, #tpu.memory_space<vmem>> -> memref<40x1024xf32, #tpu.memory_space<vmem>>
      tpu.wait_dma2 semaphore(%run_scoped3A_216 : memref<!tpu.dma_semaphore, #tpu.memory_space<semaphore_mem>>) src(%dma_wait3A_240 : memref<40x1024xf32, #tpu.memory_space<vmem>>) dst(%dma_wait3A_236 : memref<40x1024xf32, #tpu.memory_space<hbm>>)
      tpu.yield
    }) : () -> ()
    return
  }
}

module attributes {stable_mosaic.version = 14 : i64} {
  func.func @_router_body(%arg0: memref<4096x8xf32, #tpu.memory_space<vmem>>, %arg1: memref<1x1xf32, #tpu.memory_space<vmem>>, %arg2: memref<8192x2xf32, #tpu.memory_space<vmem>>, %arg3: memref<1x40xi32, #tpu.memory_space<vmem>>) attributes {dimension_semantics = [], scalar_prefetch = 0 : i64, scratch_operands = 0 : i64, tpu.core_type = #tpu.core_type<tc>} {
    %get3A = arith.constant 0 : index
    %get3A_0 = arith.constant 0 : index
    %get3A_1 = vector.load %arg0[%get3A, %get3A_0] : memref<4096x8xf32, #tpu.memory_space<vmem>>, vector<4096x8xf32>
    %iota3A = tpu.iota {dimensions = array<i32: 1>} : vector<4096x8xi32>
    %reduce_max3A = arith.constant dense<0xFF800000> : vector<4096xf32>
    %reduce_max3A_2 = vector.multi_reduction <maximumf>, %get3A_1, %reduce_max3A [1] : vector<4096x8xf32> to vector<4096xf32>
    %broadcast_in_dim3A = vector.shape_cast %reduce_max3A_2 : vector<4096xf32> to vector<4096x1xf32>
    %eq3A = vector.broadcast %broadcast_in_dim3A : vector<4096x1xf32> to vector<4096x8xf32>
    %eq3A_3 = arith.cmpf oeq, %get3A_1, %eq3A : vector<4096x8xf32>
    %jit3A = arith.constant 8 : i32
    %broadcast_in_dim3A_4 = vector.broadcast %jit3A : i32 to vector<4096x8xi32>
    %select_n3A = arith.select %eq3A_3, %iota3A, %broadcast_in_dim3A_4 : vector<4096x8xi1>, vector<4096x8xi32>
    %reduce_min3A = arith.constant dense<2147483647> : vector<4096xi32>
    %reduce_min3A_5 = vector.multi_reduction <minsi>, %select_n3A, %reduce_min3A [1] : vector<4096x8xi32> to vector<4096xi32>
    %broadcast_in_dim3A_6 = vector.shape_cast %reduce_min3A_5 : vector<4096xi32> to vector<4096x1xi32>
    %eq3A_7 = vector.broadcast %broadcast_in_dim3A_6 : vector<4096x1xi32> to vector<4096x8xi32>
    %eq3A_8 = arith.cmpi eq, %iota3A, %eq3A_7 : vector<4096x8xi32>
    %jit3A_9 = arith.constant 0xFF800000 : f32
    %broadcast_in_dim3A_10 = vector.broadcast %jit3A_9 : f32 to vector<4096x8xf32>
    %select_n3A_11 = arith.select %eq3A_8, %broadcast_in_dim3A_10, %get3A_1 : vector<4096x8xi1>, vector<4096x8xf32>
    %reduce_max3A_12 = arith.constant dense<0xFF800000> : vector<4096xf32>
    %reduce_max3A_13 = vector.multi_reduction <maximumf>, %select_n3A_11, %reduce_max3A_12 [1] : vector<4096x8xf32> to vector<4096xf32>
    %broadcast_in_dim3A_14 = vector.shape_cast %reduce_max3A_13 : vector<4096xf32> to vector<4096x1xf32>
    %eq3A_15 = vector.broadcast %broadcast_in_dim3A_14 : vector<4096x1xf32> to vector<4096x8xf32>
    %eq3A_16 = arith.cmpf oeq, %select_n3A_11, %eq3A_15 : vector<4096x8xf32>
    %jit3A_17 = arith.constant 8 : i32
    %broadcast_in_dim3A_18 = vector.broadcast %jit3A_17 : i32 to vector<4096x8xi32>
    %select_n3A_19 = arith.select %eq3A_16, %iota3A, %broadcast_in_dim3A_18 : vector<4096x8xi1>, vector<4096x8xi32>
    %reduce_min3A_20 = arith.constant dense<2147483647> : vector<4096xi32>
    %reduce_min3A_21 = vector.multi_reduction <minsi>, %select_n3A_19, %reduce_min3A_20 [1] : vector<4096x8xi32> to vector<4096xi32>
    %broadcast_in_dim3A_22 = vector.shape_cast %reduce_min3A_21 : vector<4096xi32> to vector<4096x1xi32>
    %sub3A = arith.subf %broadcast_in_dim3A, %broadcast_in_dim3A_14 : vector<4096x1xf32>
    %logistic3A = arith.negf %sub3A : vector<4096x1xf32>
    %logistic3A_23 = math.exp %logistic3A : vector<4096x1xf32>
    %logistic3A_24 = arith.constant 1.000000e+00 : f32
    %logistic3A_25 = vector.broadcast %logistic3A_24 : f32 to vector<4096x1xf32>
    %logistic3A_26 = arith.addf %logistic3A_25, %logistic3A_23 : vector<4096x1xf32>
    %logistic3A_27 = arith.divf %logistic3A_25, %logistic3A_26 : vector<4096x1xf32>
    %sub3A_28 = arith.constant 1.000000e+00 : f32
    %sub3A_29 = vector.broadcast %sub3A_28 : f32 to vector<4096x1xf32>
    %sub3A_30 = arith.subf %sub3A_29, %logistic3A_27 : vector<4096x1xf32>
    %eq3A_31 = vector.broadcast %broadcast_in_dim3A_6 : vector<4096x1xi32> to vector<4096x8xi32>
    %eq3A_32 = arith.cmpi eq, %iota3A, %eq3A_31 : vector<4096x8xi32>
    %convert_element_type3A = arith.extui %eq3A_32 : vector<4096x8xi1> to vector<4096x8xi32>
    %convert_element_type3A_33 = arith.sitofp %convert_element_type3A : vector<4096x8xi32> to vector<4096x8xf32>
    %eq3A_34 = vector.broadcast %broadcast_in_dim3A_22 : vector<4096x1xi32> to vector<4096x8xi32>
    %eq3A_35 = arith.cmpi eq, %iota3A, %eq3A_34 : vector<4096x8xi32>
    %convert_element_type3A_36 = arith.extui %eq3A_35 : vector<4096x8xi1> to vector<4096x8xi32>
    %convert_element_type3A_37 = arith.sitofp %convert_element_type3A_36 : vector<4096x8xi32> to vector<4096x8xf32>
    %reduce_sum3A = arith.constant dense<0.000000e+00> : vector<8xf32>
    %reduce_sum3A_38 = vector.multi_reduction <add>, %convert_element_type3A_33, %reduce_sum3A [0] : vector<4096x8xf32> to vector<8xf32>
    %reduce_sum3A_39 = vector.shape_cast %reduce_sum3A_38 : vector<8xf32> to vector<1x8xf32>
    %reduce_sum3A_40 = arith.constant dense<0.000000e+00> : vector<1xf32>
    %reduce_sum3A_41 = vector.multi_reduction <add>, %reduce_sum3A_39, %reduce_sum3A_40 [1] : vector<1x8xf32> to vector<1xf32>
    %reduce_sum3A_42 = vector.shape_cast %reduce_sum3A_41 : vector<1xf32> to vector<1x1xf32>
    %reduce_sum3A_43 = vector.extract %reduce_sum3A_42[0, 0] : f32 from vector<1x1xf32>
    %div3A = vector.broadcast %reduce_sum3A_43 : f32 to vector<8xf32>
    %div3A_44 = arith.divf %reduce_sum3A_38, %div3A : vector<8xf32>
    %sub3A_45 = arith.constant 1.250000e-01 : f32
    %sub3A_46 = vector.broadcast %sub3A_45 : f32 to vector<8xf32>
    %sub3A_47 = arith.subf %div3A_44, %sub3A_46 : vector<8xf32>
    %integer_pow3A = arith.mulf %sub3A_47, %sub3A_47 : vector<8xf32>
    %reduce_sum3A_48 = vector.shape_cast %integer_pow3A : vector<8xf32> to vector<1x8xf32>
    %reduce_sum3A_49 = arith.constant dense<0.000000e+00> : vector<1xf32>
    %reduce_sum3A_50 = vector.multi_reduction <add>, %reduce_sum3A_48, %reduce_sum3A_49 [1] : vector<1x8xf32> to vector<1xf32>
    %reduce_sum3A_51 = vector.shape_cast %reduce_sum3A_50 : vector<1xf32> to vector<1x1xf32>
    %reduce_sum3A_52 = vector.extract %reduce_sum3A_51[0, 0] : f32 from vector<1x1xf32>
    %div3A_53 = arith.constant 8.000000e+00 : f32
    %div3A_54 = arith.divf %reduce_sum3A_52, %div3A_53 : f32
    %reshape3A = vector.broadcast %div3A_54 : f32 to vector<1x1xf32>
    %swap3A = arith.constant 0 : index
    %swap3A_55 = arith.constant 0 : index
    %swap3A_56 = vector.load %arg1[%swap3A, %swap3A_55] : memref<1x1xf32, #tpu.memory_space<vmem>>, vector<1x1xf32>
    tpu.vector_store %arg1[%swap3A, %swap3A_55], %reshape3A {strides = array<i32>} : memref<1x1xf32, #tpu.memory_space<vmem>>, vector<1x1xf32>,
    %concatenate3A = tpu.concatenate %convert_element_type3A_33, %convert_element_type3A_37 in 0 : vector<4096x8xf32>, vector<4096x8xf32> -> vector<8192x8xf32>
    %reshape3A_57 = vector.shape_cast %concatenate3A : vector<8192x8xf32> to vector<64x128x8xf32>
    %iota3A_58 = tpu.iota {dimensions = array<i32: 0>} : vector<128x128xi32>
    %iota3A_59 = tpu.iota {dimensions = array<i32: 1>} : vector<128x128xi32>
    %lt3A = arith.cmpi slt, %iota3A_59, %iota3A_58 : vector<128x128xi32>
    %convert_element_type3A_60 = arith.extui %lt3A : vector<128x128xi1> to vector<128x128xi32>
    %convert_element_type3A_61 = arith.sitofp %convert_element_type3A_60 : vector<128x128xi32> to vector<128x128xf32>
    %broadcast_in_dim3A_62 = vector.shape_cast %convert_element_type3A_61 : vector<128x128xf32> to vector<1x128x128xf32>
    %broadcast_in_dim3A_63 = vector.shape_cast %broadcast_in_dim3A_62 : vector<1x128x128xf32> to vector<1x128x128xf32>
    %broadcast_in_dim3A_64 = vector.broadcast %broadcast_in_dim3A_63 : vector<1x128x128xf32> to vector<64x128x128xf32>
    %dot_general3A = arith.constant dense<0.000000e+00> : vector<64x128x8xf32>
    %dot_general3A_65 = tpu.matmul %broadcast_in_dim3A_64, %reshape3A_57, %dot_general3A {dimension_numbers = #tpu.dot_dimension_numbers<[2], [1], [1], [2], [0, 0, 0, 1, 1, 2], [0], [0]>, transpose_lhs_hint = false} : vector<64x128x128xf32>, vector<64x128x8xf32>, vector<64x128x8xf32> -> vector<64x128x8xf32>
    %reduce_sum3A_66 = arith.constant dense<0.000000e+00> : vector<64x8xf32>
    %reduce_sum3A_67 = vector.multi_reduction <add>, %reshape3A_57, %reduce_sum3A_66 [1] : vector<64x128x8xf32> to vector<64x8xf32>
    %iota3A_68 = tpu.iota {dimensions = array<i32: 0>} : vector<64x64xi32>
    %iota3A_69 = tpu.iota {dimensions = array<i32: 1>} : vector<64x64xi32>
    %lt3A_70 = arith.cmpi slt, %iota3A_69, %iota3A_68 : vector<64x64xi32>
    %convert_element_type3A_71 = arith.extui %lt3A_70 : vector<64x64xi1> to vector<64x64xi32>
    %convert_element_type3A_72 = arith.sitofp %convert_element_type3A_71 : vector<64x64xi32> to vector<64x64xf32>
    %dot_general3A_73 = arith.constant dense<0.000000e+00> : vector<64x8xf32>
    %dot_general3A_74 = tpu.matmul %convert_element_type3A_72, %reduce_sum3A_67, %dot_general3A_73 {dimension_numbers = #tpu.dot_dimension_numbers<[1], [0], [0], [1], [0, 0, 1, 1], [], []>, transpose_lhs_hint = false} : vector<64x64xf32>, vector<64x8xf32>, vector<64x8xf32> -> vector<64x8xf32>
    %broadcast_in_dim3A_75 = vector.shape_cast %dot_general3A_74 : vector<64x8xf32> to vector<64x1x8xf32>
    %add3A = vector.broadcast %broadcast_in_dim3A_75 : vector<64x1x8xf32> to vector<64x128x8xf32>
    %add3A_76 = arith.addf %dot_general3A_65, %add3A : vector<64x128x8xf32>
    %mul3A = arith.mulf %add3A_76, %reshape3A_57 : vector<64x128x8xf32>
    %reduce_sum3A_77 = arith.constant dense<0.000000e+00> : vector<64x128xf32>
    %reduce_sum3A_78 = vector.multi_reduction <add>, %mul3A, %reduce_sum3A_77 [2] : vector<64x128x8xf32> to vector<64x128xf32>
    %reshape3A_79 = vector.shape_cast %reduce_sum3A_78 : vector<64x128xf32> to vector<8192x1xf32>
    %broadcast_in_dim3A_80 = arith.constant 1.000000e+00 : f32
    %broadcast_in_dim3A_81 = vector.broadcast %broadcast_in_dim3A_80 : f32 to vector<64x1xf32>
    %dot_general3A_82 = arith.constant dense<0.000000e+00> : vector<8x1xf32>
    %dot_general3A_83 = tpu.matmul %reduce_sum3A_67, %broadcast_in_dim3A_81, %dot_general3A_82 {dimension_numbers = #tpu.dot_dimension_numbers<[0], [0], [1], [1], [0, 1, 1, 1], [], []>, transpose_lhs_hint = false} : vector<64x8xf32>, vector<64x1xf32>, vector<8x1xf32> -> vector<8x1xf32>
    %add3A_84 = arith.constant 2.550000e+02 : f32
    %add3A_85 = vector.broadcast %add3A_84 : f32 to vector<8x1xf32>
    %add3A_86 = arith.addf %dot_general3A_83, %add3A_85 : vector<8x1xf32>
    %mul3A_87 = arith.constant 3.906250e-03 : f32
    %mul3A_88 = vector.broadcast %mul3A_87 : f32 to vector<8x1xf32>
    %mul3A_89 = arith.mulf %add3A_86, %mul3A_88 : vector<8x1xf32>
    %floor3A = math.floor %mul3A_89 : vector<8x1xf32>
    %mul3A_90 = arith.constant 2.560000e+02 : f32
    %mul3A_91 = vector.broadcast %mul3A_90 : f32 to vector<8x1xf32>
    %mul3A_92 = arith.mulf %floor3A, %mul3A_91 : vector<8x1xf32>
    %iota3A_93 = tpu.iota {dimensions = array<i32: 0>} : vector<8x8xi32>
    %iota3A_94 = tpu.iota {dimensions = array<i32: 1>} : vector<8x8xi32>
    %lt3A_95 = arith.cmpi slt, %iota3A_94, %iota3A_93 : vector<8x8xi32>
    %convert_element_type3A_96 = arith.extui %lt3A_95 : vector<8x8xi1> to vector<8x8xi32>
    %convert_element_type3A_97 = arith.sitofp %convert_element_type3A_96 : vector<8x8xi32> to vector<8x8xf32>
    %le3A = arith.cmpi sle, %iota3A_94, %iota3A_93 : vector<8x8xi32>
    %convert_element_type3A_98 = arith.extui %le3A : vector<8x8xi1> to vector<8x8xi32>
    %convert_element_type3A_99 = arith.sitofp %convert_element_type3A_98 : vector<8x8xi32> to vector<8x8xf32>
    %dot_general3A_100 = arith.constant dense<0.000000e+00> : vector<8x1xf32>
    %dot_general3A_101 = tpu.matmul %convert_element_type3A_97, %mul3A_92, %dot_general3A_100 {dimension_numbers = #tpu.dot_dimension_numbers<[1], [0], [0], [1], [0, 0, 1, 1], [], []>, transpose_lhs_hint = false} : vector<8x8xf32>, vector<8x1xf32>, vector<8x1xf32> -> vector<8x1xf32>
    %mul3A_102 = arith.constant 3.906250e-03 : f32
    %mul3A_103 = vector.broadcast %mul3A_102 : f32 to vector<8x1xf32>
    %mul3A_104 = arith.mulf %mul3A_92, %mul3A_103 : vector<8x1xf32>
    %dot_general3A_105 = arith.constant dense<0.000000e+00> : vector<8x1xf32>
    %dot_general3A_106 = tpu.matmul %convert_element_type3A_99, %mul3A_104, %dot_general3A_105 {dimension_numbers = #tpu.dot_dimension_numbers<[1], [0], [0], [1], [0, 0, 1, 1], [], []>, transpose_lhs_hint = false} : vector<8x8xf32>, vector<8x1xf32>, vector<8x1xf32> -> vector<8x1xf32>
    %iota3A_107 = tpu.iota {dimensions = array<i32: 1>} : vector<1x40xi32>
    %convert_element_type3A_108 = arith.sitofp %iota3A_107 : vector<1x40xi32> to vector<1x40xf32>
    %le3A_109 = vector.broadcast %dot_general3A_106 : vector<8x1xf32> to vector<8x40xf32>
    %le3A_110 = vector.broadcast %convert_element_type3A_108 : vector<1x40xf32> to vector<8x40xf32>
    %le3A_111 = arith.cmpf ole, %le3A_109, %le3A_110 : vector<8x40xf32>
    %convert_element_type3A_112 = arith.extui %le3A_111 : vector<8x40xi1> to vector<8x40xi32>
    %convert_element_type3A_113 = arith.sitofp %convert_element_type3A_112 : vector<8x40xi32> to vector<8x40xf32>
    %reduce_sum3A_114 = arith.constant dense<0.000000e+00> : vector<40xf32>
    %reduce_sum3A_115 = vector.multi_reduction <add>, %convert_element_type3A_113, %reduce_sum3A_114 [0] : vector<8x40xf32> to vector<40xf32>
    %broadcast_in_dim3A_116 = vector.shape_cast %reduce_sum3A_115 : vector<40xf32> to vector<1x40xf32>
    %min3A = arith.constant 7.000000e+00 : f32
    %min3A_117 = vector.broadcast %min3A : f32 to vector<1x40xf32>
    %min3A_118 = arith.minimumf %broadcast_in_dim3A_116, %min3A_117 : vector<1x40xf32>
    %convert_element_type3A_119 = arith.fptosi %min3A_118 : vector<1x40xf32> to vector<1x40xi32>
    %swap3A_120 = arith.constant 0 : index
    %swap3A_121 = arith.constant 0 : index
    %swap3A_122 = vector.load %arg3[%swap3A_120, %swap3A_121] : memref<1x40xi32, #tpu.memory_space<vmem>>, vector<1x40xi32>
    tpu.vector_store %arg3[%swap3A_120, %swap3A_121], %convert_element_type3A_119 {strides = array<i32>} : memref<1x40xi32, #tpu.memory_space<vmem>>, vector<1x40xi32>,
    %dot_general3A_123 = arith.constant dense<0.000000e+00> : vector<8192x1xf32>
    %dot_general3A_124 = tpu.matmul %concatenate3A, %dot_general3A_101, %dot_general3A_123 {dimension_numbers = #tpu.dot_dimension_numbers<[1], [0], [0], [1], [0, 0, 1, 1], [], []>, transpose_lhs_hint = false} : vector<8192x8xf32>, vector<8x1xf32>, vector<8192x1xf32> -> vector<8192x1xf32>
    %add3A_125 = arith.addf %dot_general3A_124, %reshape3A_79 : vector<8192x1xf32>
    %concatenate3A_126 = tpu.concatenate %logistic3A_27, %sub3A_30 in 0 : vector<4096x1xf32>, vector<4096x1xf32> -> vector<8192x1xf32>
    %concatenate3A_127 = tpu.concatenate %add3A_125, %concatenate3A_126 in 1 : vector<8192x1xf32>, vector<8192x1xf32> -> vector<8192x2xf32>
    %swap3A_128 = arith.constant 0 : index
    %swap3A_129 = arith.constant 0 : index
    %swap3A_130 = vector.load %arg2[%swap3A_128, %swap3A_129] : memref<8192x2xf32, #tpu.memory_space<vmem>>, vector<8192x2xf32>
    tpu.vector_store %arg2[%swap3A_128, %swap3A_129], %concatenate3A_127 {strides = array<i32>} : memref<8192x2xf32, #tpu.memory_space<vmem>>, vector<8192x2xf32>,
    return
  }
}

module attributes {stable_mosaic.version = 14 : i64} {
  func.func @_invperm_body(%arg0: i32, %arg1: memref<8192x2xf32, #tpu.memory_space<vmem>>, %arg2: memref<1x1x512xi32, #tpu.memory_space<vmem>>, %arg3: memref<1x1x512xf32, #tpu.memory_space<vmem>>, %arg4: memref<1x1x512xi32, #tpu.memory_space<vmem>>) attributes {dimension_semantics = [#tpu.dimension_semantics<arbitrary>], iteration_bounds = array<i64: 20>, scalar_prefetch = 0 : i64, scratch_operands = 0 : i64, tpu.core_type = #tpu.core_type<tc>, window_params = [{pipeline_mode = #tpu.pipeline_mode<synchronous>, transform_indices = @transform_0, window_bounds = array<i64: 8192, 2>}, {transform_indices = @transform_1, window_bounds = array<i64: 1, 1, 512>}, {transform_indices = @transform_2, window_bounds = array<i64: 1, 1, 512>}, {transform_indices = @transform_3, window_bounds = array<i64: 1, 1, 512>}]} {
    %get3A = arith.constant 0 : index
    %get3A_0 = arith.constant 0 : index
    %get3A_1 = vector.load %arg1[%get3A, %get3A_0] : memref<8192x2xf32, #tpu.memory_space<vmem>>, vector<8192x1xf32>
    %get3A_2 = arith.constant 0 : index
    %get3A_3 = arith.constant 1 : index
    %get3A_4 = vector.load %arg1[%get3A_2, %get3A_3] : memref<8192x2xf32, #tpu.memory_space<vmem>>, vector<8192x1xf32>
    %iota3A = tpu.iota {dimensions = array<i32: 0>} : vector<8192x1xi32>
    %ge3A = arith.constant 4096 : i32
    %ge3A_5 = vector.broadcast %ge3A : i32 to vector<8192x1xi32>
    %ge3A_6 = arith.cmpi sge, %iota3A, %ge3A_5 : vector<8192x1xi32>
    %convert_element_type3A = arith.extui %ge3A_6 : vector<8192x1xi1> to vector<8192x1xi32>
    %mul3A = arith.constant 4096 : i32
    %mul3A_7 = vector.broadcast %mul3A : i32 to vector<8192x1xi32>
    %mul3A_8 = arith.muli %convert_element_type3A, %mul3A_7 : vector<8192x1xi32>
    %sub3A = arith.subi %iota3A, %mul3A_8 : vector<8192x1xi32>
    %convert_element_type3A_9 = arith.sitofp %sub3A : vector<8192x1xi32> to vector<8192x1xf32>
    %mul3A_10 = arith.constant 1.562500e-02 : f32
    %mul3A_11 = vector.broadcast %mul3A_10 : f32 to vector<8192x1xf32>
    %mul3A_12 = arith.mulf %convert_element_type3A_9, %mul3A_11 : vector<8192x1xf32>
    %floor3A = math.floor %mul3A_12 : vector<8192x1xf32>
    %mul3A_13 = arith.constant 6.400000e+01 : f32
    %mul3A_14 = vector.broadcast %mul3A_13 : f32 to vector<8192x1xf32>
    %mul3A_15 = arith.mulf %floor3A, %mul3A_14 : vector<8192x1xf32>
    %sub3A_16 = arith.subf %convert_element_type3A_9, %mul3A_15 : vector<8192x1xf32>
    %convert_element_type3A_17 = arith.sitofp %convert_element_type3A : vector<8192x1xi32> to vector<8192x1xf32>
    %broadcast_in_dim3A = arith.constant 1.000000e+00 : f32
    %broadcast_in_dim3A_18 = vector.broadcast %broadcast_in_dim3A : f32 to vector<8192x1xf32>
    %concatenate3A = tpu.concatenate %floor3A, %sub3A_16, %get3A_4, %convert_element_type3A_17, %broadcast_in_dim3A_18 in 1 : vector<8192x1xf32>, vector<8192x1xf32>, vector<8192x1xf32>, vector<8192x1xf32>, vector<8192x1xf32> -> vector<8192x5xf32>
    %mul3A_19 = arith.constant 512 : i32
    %mul3A_20 = arith.muli %arg0, %mul3A_19 : i32
    %iota3A_21 = tpu.iota {dimensions = array<i32: 1>} : vector<1x512xi32>
    %convert_element_type3A_22 = arith.sitofp %iota3A_21 : vector<1x512xi32> to vector<1x512xf32>
    %convert_element_type3A_23 = arith.sitofp %mul3A_20 : i32 to f32
    %add3A = vector.broadcast %convert_element_type3A_23 : f32 to vector<1x512xf32>
    %add3A_24 = arith.addf %add3A, %convert_element_type3A_22 : vector<1x512xf32>
    %eq3A = vector.broadcast %get3A_1 : vector<8192x1xf32> to vector<8192x512xf32>
    %eq3A_25 = vector.broadcast %add3A_24 : vector<1x512xf32> to vector<8192x512xf32>
    %eq3A_26 = arith.cmpf oeq, %eq3A, %eq3A_25 : vector<8192x512xf32>
    %convert_element_type3A_27 = arith.extui %eq3A_26 : vector<8192x512xi1> to vector<8192x512xi32>
    %convert_element_type3A_28 = arith.sitofp %convert_element_type3A_27 : vector<8192x512xi32> to vector<8192x512xf32>
    %dot_general3A = arith.constant dense<0.000000e+00> : vector<512x5xf32>
    %dot_general3A_29 = tpu.matmul %convert_element_type3A_28, %concatenate3A, %dot_general3A {dimension_numbers = #tpu.dot_dimension_numbers<[0], [0], [1], [1], [0, 1, 1, 1], [], []>, precision = #tpu.contract_precision<fp32>, transpose_lhs_hint = false} : vector<8192x512xf32>, vector<8192x5xf32>, vector<512x5xf32> -> vector<512x5xf32>
    %slice3A = vector.extract_strided_slice %dot_general3A_29 {offsets = [0, 0], sizes = [512, 1], strides = [1, 1]} : vector<512x5xf32> to vector<512x1xf32>
    %squeeze3A = vector.shape_cast %slice3A : vector<512x1xf32> to vector<512xf32>
    %mul3A_30 = arith.constant 6.400000e+01 : f32
    %mul3A_31 = vector.broadcast %mul3A_30 : f32 to vector<512xf32>
    %mul3A_32 = arith.mulf %squeeze3A, %mul3A_31 : vector<512xf32>
    %slice3A_33 = vector.extract_strided_slice %dot_general3A_29 {offsets = [0, 1], sizes = [512, 1], strides = [1, 1]} : vector<512x5xf32> to vector<512x1xf32>
    %squeeze3A_34 = vector.shape_cast %slice3A_33 : vector<512x1xf32> to vector<512xf32>
    %add3A_35 = arith.addf %mul3A_32, %squeeze3A_34 : vector<512xf32>
    %slice3A_36 = vector.extract_strided_slice %dot_general3A_29 {offsets = [0, 2], sizes = [512, 1], strides = [1, 1]} : vector<512x5xf32> to vector<512x1xf32>
    %squeeze3A_37 = vector.shape_cast %slice3A_36 : vector<512x1xf32> to vector<512xf32>
    %slice3A_38 = vector.extract_strided_slice %dot_general3A_29 {offsets = [0, 3], sizes = [512, 1], strides = [1, 1]} : vector<512x5xf32> to vector<512x1xf32>
    %squeeze3A_39 = vector.shape_cast %slice3A_38 : vector<512x1xf32> to vector<512xf32>
    %slice3A_40 = vector.extract_strided_slice %dot_general3A_29 {offsets = [0, 4], sizes = [512, 1], strides = [1, 1]} : vector<512x5xf32> to vector<512x1xf32>
    %squeeze3A_41 = vector.shape_cast %slice3A_40 : vector<512x1xf32> to vector<512xf32>
    %gt3A = arith.constant 5.000000e-01 : f32
    %gt3A_42 = vector.broadcast %gt3A : f32 to vector<512xf32>
    %gt3A_43 = arith.cmpf ogt, %squeeze3A_41, %gt3A_42 : vector<512xf32>
    %mul3A_44 = arith.constant 4.096000e+03 : f32
    %mul3A_45 = vector.broadcast %mul3A_44 : f32 to vector<512xf32>
    %mul3A_46 = arith.mulf %squeeze3A_39, %mul3A_45 : vector<512xf32>
    %add3A_47 = arith.addf %mul3A_46, %add3A_35 : vector<512xf32>
    %jit3A = arith.constant 8.192000e+03 : f32
    %broadcast_in_dim3A_48 = vector.broadcast %jit3A : f32 to vector<512xf32>
    %select_n3A = arith.select %gt3A_43, %add3A_47, %broadcast_in_dim3A_48 : vector<512xi1>, vector<512xf32>
    %convert_element_type3A_49 = arith.fptosi %add3A_35 : vector<512xf32> to vector<512xi32>
    %swap3A = arith.constant 0 : index
    %swap3A_50 = arith.constant 0 : index
    %swap3A_51 = arith.constant 0 : index
    %swap3A_52 = vector.load %arg2[%swap3A, %swap3A_50, %swap3A_51] : memref<1x1x512xi32, #tpu.memory_space<vmem>>, vector<1x1x512xi32>
    %swap3A_53 = vector.shape_cast %swap3A_52 : vector<1x1x512xi32> to vector<512xi32>
    %swap3A_54 = vector.shape_cast %convert_element_type3A_49 : vector<512xi32> to vector<1x1x512xi32>
    tpu.vector_store %arg2[%swap3A, %swap3A_50, %swap3A_51], %swap3A_54 {strides = array<i32>} : memref<1x1x512xi32, #tpu.memory_space<vmem>>, vector<1x1x512xi32>,
    %swap3A_55 = arith.constant 0 : index
    %swap3A_56 = arith.constant 0 : index
    %swap3A_57 = arith.constant 0 : index
    %swap3A_58 = vector.load %arg3[%swap3A_55, %swap3A_56, %swap3A_57] : memref<1x1x512xf32, #tpu.memory_space<vmem>>, vector<1x1x512xf32>
    %swap3A_59 = vector.shape_cast %swap3A_58 : vector<1x1x512xf32> to vector<512xf32>
    %swap3A_60 = vector.shape_cast %squeeze3A_37 : vector<512xf32> to vector<1x1x512xf32>
    tpu.vector_store %arg3[%swap3A_55, %swap3A_56, %swap3A_57], %swap3A_60 {strides = array<i32>} : memref<1x1x512xf32, #tpu.memory_space<vmem>>, vector<1x1x512xf32>,
    %convert_element_type3A_61 = arith.fptosi %select_n3A : vector<512xf32> to vector<512xi32>
    %swap3A_62 = arith.constant 0 : index
    %swap3A_63 = arith.constant 0 : index
    %swap3A_64 = arith.constant 0 : index
    %swap3A_65 = vector.load %arg4[%swap3A_62, %swap3A_63, %swap3A_64] : memref<1x1x512xi32, #tpu.memory_space<vmem>>, vector<1x1x512xi32>
    %swap3A_66 = vector.shape_cast %swap3A_65 : vector<1x1x512xi32> to vector<512xi32>
    %swap3A_67 = vector.shape_cast %convert_element_type3A_61 : vector<512xi32> to vector<1x1x512xi32>
    tpu.vector_store %arg4[%swap3A_62, %swap3A_63, %swap3A_64], %swap3A_67 {strides = array<i32>} : memref<1x1x512xi32, #tpu.memory_space<vmem>>, vector<1x1x512xi32>,
    return
  }
  func.func @transform_0(%arg0: i32) -> (i32, i32) {
    %c0_i32 = arith.constant 0 : i32
    %c0_i32_0 = arith.constant 0 : i32
    %c0_i32_1 = arith.constant 0 : i32
    return %c0_i32, %c0_i32_0 : i32, i32
  }
  func.func @transform_1(%arg0: i32) -> (i32, i32, i32) {
    %c0_i32 = arith.constant 0 : i32
    %c0_i32_0 = arith.constant 0 : i32
    %c0_i32_1 = arith.constant 0 : i32
    return %arg0, %c0_i32, %c0_i32_0 : i32, i32, i32
  }
  func.func @transform_2(%arg0: i32) -> (i32, i32, i32) {
    %c0_i32 = arith.constant 0 : i32
    %c0_i32_0 = arith.constant 0 : i32
    %c0_i32_1 = arith.constant 0 : i32
    return %arg0, %c0_i32, %c0_i32_0 : i32, i32, i32
  }
  func.func @transform_3(%arg0: i32) -> (i32, i32, i32) {
    %c0_i32 = arith.constant 0 : i32
    %c0_i32_0 = arith.constant 0 : i32
    %c0_i32_1 = arith.constant 0 : i32
    return %arg0, %c0_i32, %c0_i32_0 : i32, i32, i32
  }
}

module attributes {stable_mosaic.version = 14 : i64} {
  func.func @_grouped_body_first(%arg0: i32, %arg1: memref<40xi32, #tpu.memory_space<smem>>, %arg2: memref<256x1024xf32, #tpu.memory_space<vmem>>, %arg3: memref<1x1024x1024xf32, #tpu.memory_space<vmem>>, %arg4: memref<1x1024x1024xf32, #tpu.memory_space<vmem>>, %arg5: memref<1x1024x1024xf32, #tpu.memory_space<vmem>>, %arg6: memref<256x1024xf32, #tpu.memory_space<vmem>>) attributes {dimension_semantics = [#tpu.dimension_semantics<arbitrary>], iteration_bounds = array<i64: 40>, scalar_prefetch = 1 : i64, scratch_operands = 0 : i64, tpu.core_type = #tpu.core_type<tc>, window_params = [{transform_indices = @transform_0, window_bounds = array<i64: 256, 1024>}, {transform_indices = @transform_1, window_bounds = array<i64: 1, 1024, 1024>}, {transform_indices = @transform_2, window_bounds = array<i64: 1, 1024, 1024>}, {transform_indices = @transform_3, window_bounds = array<i64: 1, 1024, 1024>}, {transform_indices = @transform_4, window_bounds = array<i64: 256, 1024>}]} {
    %get3A = arith.constant 0 : index
    %get3A_0 = arith.constant 0 : index
    %get3A_1 = vector.load %arg2[%get3A, %get3A_0] : memref<256x1024xf32, #tpu.memory_space<vmem>>, vector<256x1024xf32>
    %get3A_2 = arith.constant 0 : index
    %get3A_3 = arith.constant 0 : index
    %get3A_4 = arith.constant 0 : index
    %get3A_5 = vector.load %arg3[%get3A_2, %get3A_3, %get3A_4] : memref<1x1024x1024xf32, #tpu.memory_space<vmem>>, vector<1x1024x1024xf32>
    %get3A_6 = vector.shape_cast %get3A_5 : vector<1x1024x1024xf32> to vector<1024x1024xf32>
    %dot_general3A = arith.constant dense<0.000000e+00> : vector<256x1024xf32>
    %dot_general3A_7 = tpu.matmul %get3A_1, %get3A_6, %dot_general3A {dimension_numbers = #tpu.dot_dimension_numbers<[1], [0], [0], [1], [0, 0, 1, 1], [], []>, transpose_lhs_hint = false} : vector<256x1024xf32>, vector<1024x1024xf32>, vector<256x1024xf32> -> vector<256x1024xf32>
    %get3A_8 = arith.constant 0 : index
    %get3A_9 = arith.constant 0 : index
    %get3A_10 = arith.constant 0 : index
    %get3A_11 = vector.load %arg4[%get3A_8, %get3A_9, %get3A_10] : memref<1x1024x1024xf32, #tpu.memory_space<vmem>>, vector<1x1024x1024xf32>
    %get3A_12 = vector.shape_cast %get3A_11 : vector<1x1024x1024xf32> to vector<1024x1024xf32>
    %dot_general3A_13 = arith.constant dense<0.000000e+00> : vector<256x1024xf32>
    %dot_general3A_14 = tpu.matmul %get3A_1, %get3A_12, %dot_general3A_13 {dimension_numbers = #tpu.dot_dimension_numbers<[1], [0], [0], [1], [0, 0, 1, 1], [], []>, transpose_lhs_hint = false} : vector<256x1024xf32>, vector<1024x1024xf32>, vector<256x1024xf32> -> vector<256x1024xf32>
    %logistic3A = arith.negf %dot_general3A_7 : vector<256x1024xf32>
    %logistic3A_15 = math.exp %logistic3A : vector<256x1024xf32>
    %logistic3A_16 = arith.constant 1.000000e+00 : f32
    %logistic3A_17 = vector.broadcast %logistic3A_16 : f32 to vector<256x1024xf32>
    %logistic3A_18 = arith.addf %logistic3A_17, %logistic3A_15 : vector<256x1024xf32>
    %logistic3A_19 = arith.divf %logistic3A_17, %logistic3A_18 : vector<256x1024xf32>
    %mul3A = arith.mulf %dot_general3A_7, %logistic3A_19 : vector<256x1024xf32>
    %mul3A_20 = arith.mulf %mul3A, %dot_general3A_14 : vector<256x1024xf32>
    %get3A_21 = arith.constant 0 : index
    %get3A_22 = arith.constant 0 : index
    %get3A_23 = arith.constant 0 : index
    %get3A_24 = vector.load %arg5[%get3A_21, %get3A_22, %get3A_23] : memref<1x1024x1024xf32, #tpu.memory_space<vmem>>, vector<1x1024x1024xf32>
    %get3A_25 = vector.shape_cast %get3A_24 : vector<1x1024x1024xf32> to vector<1024x1024xf32>
    %dot_general3A_26 = arith.constant dense<0.000000e+00> : vector<256x1024xf32>
    %dot_general3A_27 = tpu.matmul %mul3A_20, %get3A_25, %dot_general3A_26 {dimension_numbers = #tpu.dot_dimension_numbers<[1], [0], [0], [1], [0, 0, 1, 1], [], []>, transpose_lhs_hint = false} : vector<256x1024xf32>, vector<1024x1024xf32>, vector<256x1024xf32> -> vector<256x1024xf32>
    %swap3A = arith.constant 0 : index
    %swap3A_28 = arith.constant 0 : index
    %swap3A_29 = vector.load %arg6[%swap3A, %swap3A_28] : memref<256x1024xf32, #tpu.memory_space<vmem>>, vector<256x1024xf32>
    tpu.vector_store %arg6[%swap3A, %swap3A_28], %dot_general3A_27 {strides = array<i32>} : memref<256x1024xf32, #tpu.memory_space<vmem>>, vector<256x1024xf32>,
    return
  }
  func.func @transform_0(%arg0: i32, %arg1: memref<40xi32, #tpu.memory_space<smem>>) -> (i32, i32) {
    %c0_i32 = arith.constant 0 : i32
    %c0_i32_0 = arith.constant 0 : i32
    return %arg0, %c0_i32 : i32, i32
  }
  func.func @transform_1(%arg0: i32, %arg1: memref<40xi32, #tpu.memory_space<smem>>) -> (i32, i32, i32) {
    %get3A = arith.index_cast %arg0 : i32 to index
    %get3A_0 = memref.load %arg1[%get3A] : memref<40xi32, #tpu.memory_space<smem>>
    %c0_i32 = arith.constant 0 : i32
    %c0_i32_1 = arith.constant 0 : i32
    %c0_i32_2 = arith.constant 0 : i32
    return %get3A_0, %c0_i32, %c0_i32_1 : i32, i32, i32
  }
  func.func @transform_2(%arg0: i32, %arg1: memref<40xi32, #tpu.memory_space<smem>>) -> (i32, i32, i32) {
    %get3A = arith.index_cast %arg0 : i32 to index
    %get3A_0 = memref.load %arg1[%get3A] : memref<40xi32, #tpu.memory_space<smem>>
    %c0_i32 = arith.constant 0 : i32
    %c4_i32 = arith.constant 4 : i32
    %c0_i32_1 = arith.constant 0 : i32
    return %get3A_0, %c0_i32, %c4_i32 : i32, i32, i32
  }
  func.func @transform_3(%arg0: i32, %arg1: memref<40xi32, #tpu.memory_space<smem>>) -> (i32, i32, i32) {
    %get3A = arith.index_cast %arg0 : i32 to index
    %get3A_0 = memref.load %arg1[%get3A] : memref<40xi32, #tpu.memory_space<smem>>
    %c0_i32 = arith.constant 0 : i32
    %c0_i32_1 = arith.constant 0 : i32
    %c0_i32_2 = arith.constant 0 : i32
    return %get3A_0, %c0_i32, %c0_i32_1 : i32, i32, i32
  }
  func.func @transform_4(%arg0: i32, %arg1: memref<40xi32, #tpu.memory_space<smem>>) -> (i32, i32) {
    %c0_i32 = arith.constant 0 : i32
    %c0_i32_0 = arith.constant 0 : i32
    return %arg0, %c0_i32 : i32, i32
  }
}

module attributes {stable_mosaic.version = 14 : i64} {
  func.func @_grouped_body_acc(%arg0: i32, %arg1: memref<40xi32, #tpu.memory_space<smem>>, %arg2: memref<256x1024xf32, #tpu.memory_space<vmem>>, %arg3: memref<1x1024x1024xf32, #tpu.memory_space<vmem>>, %arg4: memref<1x1024x1024xf32, #tpu.memory_space<vmem>>, %arg5: memref<1x1024x1024xf32, #tpu.memory_space<vmem>>, %arg6: memref<256x1024xf32, #tpu.memory_space<vmem>>, %arg7: memref<256x1024xf32, #tpu.memory_space<vmem>>) attributes {dimension_semantics = [#tpu.dimension_semantics<arbitrary>], iteration_bounds = array<i64: 40>, scalar_prefetch = 1 : i64, scratch_operands = 0 : i64, tpu.core_type = #tpu.core_type<tc>, window_params = [{transform_indices = @transform_0, window_bounds = array<i64: 256, 1024>}, {transform_indices = @transform_1, window_bounds = array<i64: 1, 1024, 1024>}, {transform_indices = @transform_2, window_bounds = array<i64: 1, 1024, 1024>}, {transform_indices = @transform_3, window_bounds = array<i64: 1, 1024, 1024>}, {transform_indices = @transform_4, window_bounds = array<i64: 256, 1024>}, {transform_indices = @transform_5, window_bounds = array<i64: 256, 1024>}]} {
    %get3A = arith.constant 0 : index
    %get3A_0 = arith.constant 0 : index
    %get3A_1 = vector.load %arg2[%get3A, %get3A_0] : memref<256x1024xf32, #tpu.memory_space<vmem>>, vector<256x1024xf32>
    %get3A_2 = arith.constant 0 : index
    %get3A_3 = arith.constant 0 : index
    %get3A_4 = arith.constant 0 : index
    %get3A_5 = vector.load %arg3[%get3A_2, %get3A_3, %get3A_4] : memref<1x1024x1024xf32, #tpu.memory_space<vmem>>, vector<1x1024x1024xf32>
    %get3A_6 = vector.shape_cast %get3A_5 : vector<1x1024x1024xf32> to vector<1024x1024xf32>
    %dot_general3A = arith.constant dense<0.000000e+00> : vector<256x1024xf32>
    %dot_general3A_7 = tpu.matmul %get3A_1, %get3A_6, %dot_general3A {dimension_numbers = #tpu.dot_dimension_numbers<[1], [0], [0], [1], [0, 0, 1, 1], [], []>, transpose_lhs_hint = false} : vector<256x1024xf32>, vector<1024x1024xf32>, vector<256x1024xf32> -> vector<256x1024xf32>
    %get3A_8 = arith.constant 0 : index
    %get3A_9 = arith.constant 0 : index
    %get3A_10 = arith.constant 0 : index
    %get3A_11 = vector.load %arg4[%get3A_8, %get3A_9, %get3A_10] : memref<1x1024x1024xf32, #tpu.memory_space<vmem>>, vector<1x1024x1024xf32>
    %get3A_12 = vector.shape_cast %get3A_11 : vector<1x1024x1024xf32> to vector<1024x1024xf32>
    %dot_general3A_13 = arith.constant dense<0.000000e+00> : vector<256x1024xf32>
    %dot_general3A_14 = tpu.matmul %get3A_1, %get3A_12, %dot_general3A_13 {dimension_numbers = #tpu.dot_dimension_numbers<[1], [0], [0], [1], [0, 0, 1, 1], [], []>, transpose_lhs_hint = false} : vector<256x1024xf32>, vector<1024x1024xf32>, vector<256x1024xf32> -> vector<256x1024xf32>
    %logistic3A = arith.negf %dot_general3A_7 : vector<256x1024xf32>
    %logistic3A_15 = math.exp %logistic3A : vector<256x1024xf32>
    %logistic3A_16 = arith.constant 1.000000e+00 : f32
    %logistic3A_17 = vector.broadcast %logistic3A_16 : f32 to vector<256x1024xf32>
    %logistic3A_18 = arith.addf %logistic3A_17, %logistic3A_15 : vector<256x1024xf32>
    %logistic3A_19 = arith.divf %logistic3A_17, %logistic3A_18 : vector<256x1024xf32>
    %mul3A = arith.mulf %dot_general3A_7, %logistic3A_19 : vector<256x1024xf32>
    %mul3A_20 = arith.mulf %mul3A, %dot_general3A_14 : vector<256x1024xf32>
    %get3A_21 = arith.constant 0 : index
    %get3A_22 = arith.constant 0 : index
    %get3A_23 = vector.load %arg6[%get3A_21, %get3A_22] : memref<256x1024xf32, #tpu.memory_space<vmem>>, vector<256x1024xf32>
    %get3A_24 = arith.constant 0 : index
    %get3A_25 = arith.constant 0 : index
    %get3A_26 = arith.constant 0 : index
    %get3A_27 = vector.load %arg5[%get3A_24, %get3A_25, %get3A_26] : memref<1x1024x1024xf32, #tpu.memory_space<vmem>>, vector<1x1024x1024xf32>
    %get3A_28 = vector.shape_cast %get3A_27 : vector<1x1024x1024xf32> to vector<1024x1024xf32>
    %dot_general3A_29 = arith.constant dense<0.000000e+00> : vector<256x1024xf32>
    %dot_general3A_30 = tpu.matmul %mul3A_20, %get3A_28, %dot_general3A_29 {dimension_numbers = #tpu.dot_dimension_numbers<[1], [0], [0], [1], [0, 0, 1, 1], [], []>, transpose_lhs_hint = false} : vector<256x1024xf32>, vector<1024x1024xf32>, vector<256x1024xf32> -> vector<256x1024xf32>
    %add3A = arith.addf %get3A_23, %dot_general3A_30 : vector<256x1024xf32>
    %swap3A = arith.constant 0 : index
    %swap3A_31 = arith.constant 0 : index
    %swap3A_32 = vector.load %arg7[%swap3A, %swap3A_31] : memref<256x1024xf32, #tpu.memory_space<vmem>>, vector<256x1024xf32>
    tpu.vector_store %arg7[%swap3A, %swap3A_31], %add3A {strides = array<i32>} : memref<256x1024xf32, #tpu.memory_space<vmem>>, vector<256x1024xf32>,
    return
  }
  func.func @transform_0(%arg0: i32, %arg1: memref<40xi32, #tpu.memory_space<smem>>) -> (i32, i32) {
    %c0_i32 = arith.constant 0 : i32
    %c0_i32_0 = arith.constant 0 : i32
    return %arg0, %c0_i32 : i32, i32
  }
  func.func @transform_1(%arg0: i32, %arg1: memref<40xi32, #tpu.memory_space<smem>>) -> (i32, i32, i32) {
    %get3A = arith.index_cast %arg0 : i32 to index
    %get3A_0 = memref.load %arg1[%get3A] : memref<40xi32, #tpu.memory_space<smem>>
    %c0_i32 = arith.constant 0 : i32
    %c1_i32 = arith.constant 1 : i32
    %c0_i32_1 = arith.constant 0 : i32
    return %get3A_0, %c0_i32, %c1_i32 : i32, i32, i32
  }
  func.func @transform_2(%arg0: i32, %arg1: memref<40xi32, #tpu.memory_space<smem>>) -> (i32, i32, i32) {
    %get3A = arith.index_cast %arg0 : i32 to index
    %get3A_0 = memref.load %arg1[%get3A] : memref<40xi32, #tpu.memory_space<smem>>
    %c0_i32 = arith.constant 0 : i32
    %c5_i32 = arith.constant 5 : i32
    %c0_i32_1 = arith.constant 0 : i32
    return %get3A_0, %c0_i32, %c5_i32 : i32, i32, i32
  }
  func.func @transform_3(%arg0: i32, %arg1: memref<40xi32, #tpu.memory_space<smem>>) -> (i32, i32, i32) {
    %get3A = arith.index_cast %arg0 : i32 to index
    %get3A_0 = memref.load %arg1[%get3A] : memref<40xi32, #tpu.memory_space<smem>>
    %c1_i32 = arith.constant 1 : i32
    %c0_i32 = arith.constant 0 : i32
    %c0_i32_1 = arith.constant 0 : i32
    return %get3A_0, %c1_i32, %c0_i32 : i32, i32, i32
  }
  func.func @transform_4(%arg0: i32, %arg1: memref<40xi32, #tpu.memory_space<smem>>) -> (i32, i32) {
    %c0_i32 = arith.constant 0 : i32
    %c0_i32_0 = arith.constant 0 : i32
    return %arg0, %c0_i32 : i32, i32
  }
  func.func @transform_5(%arg0: i32, %arg1: memref<40xi32, #tpu.memory_space<smem>>) -> (i32, i32) {
    %c0_i32 = arith.constant 0 : i32
    %c0_i32_0 = arith.constant 0 : i32
    return %arg0, %c0_i32 : i32, i32
  }
}

module attributes {stable_mosaic.version = 14 : i64} {
  func.func @_grouped_body_acc(%arg0: i32, %arg1: memref<40xi32, #tpu.memory_space<smem>>, %arg2: memref<256x1024xf32, #tpu.memory_space<vmem>>, %arg3: memref<1x1024x1024xf32, #tpu.memory_space<vmem>>, %arg4: memref<1x1024x1024xf32, #tpu.memory_space<vmem>>, %arg5: memref<1x1024x1024xf32, #tpu.memory_space<vmem>>, %arg6: memref<256x1024xf32, #tpu.memory_space<vmem>>, %arg7: memref<256x1024xf32, #tpu.memory_space<vmem>>) attributes {dimension_semantics = [#tpu.dimension_semantics<arbitrary>], iteration_bounds = array<i64: 40>, scalar_prefetch = 1 : i64, scratch_operands = 0 : i64, tpu.core_type = #tpu.core_type<tc>, window_params = [{transform_indices = @transform_0, window_bounds = array<i64: 256, 1024>}, {transform_indices = @transform_1, window_bounds = array<i64: 1, 1024, 1024>}, {transform_indices = @transform_2, window_bounds = array<i64: 1, 1024, 1024>}, {transform_indices = @transform_3, window_bounds = array<i64: 1, 1024, 1024>}, {transform_indices = @transform_4, window_bounds = array<i64: 256, 1024>}, {transform_indices = @transform_5, window_bounds = array<i64: 256, 1024>}]} {
    %get3A = arith.constant 0 : index
    %get3A_0 = arith.constant 0 : index
    %get3A_1 = vector.load %arg2[%get3A, %get3A_0] : memref<256x1024xf32, #tpu.memory_space<vmem>>, vector<256x1024xf32>
    %get3A_2 = arith.constant 0 : index
    %get3A_3 = arith.constant 0 : index
    %get3A_4 = arith.constant 0 : index
    %get3A_5 = vector.load %arg3[%get3A_2, %get3A_3, %get3A_4] : memref<1x1024x1024xf32, #tpu.memory_space<vmem>>, vector<1x1024x1024xf32>
    %get3A_6 = vector.shape_cast %get3A_5 : vector<1x1024x1024xf32> to vector<1024x1024xf32>
    %dot_general3A = arith.constant dense<0.000000e+00> : vector<256x1024xf32>
    %dot_general3A_7 = tpu.matmul %get3A_1, %get3A_6, %dot_general3A {dimension_numbers = #tpu.dot_dimension_numbers<[1], [0], [0], [1], [0, 0, 1, 1], [], []>, transpose_lhs_hint = false} : vector<256x1024xf32>, vector<1024x1024xf32>, vector<256x1024xf32> -> vector<256x1024xf32>
    %get3A_8 = arith.constant 0 : index
    %get3A_9 = arith.constant 0 : index
    %get3A_10 = arith.constant 0 : index
    %get3A_11 = vector.load %arg4[%get3A_8, %get3A_9, %get3A_10] : memref<1x1024x1024xf32, #tpu.memory_space<vmem>>, vector<1x1024x1024xf32>
    %get3A_12 = vector.shape_cast %get3A_11 : vector<1x1024x1024xf32> to vector<1024x1024xf32>
    %dot_general3A_13 = arith.constant dense<0.000000e+00> : vector<256x1024xf32>
    %dot_general3A_14 = tpu.matmul %get3A_1, %get3A_12, %dot_general3A_13 {dimension_numbers = #tpu.dot_dimension_numbers<[1], [0], [0], [1], [0, 0, 1, 1], [], []>, transpose_lhs_hint = false} : vector<256x1024xf32>, vector<1024x1024xf32>, vector<256x1024xf32> -> vector<256x1024xf32>
    %logistic3A = arith.negf %dot_general3A_7 : vector<256x1024xf32>
    %logistic3A_15 = math.exp %logistic3A : vector<256x1024xf32>
    %logistic3A_16 = arith.constant 1.000000e+00 : f32
    %logistic3A_17 = vector.broadcast %logistic3A_16 : f32 to vector<256x1024xf32>
    %logistic3A_18 = arith.addf %logistic3A_17, %logistic3A_15 : vector<256x1024xf32>
    %logistic3A_19 = arith.divf %logistic3A_17, %logistic3A_18 : vector<256x1024xf32>
    %mul3A = arith.mulf %dot_general3A_7, %logistic3A_19 : vector<256x1024xf32>
    %mul3A_20 = arith.mulf %mul3A, %dot_general3A_14 : vector<256x1024xf32>
    %get3A_21 = arith.constant 0 : index
    %get3A_22 = arith.constant 0 : index
    %get3A_23 = vector.load %arg6[%get3A_21, %get3A_22] : memref<256x1024xf32, #tpu.memory_space<vmem>>, vector<256x1024xf32>
    %get3A_24 = arith.constant 0 : index
    %get3A_25 = arith.constant 0 : index
    %get3A_26 = arith.constant 0 : index
    %get3A_27 = vector.load %arg5[%get3A_24, %get3A_25, %get3A_26] : memref<1x1024x1024xf32, #tpu.memory_space<vmem>>, vector<1x1024x1024xf32>
    %get3A_28 = vector.shape_cast %get3A_27 : vector<1x1024x1024xf32> to vector<1024x1024xf32>
    %dot_general3A_29 = arith.constant dense<0.000000e+00> : vector<256x1024xf32>
    %dot_general3A_30 = tpu.matmul %mul3A_20, %get3A_28, %dot_general3A_29 {dimension_numbers = #tpu.dot_dimension_numbers<[1], [0], [0], [1], [0, 0, 1, 1], [], []>, transpose_lhs_hint = false} : vector<256x1024xf32>, vector<1024x1024xf32>, vector<256x1024xf32> -> vector<256x1024xf32>
    %add3A = arith.addf %get3A_23, %dot_general3A_30 : vector<256x1024xf32>
    %swap3A = arith.constant 0 : index
    %swap3A_31 = arith.constant 0 : index
    %swap3A_32 = vector.load %arg7[%swap3A, %swap3A_31] : memref<256x1024xf32, #tpu.memory_space<vmem>>, vector<256x1024xf32>
    tpu.vector_store %arg7[%swap3A, %swap3A_31], %add3A {strides = array<i32>} : memref<256x1024xf32, #tpu.memory_space<vmem>>, vector<256x1024xf32>,
    return
  }
  func.func @transform_0(%arg0: i32, %arg1: memref<40xi32, #tpu.memory_space<smem>>) -> (i32, i32) {
    %c0_i32 = arith.constant 0 : i32
    %c0_i32_0 = arith.constant 0 : i32
    return %arg0, %c0_i32 : i32, i32
  }
  func.func @transform_1(%arg0: i32, %arg1: memref<40xi32, #tpu.memory_space<smem>>) -> (i32, i32, i32) {
    %get3A = arith.index_cast %arg0 : i32 to index
    %get3A_0 = memref.load %arg1[%get3A] : memref<40xi32, #tpu.memory_space<smem>>
    %c0_i32 = arith.constant 0 : i32
    %c2_i32 = arith.constant 2 : i32
    %c0_i32_1 = arith.constant 0 : i32
    return %get3A_0, %c0_i32, %c2_i32 : i32, i32, i32
  }
  func.func @transform_2(%arg0: i32, %arg1: memref<40xi32, #tpu.memory_space<smem>>) -> (i32, i32, i32) {
    %get3A = arith.index_cast %arg0 : i32 to index
    %get3A_0 = memref.load %arg1[%get3A] : memref<40xi32, #tpu.memory_space<smem>>
    %c0_i32 = arith.constant 0 : i32
    %c6_i32 = arith.constant 6 : i32
    %c0_i32_1 = arith.constant 0 : i32
    return %get3A_0, %c0_i32, %c6_i32 : i32, i32, i32
  }
  func.func @transform_3(%arg0: i32, %arg1: memref<40xi32, #tpu.memory_space<smem>>) -> (i32, i32, i32) {
    %get3A = arith.index_cast %arg0 : i32 to index
    %get3A_0 = memref.load %arg1[%get3A] : memref<40xi32, #tpu.memory_space<smem>>
    %c2_i32 = arith.constant 2 : i32
    %c0_i32 = arith.constant 0 : i32
    %c0_i32_1 = arith.constant 0 : i32
    return %get3A_0, %c2_i32, %c0_i32 : i32, i32, i32
  }
  func.func @transform_4(%arg0: i32, %arg1: memref<40xi32, #tpu.memory_space<smem>>) -> (i32, i32) {
    %c0_i32 = arith.constant 0 : i32
    %c0_i32_0 = arith.constant 0 : i32
    return %arg0, %c0_i32 : i32, i32
  }
  func.func @transform_5(%arg0: i32, %arg1: memref<40xi32, #tpu.memory_space<smem>>) -> (i32, i32) {
    %c0_i32 = arith.constant 0 : i32
    %c0_i32_0 = arith.constant 0 : i32
    return %arg0, %c0_i32 : i32, i32
  }
}

module attributes {stable_mosaic.version = 14 : i64} {
  func.func @_grouped_body_acc(%arg0: i32, %arg1: memref<40xi32, #tpu.memory_space<smem>>, %arg2: memref<256x1024xf32, #tpu.memory_space<vmem>>, %arg3: memref<1x1024x1024xf32, #tpu.memory_space<vmem>>, %arg4: memref<1x1024x1024xf32, #tpu.memory_space<vmem>>, %arg5: memref<1x1024x1024xf32, #tpu.memory_space<vmem>>, %arg6: memref<256x1024xf32, #tpu.memory_space<vmem>>, %arg7: memref<256x1024xf32, #tpu.memory_space<vmem>>) attributes {dimension_semantics = [#tpu.dimension_semantics<arbitrary>], iteration_bounds = array<i64: 40>, scalar_prefetch = 1 : i64, scratch_operands = 0 : i64, tpu.core_type = #tpu.core_type<tc>, window_params = [{transform_indices = @transform_0, window_bounds = array<i64: 256, 1024>}, {transform_indices = @transform_1, window_bounds = array<i64: 1, 1024, 1024>}, {transform_indices = @transform_2, window_bounds = array<i64: 1, 1024, 1024>}, {transform_indices = @transform_3, window_bounds = array<i64: 1, 1024, 1024>}, {transform_indices = @transform_4, window_bounds = array<i64: 256, 1024>}, {transform_indices = @transform_5, window_bounds = array<i64: 256, 1024>}]} {
    %get3A = arith.constant 0 : index
    %get3A_0 = arith.constant 0 : index
    %get3A_1 = vector.load %arg2[%get3A, %get3A_0] : memref<256x1024xf32, #tpu.memory_space<vmem>>, vector<256x1024xf32>
    %get3A_2 = arith.constant 0 : index
    %get3A_3 = arith.constant 0 : index
    %get3A_4 = arith.constant 0 : index
    %get3A_5 = vector.load %arg3[%get3A_2, %get3A_3, %get3A_4] : memref<1x1024x1024xf32, #tpu.memory_space<vmem>>, vector<1x1024x1024xf32>
    %get3A_6 = vector.shape_cast %get3A_5 : vector<1x1024x1024xf32> to vector<1024x1024xf32>
    %dot_general3A = arith.constant dense<0.000000e+00> : vector<256x1024xf32>
    %dot_general3A_7 = tpu.matmul %get3A_1, %get3A_6, %dot_general3A {dimension_numbers = #tpu.dot_dimension_numbers<[1], [0], [0], [1], [0, 0, 1, 1], [], []>, transpose_lhs_hint = false} : vector<256x1024xf32>, vector<1024x1024xf32>, vector<256x1024xf32> -> vector<256x1024xf32>
    %get3A_8 = arith.constant 0 : index
    %get3A_9 = arith.constant 0 : index
    %get3A_10 = arith.constant 0 : index
    %get3A_11 = vector.load %arg4[%get3A_8, %get3A_9, %get3A_10] : memref<1x1024x1024xf32, #tpu.memory_space<vmem>>, vector<1x1024x1024xf32>
    %get3A_12 = vector.shape_cast %get3A_11 : vector<1x1024x1024xf32> to vector<1024x1024xf32>
    %dot_general3A_13 = arith.constant dense<0.000000e+00> : vector<256x1024xf32>
    %dot_general3A_14 = tpu.matmul %get3A_1, %get3A_12, %dot_general3A_13 {dimension_numbers = #tpu.dot_dimension_numbers<[1], [0], [0], [1], [0, 0, 1, 1], [], []>, transpose_lhs_hint = false} : vector<256x1024xf32>, vector<1024x1024xf32>, vector<256x1024xf32> -> vector<256x1024xf32>
    %logistic3A = arith.negf %dot_general3A_7 : vector<256x1024xf32>
    %logistic3A_15 = math.exp %logistic3A : vector<256x1024xf32>
    %logistic3A_16 = arith.constant 1.000000e+00 : f32
    %logistic3A_17 = vector.broadcast %logistic3A_16 : f32 to vector<256x1024xf32>
    %logistic3A_18 = arith.addf %logistic3A_17, %logistic3A_15 : vector<256x1024xf32>
    %logistic3A_19 = arith.divf %logistic3A_17, %logistic3A_18 : vector<256x1024xf32>
    %mul3A = arith.mulf %dot_general3A_7, %logistic3A_19 : vector<256x1024xf32>
    %mul3A_20 = arith.mulf %mul3A, %dot_general3A_14 : vector<256x1024xf32>
    %get3A_21 = arith.constant 0 : index
    %get3A_22 = arith.constant 0 : index
    %get3A_23 = vector.load %arg6[%get3A_21, %get3A_22] : memref<256x1024xf32, #tpu.memory_space<vmem>>, vector<256x1024xf32>
    %get3A_24 = arith.constant 0 : index
    %get3A_25 = arith.constant 0 : index
    %get3A_26 = arith.constant 0 : index
    %get3A_27 = vector.load %arg5[%get3A_24, %get3A_25, %get3A_26] : memref<1x1024x1024xf32, #tpu.memory_space<vmem>>, vector<1x1024x1024xf32>
    %get3A_28 = vector.shape_cast %get3A_27 : vector<1x1024x1024xf32> to vector<1024x1024xf32>
    %dot_general3A_29 = arith.constant dense<0.000000e+00> : vector<256x1024xf32>
    %dot_general3A_30 = tpu.matmul %mul3A_20, %get3A_28, %dot_general3A_29 {dimension_numbers = #tpu.dot_dimension_numbers<[1], [0], [0], [1], [0, 0, 1, 1], [], []>, transpose_lhs_hint = false} : vector<256x1024xf32>, vector<1024x1024xf32>, vector<256x1024xf32> -> vector<256x1024xf32>
    %add3A = arith.addf %get3A_23, %dot_general3A_30 : vector<256x1024xf32>
    %swap3A = arith.constant 0 : index
    %swap3A_31 = arith.constant 0 : index
    %swap3A_32 = vector.load %arg7[%swap3A, %swap3A_31] : memref<256x1024xf32, #tpu.memory_space<vmem>>, vector<256x1024xf32>
    tpu.vector_store %arg7[%swap3A, %swap3A_31], %add3A {strides = array<i32>} : memref<256x1024xf32, #tpu.memory_space<vmem>>, vector<256x1024xf32>,
    return
  }
  func.func @transform_0(%arg0: i32, %arg1: memref<40xi32, #tpu.memory_space<smem>>) -> (i32, i32) {
    %c0_i32 = arith.constant 0 : i32
    %c0_i32_0 = arith.constant 0 : i32
    return %arg0, %c0_i32 : i32, i32
  }
  func.func @transform_1(%arg0: i32, %arg1: memref<40xi32, #tpu.memory_space<smem>>) -> (i32, i32, i32) {
    %get3A = arith.index_cast %arg0 : i32 to index
    %get3A_0 = memref.load %arg1[%get3A] : memref<40xi32, #tpu.memory_space<smem>>
    %c0_i32 = arith.constant 0 : i32
    %c3_i32 = arith.constant 3 : i32
    %c0_i32_1 = arith.constant 0 : i32
    return %get3A_0, %c0_i32, %c3_i32 : i32, i32, i32
  }
  func.func @transform_2(%arg0: i32, %arg1: memref<40xi32, #tpu.memory_space<smem>>) -> (i32, i32, i32) {
    %get3A = arith.index_cast %arg0 : i32 to index
    %get3A_0 = memref.load %arg1[%get3A] : memref<40xi32, #tpu.memory_space<smem>>
    %c0_i32 = arith.constant 0 : i32
    %c7_i32 = arith.constant 7 : i32
    %c0_i32_1 = arith.constant 0 : i32
    return %get3A_0, %c0_i32, %c7_i32 : i32, i32, i32
  }
  func.func @transform_3(%arg0: i32, %arg1: memref<40xi32, #tpu.memory_space<smem>>) -> (i32, i32, i32) {
    %get3A = arith.index_cast %arg0 : i32 to index
    %get3A_0 = memref.load %arg1[%get3A] : memref<40xi32, #tpu.memory_space<smem>>
    %c3_i32 = arith.constant 3 : i32
    %c0_i32 = arith.constant 0 : i32
    %c0_i32_1 = arith.constant 0 : i32
    return %get3A_0, %c3_i32, %c0_i32 : i32, i32, i32
  }
  func.func @transform_4(%arg0: i32, %arg1: memref<40xi32, #tpu.memory_space<smem>>) -> (i32, i32) {
    %c0_i32 = arith.constant 0 : i32
    %c0_i32_0 = arith.constant 0 : i32
    return %arg0, %c0_i32 : i32, i32
  }
  func.func @transform_5(%arg0: i32, %arg1: memref<40xi32, #tpu.memory_space<smem>>) -> (i32, i32) {
    %c0_i32 = arith.constant 0 : i32
    %c0_i32_0 = arith.constant 0 : i32
    return %arg0, %c0_i32 : i32, i32
  }
}

module attributes {stable_mosaic.version = 14 : i64} {
  func.func @_outproj_body(%arg0: i32, %arg1: memref<40xi32, #tpu.memory_space<smem>>, %arg2: memref<256x1024xf32, #tpu.memory_space<vmem>>, %arg3: memref<1x1024x1024xf32, #tpu.memory_space<vmem>>, %arg4: memref<1x1x1024xf32, #tpu.memory_space<vmem>>, %arg5: memref<256x1xf32, #tpu.memory_space<vmem>>, %arg6: memref<256x1024xf32, #tpu.memory_space<vmem>>) attributes {dimension_semantics = [#tpu.dimension_semantics<arbitrary>], iteration_bounds = array<i64: 40>, scalar_prefetch = 1 : i64, scratch_operands = 0 : i64, tpu.core_type = #tpu.core_type<tc>, window_params = [{transform_indices = @transform_0, window_bounds = array<i64: 256, 1024>}, {transform_indices = @transform_1, window_bounds = array<i64: 1, 1024, 1024>}, {transform_indices = @transform_2, window_bounds = array<i64: 1, 1, 1024>}, {transform_indices = @transform_3, window_bounds = array<i64: 256, 1>}, {transform_indices = @transform_4, window_bounds = array<i64: 256, 1024>}]} {
    %get3A = arith.constant 0 : index
    %get3A_0 = arith.constant 0 : index
    %get3A_1 = vector.load %arg2[%get3A, %get3A_0] : memref<256x1024xf32, #tpu.memory_space<vmem>>, vector<256x1024xf32>
    %get3A_2 = arith.constant 0 : index
    %get3A_3 = arith.constant 0 : index
    %get3A_4 = arith.constant 0 : index
    %get3A_5 = vector.load %arg3[%get3A_2, %get3A_3, %get3A_4] : memref<1x1024x1024xf32, #tpu.memory_space<vmem>>, vector<1x1024x1024xf32>
    %get3A_6 = vector.shape_cast %get3A_5 : vector<1x1024x1024xf32> to vector<1024x1024xf32>
    %dot_general3A = arith.constant dense<0.000000e+00> : vector<256x1024xf32>
    %dot_general3A_7 = tpu.matmul %get3A_1, %get3A_6, %dot_general3A {dimension_numbers = #tpu.dot_dimension_numbers<[1], [0], [0], [1], [0, 0, 1, 1], [], []>, transpose_lhs_hint = false} : vector<256x1024xf32>, vector<1024x1024xf32>, vector<256x1024xf32> -> vector<256x1024xf32>
    %get3A_8 = arith.constant 0 : index
    %get3A_9 = arith.constant 0 : index
    %get3A_10 = arith.constant 0 : index
    %get3A_11 = vector.load %arg4[%get3A_8, %get3A_9, %get3A_10] : memref<1x1x1024xf32, #tpu.memory_space<vmem>>, vector<1x1x1024xf32>
    %get3A_12 = vector.shape_cast %get3A_11 : vector<1x1x1024xf32> to vector<1x1024xf32>
    %add3A = vector.broadcast %get3A_12 : vector<1x1024xf32> to vector<256x1024xf32>
    %add3A_13 = arith.addf %dot_general3A_7, %add3A : vector<256x1024xf32>
    %get3A_14 = arith.constant 0 : index
    %get3A_15 = arith.constant 0 : index
    %get3A_16 = vector.load %arg5[%get3A_14, %get3A_15] : memref<256x1xf32, #tpu.memory_space<vmem>>, vector<256x1xf32>
    %mul3A = vector.broadcast %get3A_16 : vector<256x1xf32> to vector<256x1024xf32>
    %mul3A_17 = arith.mulf %add3A_13, %mul3A : vector<256x1024xf32>
    %swap3A = arith.constant 0 : index
    %swap3A_18 = arith.constant 0 : index
    %swap3A_19 = vector.load %arg6[%swap3A, %swap3A_18] : memref<256x1024xf32, #tpu.memory_space<vmem>>, vector<256x1024xf32>
    tpu.vector_store %arg6[%swap3A, %swap3A_18], %mul3A_17 {strides = array<i32>} : memref<256x1024xf32, #tpu.memory_space<vmem>>, vector<256x1024xf32>,
    return
  }
  func.func @transform_0(%arg0: i32, %arg1: memref<40xi32, #tpu.memory_space<smem>>) -> (i32, i32) {
    %c0_i32 = arith.constant 0 : i32
    %c0_i32_0 = arith.constant 0 : i32
    return %arg0, %c0_i32 : i32, i32
  }
  func.func @transform_1(%arg0: i32, %arg1: memref<40xi32, #tpu.memory_space<smem>>) -> (i32, i32, i32) {
    %get3A = arith.index_cast %arg0 : i32 to index
    %get3A_0 = memref.load %arg1[%get3A] : memref<40xi32, #tpu.memory_space<smem>>
    %c0_i32 = arith.constant 0 : i32
    %c0_i32_1 = arith.constant 0 : i32
    %c0_i32_2 = arith.constant 0 : i32
    return %get3A_0, %c0_i32, %c0_i32_1 : i32, i32, i32
  }
  func.func @transform_2(%arg0: i32, %arg1: memref<40xi32, #tpu.memory_space<smem>>) -> (i32, i32, i32) {
    %get3A = arith.index_cast %arg0 : i32 to index
    %get3A_0 = memref.load %arg1[%get3A] : memref<40xi32, #tpu.memory_space<smem>>
    %c0_i32 = arith.constant 0 : i32
    %c0_i32_1 = arith.constant 0 : i32
    %c0_i32_2 = arith.constant 0 : i32
    return %get3A_0, %c0_i32, %c0_i32_1 : i32, i32, i32
  }
  func.func @transform_3(%arg0: i32, %arg1: memref<40xi32, #tpu.memory_space<smem>>) -> (i32, i32) {
    %c0_i32 = arith.constant 0 : i32
    %c0_i32_0 = arith.constant 0 : i32
    return %arg0, %c0_i32 : i32, i32
  }
  func.func @transform_4(%arg0: i32, %arg1: memref<40xi32, #tpu.memory_space<smem>>) -> (i32, i32) {
    %c0_i32 = arith.constant 0 : i32
    %c0_i32_0 = arith.constant 0 : i32
    return %arg0, %c0_i32 : i32, i32
  }
}

module attributes {stable_mosaic.version = 14 : i64} {
  func.func @_shared_body(%arg0: i32, %arg1: i32, %arg2: i32, %arg3: memref<1024x1024xf32, #tpu.memory_space<vmem>>, %arg4: memref<1x1024x512xf32, #tpu.memory_space<vmem>>, %arg5: memref<1x1024x512xf32, #tpu.memory_space<vmem>>, %arg6: memref<1x512x1024xf32, #tpu.memory_space<vmem>>, %arg7: memref<4096x1024xf32, #tpu.memory_space<vmem>>) attributes {dimension_semantics = [#tpu.dimension_semantics<arbitrary>, #tpu.dimension_semantics<arbitrary>, #tpu.dimension_semantics<arbitrary>], iteration_bounds = array<i64: 2, 4, 4>, scalar_prefetch = 0 : i64, scratch_operands = 0 : i64, tpu.core_type = #tpu.core_type<tc>, window_params = [{transform_indices = @transform_0, window_bounds = array<i64: 1024, 1024>}, {transform_indices = @transform_1, window_bounds = array<i64: 1, 1024, 512>}, {transform_indices = @transform_2, window_bounds = array<i64: 1, 1024, 512>}, {transform_indices = @transform_3, window_bounds = array<i64: 1, 512, 1024>}, {pipeline_mode = #tpu.pipeline_mode<synchronous>, transform_indices = @transform_4, window_bounds = array<i64: 4096, 1024>}]} {
    %eq3A = arith.constant 0 : i32
    %eq3A_0 = arith.cmpi eq, %arg0, %eq3A : i32
    %eq3A_1 = arith.constant 0 : i32
    %eq3A_2 = arith.cmpi eq, %arg1, %eq3A_1 : i32
    %and3A = arith.andi %eq3A_0, %eq3A_2 : i1
    %eq3A_3 = arith.constant 0 : i32
    %eq3A_4 = arith.cmpi eq, %arg2, %eq3A_3 : i32
    %and3A_5 = arith.andi %and3A, %eq3A_4 : i1
    %convert_element_type3A = arith.extui %and3A_5 : i1 to i32
    %cond3A = arith.constant 0 : i32
    %cond3A_6 = arith.cmpi ne, %convert_element_type3A, %cond3A : i32
    scf.if %cond3A_6 {
      %broadcast_in_dim3A = arith.constant 0.000000e+00 : f32
      %broadcast_in_dim3A_47 = vector.broadcast %broadcast_in_dim3A : f32 to vector<4096x1024xf32>
      %swap3A_48 = arith.constant 0 : index
      %swap3A_49 = arith.constant 0 : index
      %swap3A_50 = vector.load %arg7[%swap3A_48, %swap3A_49] : memref<4096x1024xf32, #tpu.memory_space<vmem>>, vector<4096x1024xf32>
      tpu.vector_store %arg7[%swap3A_48, %swap3A_49], %broadcast_in_dim3A_47 {strides = array<i32>} : memref<4096x1024xf32, #tpu.memory_space<vmem>>, vector<4096x1024xf32>,
    } else {
    }
    %get3A = arith.constant 0 : index
    %get3A_7 = arith.constant 0 : index
    %get3A_8 = vector.load %arg3[%get3A, %get3A_7] : memref<1024x1024xf32, #tpu.memory_space<vmem>>, vector<1024x1024xf32>
    %get3A_9 = arith.constant 0 : index
    %get3A_10 = arith.constant 0 : index
    %get3A_11 = arith.constant 0 : index
    %get3A_12 = vector.load %arg4[%get3A_9, %get3A_10, %get3A_11] : memref<1x1024x512xf32, #tpu.memory_space<vmem>>, vector<1x1024x512xf32>
    %get3A_13 = vector.shape_cast %get3A_12 : vector<1x1024x512xf32> to vector<1024x512xf32>
    %dot_general3A = arith.constant dense<0.000000e+00> : vector<1024x512xf32>
    %dot_general3A_14 = tpu.matmul %get3A_8, %get3A_13, %dot_general3A {dimension_numbers = #tpu.dot_dimension_numbers<[1], [0], [0], [1], [0, 0, 1, 1], [], []>, transpose_lhs_hint = false} : vector<1024x1024xf32>, vector<1024x512xf32>, vector<1024x512xf32> -> vector<1024x512xf32>
    %get3A_15 = arith.constant 0 : index
    %get3A_16 = arith.constant 0 : index
    %get3A_17 = arith.constant 0 : index
    %get3A_18 = vector.load %arg5[%get3A_15, %get3A_16, %get3A_17] : memref<1x1024x512xf32, #tpu.memory_space<vmem>>, vector<1x1024x512xf32>
    %get3A_19 = vector.shape_cast %get3A_18 : vector<1x1024x512xf32> to vector<1024x512xf32>
    %dot_general3A_20 = arith.constant dense<0.000000e+00> : vector<1024x512xf32>
    %dot_general3A_21 = tpu.matmul %get3A_8, %get3A_19, %dot_general3A_20 {dimension_numbers = #tpu.dot_dimension_numbers<[1], [0], [0], [1], [0, 0, 1, 1], [], []>, transpose_lhs_hint = false} : vector<1024x1024xf32>, vector<1024x512xf32>, vector<1024x512xf32> -> vector<1024x512xf32>
    %logistic3A = arith.negf %dot_general3A_14 : vector<1024x512xf32>
    %logistic3A_22 = math.exp %logistic3A : vector<1024x512xf32>
    %logistic3A_23 = arith.constant 1.000000e+00 : f32
    %logistic3A_24 = vector.broadcast %logistic3A_23 : f32 to vector<1024x512xf32>
    %logistic3A_25 = arith.addf %logistic3A_24, %logistic3A_22 : vector<1024x512xf32>
    %logistic3A_26 = arith.divf %logistic3A_24, %logistic3A_25 : vector<1024x512xf32>
    %mul3A = arith.mulf %dot_general3A_14, %logistic3A_26 : vector<1024x512xf32>
    %mul3A_27 = arith.mulf %mul3A, %dot_general3A_21 : vector<1024x512xf32>
    %get3A_28 = arith.constant 0 : index
    %get3A_29 = arith.constant 0 : index
    %get3A_30 = arith.constant 0 : index
    %get3A_31 = vector.load %arg6[%get3A_28, %get3A_29, %get3A_30] : memref<1x512x1024xf32, #tpu.memory_space<vmem>>, vector<1x512x1024xf32>
    %get3A_32 = vector.shape_cast %get3A_31 : vector<1x512x1024xf32> to vector<512x1024xf32>
    %dot_general3A_33 = arith.constant dense<0.000000e+00> : vector<1024x1024xf32>
    %dot_general3A_34 = tpu.matmul %mul3A_27, %get3A_32, %dot_general3A_33 {dimension_numbers = #tpu.dot_dimension_numbers<[1], [0], [0], [1], [0, 0, 1, 1], [], []>, transpose_lhs_hint = false} : vector<1024x512xf32>, vector<512x1024xf32>, vector<1024x1024xf32> -> vector<1024x1024xf32>
    %mul3A_35 = arith.constant 1024 : i32
    %mul3A_36 = arith.muli %arg2, %mul3A_35 : i32
    %get3A_37 = arith.index_cast %mul3A_36 : i32 to index
    %get3A_38 = arith.constant 0 : index
    %get3A_39 = vector.load %arg7[%get3A_37, %get3A_38] : memref<4096x1024xf32, #tpu.memory_space<vmem>>, vector<1024x1024xf32>
    %mul3A_40 = arith.constant 5.000000e-01 : f32
    %mul3A_41 = vector.broadcast %mul3A_40 : f32 to vector<1024x1024xf32>
    %mul3A_42 = arith.mulf %dot_general3A_34, %mul3A_41 : vector<1024x1024xf32>
    %add3A = arith.addf %get3A_39, %mul3A_42 : vector<1024x1024xf32>
    %mul3A_43 = arith.constant 1024 : i32
    %mul3A_44 = arith.muli %arg2, %mul3A_43 : i32
    %swap3A = arith.index_cast %mul3A_44 : i32 to index
    %swap3A_45 = arith.constant 0 : index
    %swap3A_46 = vector.load %arg7[%swap3A, %swap3A_45] : memref<4096x1024xf32, #tpu.memory_space<vmem>>, vector<1024x1024xf32>
    tpu.vector_store %arg7[%swap3A, %swap3A_45], %add3A {strides = array<i32>} : memref<4096x1024xf32, #tpu.memory_space<vmem>>, vector<1024x1024xf32>,
    return
  }
  func.func @transform_0(%arg0: i32, %arg1: i32, %arg2: i32) -> (i32, i32) {
    %c0_i32 = arith.constant 0 : i32
    %c0_i32_0 = arith.constant 0 : i32
    return %arg2, %c0_i32 : i32, i32
  }
  func.func @transform_1(%arg0: i32, %arg1: i32, %arg2: i32) -> (i32, i32, i32) {
    %c0_i32 = arith.constant 0 : i32
    %c0_i32_0 = arith.constant 0 : i32
    return %arg0, %c0_i32, %arg1 : i32, i32, i32
  }
  func.func @transform_2(%arg0: i32, %arg1: i32, %arg2: i32) -> (i32, i32, i32) {
    %add3A = arith.constant 4 : i32
    %add3A_0 = arith.addi %arg1, %add3A : i32
    %c0_i32 = arith.constant 0 : i32
    %c0_i32_1 = arith.constant 0 : i32
    return %arg0, %c0_i32, %add3A_0 : i32, i32, i32
  }
  func.func @transform_3(%arg0: i32, %arg1: i32, %arg2: i32) -> (i32, i32, i32) {
    %c0_i32 = arith.constant 0 : i32
    %c0_i32_0 = arith.constant 0 : i32
    return %arg0, %arg1, %c0_i32 : i32, i32, i32
  }
  func.func @transform_4(%arg0: i32, %arg1: i32, %arg2: i32) -> (i32, i32) {
    %c0_i32 = arith.constant 0 : i32
    %c0_i32_0 = arith.constant 0 : i32
    %c0_i32_1 = arith.constant 0 : i32
    return %c0_i32, %c0_i32_0 : i32, i32
  }
}

module attributes {stable_mosaic.version = 14 : i64} {
  func.func @_combine_body(%arg0: i32, %arg1: memref<1024x1024xf32, #tpu.memory_space<vmem>>, %arg2: memref<1024x1024xf32, #tpu.memory_space<vmem>>, %arg3: memref<1024x1024xf32, #tpu.memory_space<vmem>>, %arg4: memref<1024x1024xf32, #tpu.memory_space<vmem>>) attributes {dimension_semantics = [#tpu.dimension_semantics<arbitrary>], iteration_bounds = array<i64: 4>, scalar_prefetch = 0 : i64, scratch_operands = 0 : i64, tpu.core_type = #tpu.core_type<tc>, window_params = [{transform_indices = @transform_0, window_bounds = array<i64: 1024, 1024>}, {transform_indices = @transform_1, window_bounds = array<i64: 1024, 1024>}, {transform_indices = @transform_2, window_bounds = array<i64: 1024, 1024>}, {transform_indices = @transform_3, window_bounds = array<i64: 1024, 1024>}]} {
    %get3A = arith.constant 0 : index
    %get3A_0 = arith.constant 0 : index
    %get3A_1 = vector.load %arg1[%get3A, %get3A_0] : memref<1024x1024xf32, #tpu.memory_space<vmem>>, vector<1024x1024xf32>
    %get3A_2 = arith.constant 0 : index
    %get3A_3 = arith.constant 0 : index
    %get3A_4 = vector.load %arg2[%get3A_2, %get3A_3] : memref<1024x1024xf32, #tpu.memory_space<vmem>>, vector<1024x1024xf32>
    %add3A = arith.addf %get3A_1, %get3A_4 : vector<1024x1024xf32>
    %get3A_5 = arith.constant 0 : index
    %get3A_6 = arith.constant 0 : index
    %get3A_7 = vector.load %arg3[%get3A_5, %get3A_6] : memref<1024x1024xf32, #tpu.memory_space<vmem>>, vector<1024x1024xf32>
    %add3A_8 = arith.addf %add3A, %get3A_7 : vector<1024x1024xf32>
    %swap3A = arith.constant 0 : index
    %swap3A_9 = arith.constant 0 : index
    %swap3A_10 = vector.load %arg4[%swap3A, %swap3A_9] : memref<1024x1024xf32, #tpu.memory_space<vmem>>, vector<1024x1024xf32>
    tpu.vector_store %arg4[%swap3A, %swap3A_9], %add3A_8 {strides = array<i32>} : memref<1024x1024xf32, #tpu.memory_space<vmem>>, vector<1024x1024xf32>,
    return
  }
  func.func @transform_0(%arg0: i32) -> (i32, i32) {
    %c0_i32 = arith.constant 0 : i32
    %c0_i32_0 = arith.constant 0 : i32
    return %arg0, %c0_i32 : i32, i32
  }
  func.func @transform_1(%arg0: i32) -> (i32, i32) {
    %c0_i32 = arith.constant 0 : i32
    %c0_i32_0 = arith.constant 0 : i32
    return %arg0, %c0_i32 : i32, i32
  }
  func.func @transform_2(%arg0: i32) -> (i32, i32) {
    %add3A = arith.constant 4 : i32
    %add3A_0 = arith.addi %arg0, %add3A : i32
    %c0_i32 = arith.constant 0 : i32
    %c0_i32_1 = arith.constant 0 : i32
    return %add3A_0, %c0_i32 : i32, i32
  }
  func.func @transform_3(%arg0: i32) -> (i32, i32) {
    %c0_i32 = arith.constant 0 : i32
    %c0_i32_0 = arith.constant 0 : i32
    return %arg0, %c0_i32 : i32, i32
  }
}

</mosaic_0001>

<sc_bundles>
// kernel: kernel.13.cloned.1.call-start
scs
__scs_entry_jumppad:
0x0: {  	(pc) =	sbr.rel $0x88, $3  }
0x1: {  	(tag) =	ssettag $0x0;
	lr =	simm.s32 $0x1  }
0x2: {  	[smem:$0x3F99] =	sst lr;
	_ =	strace $0xD0000000  }
0x3: {  	_ = 	snop  }
0x4: {  	_ = 	snop  }
0x5: {  	_ = 	snop  }
0x6: {  	_ = 	snop  }
0x7: {  	_ = 	snop  }
__scs_overlays_trampoline_lowered:
0x8: {  	[smem:$0x3FA8] =	sst s0  }
0x9: {  	[smem:$0x3FA9] =	sst s1  }
0xa: {  	[smem:$0x3FAA] =	sst s2  }
0xb: {  	[smem:$0x3FAB] =	sst s3  }
0xc: {  	[smem:$0x3FAC] =	sst s4  }
0xd: {  	[smem:$0x3FAD] =	sst s5  }
0xe: {  	[smem:$0x3FAE] =	sst s6  }
0xf: {  	[smem:$0x3FAF] =	sst s7  }
0x10: {  	[smem:$0x3FB0] =	sst s8  }
0x11: {  	[smem:$0x3FB1] =	sst s9;
	s0 =	simm.s32 @!p0 $0x0  }
0x12: {  	s1 =	sld [smem:$0x3F97];
	s0 =	simm.s32 @p0 $0x1  }
0x13: {  	[smem:$0x3FB2] =	sst s0;
	s0 =	simm.s32 @!p1 $0x0  }
0x14: {  	s2 =	sld [smem:$0x3F96];
	s0 =	simm.s32 @p1 $0x1  }
0x15: {  	[smem:$0x3FB3] =	sst s0;
	s0 =	simm.s32 @!p2 $0x0  }
0x16: {  	s3 =	sld [smem:$0x3FDB];
	s0 =	simm.s32 @p2 $0x1  }
0x17: {  	s4 =	simm.s32 $0x1BF5;
	[smem:$0x3FB5] =	sst s0  }
0x18: {  	s0 =	sld [smem:$0x3F98];
	_ =	swait.ge [sflag:s4], $0x0  }
0x19: {  	s7 =	sld [smem:$0x3F99]  }
0x1a: {  	s8 =	sadd.s32 $0xFFFFE003, lr  }
0x1b: {  	s9 =	sadd.s32 $0xFFFFFEF7, lr;
	s5 =	simm.s32 $0xFFFFFFFF;
	p2 =	slt.u32 s8, $0xFFFFF086  }
0x1c: {  	p1 =	slt.u32 s9, $0xF7A;
	s5 =	simm.s32 @!p2 $0x0  }
0x1d: {  	s5 =	simm.s32 @p1 $0x1;
	p0 =	seq.s32 s7, s2  }
0x1e: {  	s7 =	smul.u32 @!p0 $0xF7A, s2;
	p2 =	seq.s32 @!p0 s5, $0x0  }
0x1f: {  	s9 =	smul.u32 $0xF7A, s1;
	s8 =	simm.s32 @!p0 $0x1BF5;
	p2 =	por !p2, p0  }
0x20: {  	[sflag:s8] =	ssyncset.s32 @!p0 $0xFFFFF086;
	s6 =	sadd.s32 @!p0 s3, s7;
	s7 =	simm.s32 @!p0 $0x108  }
0x21: {  	s3 =	sadd.s32 s3, s9;
	s6 =	sadd.s32 @!p0 $0x88, s6;
	s7 =	simm.s32 @p2 $0x1082  }
0x22: {  	[simem:s7], [sflag:s8] =	dma.local @!p0 [hbm:s6], $0xF7A  }
0x23: {  	s9 =	sor.u32 $0xD0000000, s2;
	s6 =	simm.s32 $0x108;
	_ =	swait.ge @!p0 [sflag:s8], $0x0  }
0x24: {  	s3 =	sadd.s32 $0x88, s3;
	s6 =	simm.s32 @!p1 $0x1082;
	[sflag:s4] =	ssyncset.s32 $0xFFFFF086  }
0x25: {  	[simem:s6], [sflag:s4] =	dma.local [hbm:s3], $0xF7A  }
0x26: {  	[smem:$0x3F99] =	sst s1;
	(tag) =	ssettag s2;
	_ =	strace s9  }
0x27: {  	s1 =	sld [smem:$0x3FA9]  }
0x28: {  	s2 =	sld [smem:$0x3FAA]  }
0x29: {  	s4 =	sld [smem:$0x3FAC]  }
0x2a: {  	p0 =	seq.s32 s5, $0x0;
	s5 =	sld [smem:$0x3FAD]  }
0x2b: {  	s6 =	sld [smem:$0x3FAE]  }
0x2c: {  	s7 =	sld [smem:$0x3FAF]  }
0x2d: {  	s3 =	simm.s32 $0x108;
	s8 =	sld [smem:$0x3FB0]  }
0x2e: {  	s3 =	simm.s32 @!p0 $0x1082;
	s9 =	sld [smem:$0x3FB1]  }
0x2f: {  	lr =	sadd.s32 s0, s3;
	s0 =	sld [smem:$0x3FA8]  }
0x30: {  	s3 =	sld [smem:$0x3FAB]  }
0x31: {  	[smem:$0x3FB4] =	sst s10  }
0x32: {  	s10 =	sld [smem:$0x3FB2];
	_ =	sdelay $0x3  }
0x33: {  	p0 =	seq.s32 s10, $0x1;
	s10 =	sld [smem:$0x3FB4];
	_ =	sdelay $0x3  }
0x34: {  	[smem:$0x3FB4] =	sst s10  }
0x35: {  	s10 =	sld [smem:$0x3FB3];
	_ =	sdelay $0x3  }
0x36: {  	p1 =	seq.s32 s10, $0x1;
	s10 =	sld [smem:$0x3FB4];
	_ =	sdelay $0x3  }
0x37: {  	[smem:$0x3FB4] =	sst s10  }
0x38: {  	s10 =	sld [smem:$0x3FB5]  }
0x39: {  	_ = 	snop;
	(pc) =	sbr.ind lr, $3  }
0x3a: {  	_ = 	snop  }
0x3b: {  	_ = 	snop  }
0x3c: {  	p2 =	seq.s32 s10, $0x1;
	s10 =	sld [smem:$0x3FB4]  }
0x3d: {  	_ =	shalt  }
0x3e: {  	_ =	shalt  }
0x3f: {  	_ =	shalt  }
0x40: {  	_ =	shalt  }
0x41: {  	_ =	shalt  }
0x42: {  	_ =	shalt  }
0x43: {  	_ =	shalt  }
0x44: {  	_ =	shalt  }
0x45: {  	_ =	shalt  }
0x46: {  	_ =	shalt  }
0x47: {  	_ =	shalt  }
0x48: {  	_ =	shalt  }
0x49: {  	_ =	shalt  }
0x4a: {  	_ =	shalt  }
0x4b: {  	_ =	shalt  }
0x4c: {  	_ =	shalt  }
0x4d: {  	_ =	shalt  }
0x4e: {  	_ =	shalt  }
0x4f: {  	_ =	shalt  }
0x50: {  	_ =	shalt  }
0x51: {  	_ =	shalt  }
0x52: {  	_ =	shalt  }
0x53: {  	_ =	shalt  }
0x54: {  	_ =	shalt  }
0x55: {  	_ =	shalt  }
0x56: {  	_ =	shalt  }
0x57: {  	_ =	shalt  }
0x58: {  	_ =	shalt  }
0x59: {  	_ =	shalt  }
0x5a: {  	_ =	shalt  }
0x5b: {  	_ =	shalt  }
0x5c: {  	_ =	shalt  }
0x5d: {  	_ =	shalt  }
0x5e: {  	_ =	shalt  }
0x5f: {  	_ =	shalt  }
0x60: {  	_ =	shalt  }
0x61: {  	_ =	shalt  }
0x62: {  	_ =	shalt  }
0x63: {  	_ =	shalt  }
0x64: {  	_ =	shalt  }
0x65: {  	_ =	shalt  }
0x66: {  	_ =	shalt  }
0x67: {  	_ =	shalt  }
0x68: {  	_ =	shalt  }
0x69: {  	_ =	shalt  }
0x6a: {  	_ =	shalt  }
0x6b: {  	_ =	shalt  }
0x6c: {  	_ =	shalt  }
0x6d: {  	_ =	shalt  }
0x6e: {  	_ =	shalt  }
0x6f: {  	_ =	shalt  }
0x70: {  	_ =	shalt  }
0x71: {  	_ =	shalt  }
0x72: {  	_ =	shalt  }
0x73: {  	_ =	shalt  }
0x74: {  	_ =	shalt  }
0x75: {  	_ =	shalt  }
0x76: {  	_ =	shalt  }
0x77: {  	_ =	shalt  }
0x78: {  	_ =	shalt  }
0x79: {  	_ =	shalt  }
0x7a: {  	_ =	shalt  }
0x7b: {  	_ =	shalt  }
0x7c: {  	_ =	shalt  }
0x7d: {  	_ =	shalt  }
0x7e: {  	_ =	shalt  }
0x7f: {  	_ =	shalt  }
0x80: {  	_ =	shalt  }
0x81: {  	_ =	shalt  }
0x82: {  	_ =	shalt  }
0x83: {  	_ =	shalt  }
0x84: {  	_ =	shalt  }
0x85: {  	_ =	shalt  }
0x86: {  	_ =	shalt  }
0x87: {  	_ =	shalt  }
.Lfunc_end0:
.L_simem_size_0:
called_computation_lowered:
.L_overlay_start_0:
0x88: {  	s2 =	sld [smem:$0x3FD9]  }
0x89: {  	s3 =	sld [smem:$0x3FFE];
	_ =	sdelay $0x1  }
0x8a: {  	s1 =	srdreg.scid  }
0x8b: {  	s0 =	sand.u32 $0x1, s1  }
0x8c: {  	s17 =	sshll.u32 s0, $0xA;
	s2 =	sadd.s32 s3, s2  }
0x8d: {  	s2 =	sadd.s32 s2, s17  }
0x8e: {  	[smem:$0x3FC0] =	sst s2  }
0x8f: {  	_ = 	snop  }
0x90: {  	s2 =	sld [smem:$0x3FC9];
	(tm) =	ssettm $0x1  }
0x91: {  	s18 =	sld [smem:$0x3FFB];
	_ =	sdelay $0x3  }
0x92: {  	_ =	strace s18  }
0x93: {  	s3 =	sld [smem:$0x3FFC];
	_ =	sdelay $0x3  }
0x94: {  	_ =	strace s3  }
0x95: {  	s3 =	sld [smem:$0x3FFD];
	_ =	sdelay $0x3  }
0x96: {  	_ =	strace s3  }
0x97: {  	_ =	strace $0x8FFFFFFF  }
0x98: {  	s19 =	sld [smem:$0x3FDB];
	_ =	sdelay $0x1  }
0x99: {  	s4 =	simm.s32 $_scs_section_size  }
0x9a: {  	s5 =	simm.s32 $_size__tile_overlayer_lowered;
	s6 =	simm.s32 $_tile_overlayer_lowered  }
0x9b: {  	s22 =	simm.s32 $0x1BFF;
	s21 =	sshll.u32 s6, $0x1;
	s3 =	sadd.s32 s4, s19  }
0x9c: {  	s7 =	simm.s32 $0x0;
	s20 =	sshll.u32 s5, $0x1;
	s5 =	sadd.s32 s21, s3  }
0x9d: {  	[timem:s7], [sflag:s22] =	dma.local [hbm:s5], s20  }
0x9e: {  	_ =	swait.ge [sflag:s22], s20  }
0x9f: {  	s4 =	ssub.s32 $0x0, s20;
	[sflag:s22] =	ssyncset.done $0x0  }
0xa0: {  	[sflag:s22] =	ssyncadd.s32 s4;
	_ =	sdelay $0x1  }
0xa1: {  	s23 =	simm.s32 $0x1B8B  }
0xa2: {  	_ =	swait.ge [sflag:s23], $0x1  }
0xa3: {  	[sflag:s23] =	ssyncset.done $0x0  }
0xa4: {  	s25 =	simm.s32 $0x1B8E;
	s24 =	sld [smem:$0x3FFE];
	[sflag:s23] =	ssyncadd.s32 $0xFFFFFFFF  }
0xa5: {  	s26 =	simm.s32 $execute0_lowered;
	[smem:$0x3FD2] =	sst s25  }
0xa6: {  	s5 =	sshll.u32 s26, $0x1;
	_ =	strace $0x80000046;
	[dreg:$0x1] =	wrdreg $0xFFFFFFFF  }
0xa7: {  	s28 =	simm.s32 $_size_execute0_lowered;
	s3 =	sadd.s32 s3, s5;
	[dreg:$0x0] =	wrdreg $0x0  }
0xa8: {  	s5 =	sshll.u32 s28, $0x1;
	[dreg:$0x2] =	wrdreg s3  }
0xa9: {  	[dreg:$0x3] =	wrdreg s5  }
0xaa: {  	[dreg:$0x4] =	wrdreg $0xC0  }
0xab: {  	_ =	task [dreg:s7], $0x5FFFF  }
0xac: {  	[dreg:$0x1] =	wrdreg $0xFFFFFFFF  }
0xad: {  	[dreg:$0x0] =	wrdreg $0x60  }
0xae: {  	[dreg:$0x2] =	wrdreg s2  }
0xaf: {  	[dreg:$0x3] =	wrdreg s24  }
0xb0: {  	[dreg:$0x4] =	wrdreg $0x9  }
0xb1: {  	_ =	task.clear_ibuf [dreg:s7], $0x5FFFF;
	_ =	strace $0x90000046  }
0xb2: {  	s29 =	simm.s32 $0x9;
	_ =	strace $0x80000048  }
0xb3: {  	_ =	swait.ge [sflag:s29], $0x1  }
0xb4: {  	[sflag:s29] =	ssyncadd.s32 $0xFFFFFFFF  }
0xb5: {  	_ =	strace $0x90000048  }
0xb6: {  	_ =	sfence  }
0xb7: {  	s30 =	sld [smem:$0x0];
	_ =	sdelay $0x2  }
0xb8: {  	s31 =	sshll.u32 s1, $0xD;
	s1 =	sshrl.u32 s1, $0x2  }
0xb9: {  	s3 =	sand.u32 $0x4000, s31;
	s1 =	sadd.s32 s1, s30  }
0xba: {  	s0 =	sor.u32 s3, s0;
	s1 =	sshll.u32 s1, $0x11  }
0xbb: {  	s0 =	sor.u32 s1, s0  }
0xbc: {  	s0 =	sadd.s32 $0x8F2B, s0  }
0xbd: {  	[sflag:s0] =	ssyncadd.remote.s32 $0x1  }
0xbe: {  	_ =	sfence.sel $0xFFFF  }
0xbf: {  	[dreg:$0x0] =	wrdreg $0xFFFFFFFF;
	(pc) =	sbr.abs _section_cstart, $3  }
0xc0: {  	[dreg:$0x1] =	wrdreg $0xFFFFFFFF  }
0xc1: {  	_ =	task.clear_ibuf [dreg:s7], $0x2FFFF;
	_ =	strace $0x9FFFFFFF  }
0xc2: {  	(tm) =	ssettm $0x7FFFFFFF  }
0xc3: {  	_ =	shalt  }
tec
execute0_lowered:
.L_overlay_start_1:
0x0: {  	(tag) =	ssettag $0x1  }
0x1: {  	s0 =	srdreg.scid;
	s2 =	rddreg [dreg:$0x0]  }
0x2: {  	s1 =	stileid.u32;
	s4 =	rddreg [dreg:$0x1]  }
0x3: {  	s3 =	simm.s32 $0x0;
	s0 =	sand.u32 $0x1, s0;
	s1 =	sshll.u32 s1, $0x1  }
0x4: {  	s9 =	simm.s32 $0x3;
	s31 =	simm.s32 $0x1;
	s1 =	sor.u32 s0, s1  }
0x5: {  	s29 =	simm.s32 $0x2;
	s5 =	smul.u32 $0xA000, s1;
	s6 =	sshll.u32 s1, $0x7  }
0x6: {  	[smem:$0x7FF] =	sst s3;
	s1 =	smul.u32 $0x50000, s1;
	s6 =	sadd.s32 s6, s4  }
0x7: {  	_ =	strace $0x80000047;
	s4 =	sadd.s32 $0x1C00, s4;
	s6 =	sadd.s32 $0xC00, s6  }
0x8: {  	s5 =	sadd.s32 s4, s5;
	s1 =	sshrl.u32 s1, $0x3;
	[dreg:$0x3] =	wrdreg s6  }
0x9: {  	[dreg:$0xb] =	wrdreg s5;
	s5 =	sadd.s32 $0x1400, s5;
	s1 =	sadd.s32 s4, s1  }
0xa: {  	s7 =	sadd.s32 $0x300, s2;
	[dreg:$0x4] =	wrdreg s5;
	s4 =	sadd.s32 $0x2800, s1  }
0xb: {  	s0 =	ssub.s32 $0x2, s0;
	s25 =	sadd.s32 $0x3C00, s1;
	[dreg:$0x5] =	wrdreg s4  }
0xc: {  	s24 =	sshrl.u32 s0, $0x1;
	s26 =	sadd.s32 $0x5000, s1;
	[dreg:$0x6] =	wrdreg s25  }
0xd: {  	s0 =	ssub.s32 s0, s24;
	s28 =	sadd.s32 $0x6400, s1;
	[dreg:$0x7] =	wrdreg s26  }
0xe: {  	v2 =	vlaneseq.u32;
	s8 =	smax.u32 s0, $0x1;
	s30 =	sadd.s32 $0x7800, s1;
	[dreg:$0x8] =	wrdreg s28  }
0xf: {  	vm0 =	vmmov $0xffff;
	v1 =	vshrl.u32 v2, $0x3;
	s6 =	sadd.s32 $0x200, s2;
	s1 =	sadd.s32 $0x8C00, s1;
	[dreg:$0x9] =	wrdreg s30  }
0x10: {  	v0 =	vand.u32 $0x7, v2;
	v2 =	vor.u32 $0x8, v2;
	v1 =	vmul.u32 $0x8, v1;
	s5 =	sadd.s32 $0x100, s2;
	[dreg:$0xa] =	wrdreg s1;
	s1 =	simm.s32 $0xA400  }
.LBB2_1:
0x11: {  	s30 =	rddreg [dreg:$0x3]  }
0x12: {  	[tilespmem:s3], [sflag:$0x3] =	stream.linear.gather [hbm4b:s30+s3], $0x400, $0x38;
	[tilespmem:$0x14400] =	vst v63  }
0x13: {  	_ =	swait.ge [sflag:s9], $0x400  }
0x14: {  	[sflag:s9] =	ssyncset.done $0x0  }
0x15: {  	[sflag:s9] =	ssyncadd.s32 $0xFFFFFC00  }
0x16: {  	v3 =	vld [tilespmem:$0x0];
	_ =	sdelay $0x4  }
0x17: {  	v4 =	vshll.u32 v3, $0x3  }
0x18: {  	v3 =	vand.u32 $0x7, v3;
	v4 =	vand.u32 $0xFFFFFFC0, v4  }
0x19: {  	v3 =	vor.u32 v3, v4  }
0x1a: {  	v4 =	vperm.xlane v3, v0;
	_ =	sdelay $0x1  }
0x1b: {  	v4 =	vadd.s32 v1, v4;
	_ =	sdelay $0x3  }
0x1c: {  	s0 =	simm.s32 $0x400  }
0x1d: {  	[tilespmem:s0], [sflag:$0x1] =	stream.indirect_vreg.gather [hbm4b:s2+s3], $0x80, v4, vm0, $0xb8;
	[tilespmem:$0x14400] =	vst v63  }
0x1e: {  	s11 =	simm.s32 $0xC00;
	v3 =	vperm.xlane v3, v2  }
0x1f: {  	[tilespmem:s11], [sflag:$0x1] =	stream.indirect_vreg.gather [hbm4b:s5+s3], $0x80, v4, vm0, $0xb8;
	[tilespmem:$0x14400] =	vst v63  }
0x20: {  	s12 =	simm.s32 $0x1400;
	v3 =	vadd.s32 v1, v3  }
0x21: {  	[tilespmem:s12], [sflag:$0x1] =	stream.indirect_vreg.gather [hbm4b:s6+s3], $0x80, v4, vm0, $0xb8;
	[tilespmem:$0x14400] =	vst v63  }
0x22: {  	s13 =	simm.s32 $0x1C00  }
0x23: {  	[tilespmem:s13], [sflag:$0x1] =	stream.indirect_vreg.gather [hbm4b:s7+s3], $0x80, v4, vm0, $0xb8;
	[tilespmem:$0x14400] =	vst v63  }
0x24: {  	s14 =	simm.s32 $0x2400  }
0x25: {  	[tilespmem:s14], [sflag:$0x1] =	stream.indirect_vreg.gather [hbm4b:s2+s3], $0x80, v3, vm0, $0xb8;
	[tilespmem:$0x14400] =	vst v63  }
0x26: {  	s15 =	simm.s32 $0x2C00  }
0x27: {  	[tilespmem:s15], [sflag:$0x1] =	stream.indirect_vreg.gather [hbm4b:s5+s3], $0x80, v3, vm0, $0xb8;
	[tilespmem:$0x14400] =	vst v63  }
0x28: {  	s16 =	simm.s32 $0x3400  }
0x29: {  	[tilespmem:s16], [sflag:$0x1] =	stream.indirect_vreg.gather [hbm4b:s6+s3], $0x80, v3, vm0, $0xb8;
	[tilespmem:$0x14400] =	vst v63  }
0x2a: {  	s19 =	simm.s32 $0x3C00  }
0x2b: {  	[tilespmem:s19], [sflag:$0x1] =	stream.indirect_vreg.gather [hbm4b:s7+s3], $0x80, v3, vm0, $0xb8;
	[tilespmem:$0x14400] =	vst v63  }
0x2c: {  	v3 =	vld [tilespmem:$0x10];
	_ =	sdelay $0x4  }
0x2d: {  	v41 =	vshll.u32 v3, $0x3  }
0x2e: {  	v3 =	vand.u32 $0x7, v3;
	v4 =	vand.u32 $0xFFFFFFC0, v41  }
0x2f: {  	v3 =	vor.u32 v3, v4  }
0x30: {  	v4 =	vperm.xlane v3, v0;
	_ =	sdelay $0x1  }
0x31: {  	v4 =	vadd.s32 v1, v4;
	_ =	sdelay $0x3  }
0x32: {  	s21 =	simm.s32 $0x4400  }
0x33: {  	[tilespmem:s21], [sflag:$0x1] =	stream.indirect_vreg.gather [hbm4b:s2+s3], $0x80, v4, vm0, $0xb8;
	[tilespmem:$0x14400] =	vst v63  }
0x34: {  	s22 =	simm.s32 $0x4C00;
	v3 =	vperm.xlane v3, v2  }
0x35: {  	[tilespmem:s22], [sflag:$0x1] =	stream.indirect_vreg.gather [hbm4b:s5+s3], $0x80, v4, vm0, $0xb8;
	[tilespmem:$0x14400] =	vst v63  }
0x36: {  	s24 =	simm.s32 $0x5400;
	v3 =	vadd.s32 v1, v3  }
0x37: {  	[tilespmem:s24], [sflag:$0x1] =	stream.indirect_vreg.gather [hbm4b:s6+s3], $0x80, v4, vm0, $0xb8;
	[tilespmem:$0x14400] =	vst v63  }
0x38: {  	s25 =	simm.s32 $0x5C00  }
0x39: {  	[tilespmem:s25], [sflag:$0x1] =	stream.indirect_vreg.gather [hbm4b:s7+s3], $0x80, v4, vm0, $0xb8;
	[tilespmem:$0x14400] =	vst v63  }
0x3a: {  	s26 =	simm.s32 $0x6400  }
0x3b: {  	[tilespmem:s26], [sflag:$0x1] =	stream.indirect_vreg.gather [hbm4b:s2+s3], $0x80, v3, vm0, $0xb8;
	[tilespmem:$0x14400] =	vst v63  }
0x3c: {  	s28 =	simm.s32 $0x6C00  }
0x3d: {  	[tilespmem:s28], [sflag:$0x1] =	stream.indirect_vreg.gather [hbm4b:s5+s3], $0x80, v3, vm0, $0xb8;
	[tilespmem:$0x14400] =	vst v63  }
0x3e: {  	s30 =	simm.s32 $0x7400  }
0x3f: {  	[tilespmem:s30], [sflag:$0x1] =	stream.indirect_vreg.gather [hbm4b:s6+s3], $0x80, v3, vm0, $0xb8;
	[tilespmem:$0x14400] =	vst v63  }
0x40: {  	s10 =	simm.s32 $0x7C00  }
0x41: {  	[tilespmem:s10], [sflag:$0x1] =	stream.indirect_vreg.gather [hbm4b:s7+s3], $0x80, v3, vm0, $0xb8;
	[tilespmem:$0x14400] =	vst v63  }
0x42: {  	v3 =	vld.msk [tilespmem:$0x20], $0xff;
	_ =	sdelay $0x4  }
0x43: {  	v42 =	vshll.u32 v3, $0x3  }
0x44: {  	v3 =	vand.u32 $0x7, v3;
	v4 =	vand.u32 $0xFFFFFFC0, v42  }
0x45: {  	v3 =	vor.u32 v3, v4  }
0x46: {  	v3 =	vperm.xlane v3, v0;
	_ =	sdelay $0x1  }
0x47: {  	v3 =	vadd.s32 v1, v3;
	_ =	sdelay $0x3  }
0x48: {  	s11 =	simm.s32 $0x8400  }
0x49: {  	[tilespmem:s11], [sflag:$0x1] =	stream.indirect_vreg.gather [hbm4b:s2+s3], $0x80, v3, vm0, $0xb8;
	[tilespmem:$0x14400] =	vst v63  }
0x4a: {  	s14 =	simm.s32 $0x8C00  }
0x4b: {  	[tilespmem:s14], [sflag:$0x1] =	stream.indirect_vreg.gather [hbm4b:s5+s3], $0x80, v3, vm0, $0xb8;
	[tilespmem:$0x14400] =	vst v63  }
0x4c: {  	s15 =	simm.s32 $0x9400  }
0x4d: {  	[tilespmem:s15], [sflag:$0x1] =	stream.indirect_vreg.gather [hbm4b:s6+s3], $0x80, v3, vm0, $0xb8;
	[tilespmem:$0x14400] =	vst v63  }
0x4e: {  	s16 =	simm.s32 $0x9C00  }
0x4f: {  	[tilespmem:s16], [sflag:$0x1] =	stream.indirect_vreg.gather [hbm4b:s7+s3], $0x80, v3, vm0, $0xb8;
	[tilespmem:$0x14400] =	vst v63  }
0x50: {  	_ =	swait.ge [sflag:s31], $0xA000  }
0x51: {  	[sflag:s31] =	ssyncset.done $0x0  }
0x52: {  	[sflag:s31] =	ssyncadd.s32 $0xFFFF6000  }
0x53: {  	v3 =	vld [tilespmem:$0x80];
	_ =	sdelay $0x4  }
0x54: {  	v43 =	vshll.u32 v3, $0x3  }
0x55: {  	v3 =	vand.u32 $0x7, v3;
	v4 =	vand.u32 $0xFFFFFFC0, v43  }
0x56: {  	v3 =	vor.u32 v3, v4  }
0x57: {  	v4 =	vperm.xlane v3, v0;
	_ =	sdelay $0x1  }
0x58: {  	v4 =	vadd.s32 v1, v4;
	_ =	sdelay $0x4  }
0x59: {  	[tilespmem:s1], [sflag:$0x2] =	stream.indirect_vreg.gather [hbm4b:s2+s3], $0x80, v4, vm0, $0xb8;
	[tilespmem:$0x14400] =	vst v63  }
0x5a: {  	s19 =	simm.s32 $0xAC00;
	v3 =	vperm.xlane v3, v2  }
0x5b: {  	[tilespmem:s19], [sflag:$0x2] =	stream.indirect_vreg.gather [hbm4b:s5+s3], $0x80, v4, vm0, $0xb8;
	[tilespmem:$0x14400] =	vst v63  }
0x5c: {  	s24 =	simm.s32 $0xB400;
	v3 =	vadd.s32 v1, v3  }
0x5d: {  	[tilespmem:s24], [sflag:$0x2] =	stream.indirect_vreg.gather [hbm4b:s6+s3], $0x80, v4, vm0, $0xb8;
	[tilespmem:$0x14400] =	vst v63  }
0x5e: {  	s25 =	simm.s32 $0xBC00  }
0x5f: {  	[tilespmem:s25], [sflag:$0x2] =	stream.indirect_vreg.gather [hbm4b:s7+s3], $0x80, v4, vm0, $0xb8;
	[tilespmem:$0x14400] =	vst v63  }
0x60: {  	s26 =	simm.s32 $0xC400  }
0x61: {  	[tilespmem:s26], [sflag:$0x2] =	stream.indirect_vreg.gather [hbm4b:s2+s3], $0x80, v3, vm0, $0xb8;
	[tilespmem:$0x14400] =	vst v63  }
0x62: {  	s30 =	simm.s32 $0xCC00  }
0x63: {  	[tilespmem:s30], [sflag:$0x2] =	stream.indirect_vreg.gather [hbm4b:s5+s3], $0x80, v3, vm0, $0xb8;
	[tilespmem:$0x14400] =	vst v63  }
0x64: {  	s14 =	simm.s32 $0xD400  }
0x65: {  	[tilespmem:s14], [sflag:$0x2] =	stream.indirect_vreg.gather [hbm4b:s6+s3], $0x80, v3, vm0, $0xb8;
	[tilespmem:$0x14400] =	vst v63  }
0x66: {  	s15 =	simm.s32 $0xDC00  }
0x67: {  	[tilespmem:s15], [sflag:$0x2] =	stream.indirect_vreg.gather [hbm4b:s7+s3], $0x80, v3, vm0, $0xb8;
	[tilespmem:$0x14400] =	vst v63  }
0x68: {  	v3 =	vld [tilespmem:$0x90];
	_ =	sdelay $0x4  }
0x69: {  	v44 =	vshll.u32 v3, $0x3  }
0x6a: {  	v3 =	vand.u32 $0x7, v3;
	v4 =	vand.u32 $0xFFFFFFC0, v44  }
0x6b: {  	v3 =	vor.u32 v3, v4  }
0x6c: {  	v4 =	vperm.xlane v3, v0;
	_ =	sdelay $0x1  }
0x6d: {  	v4 =	vadd.s32 v1, v4;
	_ =	sdelay $0x3  }
0x6e: {  	s16 =	simm.s32 $0xE400  }
0x6f: {  	[tilespmem:s16], [sflag:$0x2] =	stream.indirect_vreg.gather [hbm4b:s2+s3], $0x80, v4, vm0, $0xb8;
	[tilespmem:$0x14400] =	vst v63  }
0x70: {  	s19 =	simm.s32 $0xEC00;
	v3 =	vperm.xlane v3, v2  }
0x71: {  	[tilespmem:s19], [sflag:$0x2] =	stream.indirect_vreg.gather [hbm4b:s5+s3], $0x80, v4, vm0, $0xb8;
	[tilespmem:$0x14400] =	vst v63  }
0x72: {  	s24 =	simm.s32 $0xF400;
	v3 =	vadd.s32 v1, v3  }
0x73: {  	[tilespmem:s24], [sflag:$0x2] =	stream.indirect_vreg.gather [hbm4b:s6+s3], $0x80, v4, vm0, $0xb8;
	[tilespmem:$0x14400] =	vst v63  }
0x74: {  	s25 =	simm.s32 $0xFC00  }
0x75: {  	[tilespmem:s25], [sflag:$0x2] =	stream.indirect_vreg.gather [hbm4b:s7+s3], $0x80, v4, vm0, $0xb8;
	[tilespmem:$0x14400] =	vst v63  }
0x76: {  	s26 =	simm.s32 $0x10400  }
0x77: {  	[tilespmem:s26], [sflag:$0x2] =	stream.indirect_vreg.gather [hbm4b:s2+s3], $0x80, v3, vm0, $0xb8;
	[tilespmem:$0x14400] =	vst v63  }
0x78: {  	s30 =	simm.s32 $0x10C00  }
0x79: {  	[tilespmem:s30], [sflag:$0x2] =	stream.indirect_vreg.gather [hbm4b:s5+s3], $0x80, v3, vm0, $0xb8;
	[tilespmem:$0x14400] =	vst v63  }
0x7a: {  	s19 =	simm.s32 $0x11400  }
0x7b: {  	[tilespmem:s19], [sflag:$0x2] =	stream.indirect_vreg.gather [hbm4b:s6+s3], $0x80, v3, vm0, $0xb8;
	[tilespmem:$0x14400] =	vst v63  }
0x7c: {  	s24 =	simm.s32 $0x11C00  }
0x7d: {  	[tilespmem:s24], [sflag:$0x2] =	stream.indirect_vreg.gather [hbm4b:s7+s3], $0x80, v3, vm0, $0xb8;
	[tilespmem:$0x14400] =	vst v63  }
0x7e: {  	v3 =	vld.msk [tilespmem:$0xA0], $0xff;
	_ =	sdelay $0x4  }
0x7f: {  	v45 =	vshll.u32 v3, $0x3  }
0x80: {  	v3 =	vand.u32 $0x7, v3;
	v4 =	vand.u32 $0xFFFFFFC0, v45  }
0x81: {  	v3 =	vor.u32 v3, v4  }
0x82: {  	v3 =	vperm.xlane v3, v0;
	_ =	sdelay $0x1  }
0x83: {  	v3 =	vadd.s32 v1, v3;
	_ =	sdelay $0x3  }
0x84: {  	s25 =	simm.s32 $0x12400  }
0x85: {  	[tilespmem:s25], [sflag:$0x2] =	stream.indirect_vreg.gather [hbm4b:s2+s3], $0x80, v3, vm0, $0xb8;
	[tilespmem:$0x14400] =	vst v63  }
0x86: {  	s26 =	simm.s32 $0x12C00  }
0x87: {  	[tilespmem:s26], [sflag:$0x2] =	stream.indirect_vreg.gather [hbm4b:s5+s3], $0x80, v3, vm0, $0xb8;
	[tilespmem:$0x14400] =	vst v63  }
0x88: {  	s30 =	simm.s32 $0x13400  }
0x89: {  	[tilespmem:s30], [sflag:$0x2] =	stream.indirect_vreg.gather [hbm4b:s6+s3], $0x80, v3, vm0, $0xb8;
	[tilespmem:$0x14400] =	vst v63  }
0x8a: {  	s24 =	simm.s32 $0x13C00  }
0x8b: {  	[tilespmem:s24], [sflag:$0x2] =	stream.indirect_vreg.gather [hbm4b:s7+s3], $0x80, v3, vm0, $0xb8;
	[tilespmem:$0x14400] =	vst v63  }
0x8c: {  	s25 =	rddreg [dreg:$0xb];
	s26 =	simm.s32 $0x400  }
0x8d: {  	[hbm4b:s25+s3] =	stream.linear.scatter [tilespmem:s26], [sflag:$0x3], $0xA000, $0x38;
	[tilespmem:$0x14400] =	vst v63  }
0x8e: {  	_ =	swait.ge [sflag:s9], $0xA000  }
0x8f: {  	[sflag:s9] =	ssyncset.done $0x0  }
0x90: {  	[sflag:s9] =	ssyncadd.s32 $0xFFFF6000  }
0x91: {  	_ =	swait.ge [sflag:s29], $0xA000  }
0x92: {  	[sflag:s29] =	ssyncset.done $0x0  }
0x93: {  	[sflag:s29] =	ssyncadd.s32 $0xFFFF6000  }
0x94: {  	v3 =	vld [tilespmem:$0x100];
	_ =	sdelay $0x4  }
0x95: {  	v46 =	vshll.u32 v3, $0x3  }
0x96: {  	v3 =	vand.u32 $0x7, v3;
	v4 =	vand.u32 $0xFFFFFFC0, v46  }
0x97: {  	v3 =	vor.u32 v3, v4  }
0x98: {  	v4 =	vperm.xlane v3, v0;
	_ =	sdelay $0x1  }
0x99: {  	v4 =	vadd.s32 v1, v4;
	_ =	sdelay $0x4  }
0x9a: {  	[tilespmem:s26], [sflag:$0x1] =	stream.indirect_vreg.gather [hbm4b:s2+s3], $0x80, v4, vm0, $0xb8;
	[tilespmem:$0x14400] =	vst v63  }
0x9b: {  	s23 =	simm.s32 $0xC00;
	v3 =	vperm.xlane v3, v2  }
0x9c: {  	[tilespmem:s23], [sflag:$0x1] =	stream.indirect_vreg.gather [hbm4b:s5+s3], $0x80, v4, vm0, $0xb8;
	[tilespmem:$0x14400] =	vst v63  }
0x9d: {  	s12 =	simm.s32 $0x1400;
	v3 =	vadd.s32 v1, v3  }
0x9e: {  	[tilespmem:s12], [sflag:$0x1] =	stream.indirect_vreg.gather [hbm4b:s6+s3], $0x80, v4, vm0, $0xb8;
	[tilespmem:$0x14400] =	vst v63  }
0x9f: {  	s13 =	simm.s32 $0x1C00  }
0xa0: {  	[tilespmem:s13], [sflag:$0x1] =	stream.indirect_vreg.gather [hbm4b:s7+s3], $0x80, v4, vm0, $0xb8;
	[tilespmem:$0x14400] =	vst v63  }
0xa1: {  	s17 =	simm.s32 $0x2400  }
0xa2: {  	[tilespmem:s17], [sflag:$0x1] =	stream.indirect_vreg.gather [hbm4b:s2+s3], $0x80, v3, vm0, $0xb8;
	[tilespmem:$0x14400] =	vst v63  }
0xa3: {  	s18 =	simm.s32 $0x2C00  }
0xa4: {  	[tilespmem:s18], [sflag:$0x1] =	stream.indirect_vreg.gather [hbm4b:s5+s3], $0x80, v3, vm0, $0xb8;
	[tilespmem:$0x14400] =	vst v63  }
0xa5: {  	s20 =	simm.s32 $0x3400  }
0xa6: {  	[tilespmem:s20], [sflag:$0x1] =	stream.indirect_vreg.gather [hbm4b:s6+s3], $0x80, v3, vm0, $0xb8;
	[tilespmem:$0x14400] =	vst v63  }
0xa7: {  	s4 =	simm.s32 $0x3C00  }
0xa8: {  	[tilespmem:s4], [sflag:$0x1] =	stream.indirect_vreg.gather [hbm4b:s7+s3], $0x80, v3, vm0, $0xb8;
	[tilespmem:$0x14400] =	vst v63  }
0xa9: {  	v3 =	vld [tilespmem:$0x110];
	_ =	sdelay $0x4  }
0xaa: {  	v47 =	vshll.u32 v3, $0x3  }
0xab: {  	v3 =	vand.u32 $0x7, v3;
	v4 =	vand.u32 $0xFFFFFFC0, v47  }
0xac: {  	v3 =	vor.u32 v3, v4  }
0xad: {  	v4 =	vperm.xlane v3, v0;
	_ =	sdelay $0x1  }
0xae: {  	v4 =	vadd.s32 v1, v4;
	_ =	sdelay $0x3  }
0xaf: {  	s21 =	simm.s32 $0x4400  }
0xb0: {  	[tilespmem:s21], [sflag:$0x1] =	stream.indirect_vreg.gather [hbm4b:s2+s3], $0x80, v4, vm0, $0xb8;
	[tilespmem:$0x14400] =	vst v63  }
0xb1: {  	s22 =	simm.s32 $0x4C00;
	v3 =	vperm.xlane v3, v2  }
0xb2: {  	[tilespmem:s22], [sflag:$0x1] =	stream.indirect_vreg.gather [hbm4b:s5+s3], $0x80, v4, vm0, $0xb8;
	[tilespmem:$0x14400] =	vst v63  }
0xb3: {  	v3 =	vadd.s32 v1, v3;
	s21 =	simm.s32 $0x5400  }
0xb4: {  	[tilespmem:s21], [sflag:$0x1] =	stream.indirect_vreg.gather [hbm4b:s6+s3], $0x80, v4, vm0, $0xb8;
	[tilespmem:$0x14400] =	vst v63  }
0xb5: {  	s23 =	simm.s32 $0x5C00  }
0xb6: {  	[tilespmem:s23], [sflag:$0x1] =	stream.indirect_vreg.gather [hbm4b:s7+s3], $0x80, v4, vm0, $0xb8;
	[tilespmem:$0x14400] =	vst v63  }
0xb7: {  	s24 =	simm.s32 $0x6400  }
0xb8: {  	[tilespmem:s24], [sflag:$0x1] =	stream.indirect_vreg.gather [hbm4b:s2+s3], $0x80, v3, vm0, $0xb8;
	[tilespmem:$0x14400] =	vst v63  }
0xb9: {  	s25 =	simm.s32 $0x6C00  }
0xba: {  	[tilespmem:s25], [sflag:$0x1] =	stream.indirect_vreg.gather [hbm4b:s5+s3], $0x80, v3, vm0, $0xb8;
	[tilespmem:$0x14400] =	vst v63  }
0xbb: {  	s26 =	simm.s32 $0x7400  }
0xbc: {  	[tilespmem:s26], [sflag:$0x1] =	stream.indirect_vreg.gather [hbm4b:s6+s3], $0x80, v3, vm0, $0xb8;
	[tilespmem:$0x14400] =	vst v63  }
0xbd: {  	s28 =	simm.s32 $0x7C00  }
0xbe: {  	[tilespmem:s28], [sflag:$0x1] =	stream.indirect_vreg.gather [hbm4b:s7+s3], $0x80, v3, vm0, $0xb8;
	[tilespmem:$0x14400] =	vst v63  }
0xbf: {  	v3 =	vld.msk [tilespmem:$0x120], $0xff;
	_ =	sdelay $0x4  }
0xc0: {  	v48 =	vshll.u32 v3, $0x3  }
0xc1: {  	v3 =	vand.u32 $0x7, v3;
	v4 =	vand.u32 $0xFFFFFFC0, v48  }
0xc2: {  	v3 =	vor.u32 v3, v4  }
0xc3: {  	v3 =	vperm.xlane v3, v0;
	_ =	sdelay $0x1  }
0xc4: {  	v3 =	vadd.s32 v1, v3;
	_ =	sdelay $0x3  }
0xc5: {  	s28 =	simm.s32 $0x8400  }
0xc6: {  	[tilespmem:s28], [sflag:$0x1] =	stream.indirect_vreg.gather [hbm4b:s2+s3], $0x80, v3, vm0, $0xb8;
	[tilespmem:$0x14400] =	vst v63  }
0xc7: {  	s22 =	simm.s32 $0x8C00  }
0xc8: {  	[tilespmem:s22], [sflag:$0x1] =	stream.indirect_vreg.gather [hbm4b:s5+s3], $0x80, v3, vm0, $0xb8;
	[tilespmem:$0x14400] =	vst v63  }
0xc9: {  	s4 =	simm.s32 $0x9400  }
0xca: {  	[tilespmem:s4], [sflag:$0x1] =	stream.indirect_vreg.gather [hbm4b:s6+s3], $0x80, v3, vm0, $0xb8;
	[tilespmem:$0x14400] =	vst v63  }
0xcb: {  	s11 =	simm.s32 $0x9C00  }
0xcc: {  	[tilespmem:s11], [sflag:$0x1] =	stream.indirect_vreg.gather [hbm4b:s7+s3], $0x80, v3, vm0, $0xb8;
	[tilespmem:$0x14400] =	vst v63  }
0xcd: {  	s18 =	rddreg [dreg:$0x4]  }
0xce: {  	[hbm4b:s18+s3] =	stream.linear.scatter [tilespmem:s1], [sflag:$0x3], $0xA000, $0x38;
	[tilespmem:$0x14400] =	vst v63  }
0xcf: {  	_ =	swait.ge [sflag:s9], $0xA000  }
0xd0: {  	[sflag:s9] =	ssyncset.done $0x0  }
0xd1: {  	[sflag:s9] =	ssyncadd.s32 $0xFFFF6000  }
0xd2: {  	_ =	swait.ge [sflag:s31], $0xA000  }
0xd3: {  	[sflag:s31] =	ssyncset.done $0x0  }
0xd4: {  	[sflag:s31] =	ssyncadd.s32 $0xFFFF6000  }
0xd5: {  	v3 =	vld [tilespmem:$0x180];
	_ =	sdelay $0x4  }
0xd6: {  	v49 =	vshll.u32 v3, $0x3  }
0xd7: {  	v3 =	vand.u32 $0x7, v3;
	v4 =	vand.u32 $0xFFFFFFC0, v49  }
0xd8: {  	v3 =	vor.u32 v3, v4  }
0xd9: {  	v4 =	vperm.xlane v3, v0;
	_ =	sdelay $0x1  }
0xda: {  	v4 =	vadd.s32 v1, v4;
	_ =	sdelay $0x4  }
0xdb: {  	[tilespmem:s1], [sflag:$0x2] =	stream.indirect_vreg.gather [hbm4b:s2+s3], $0x80, v4, vm0, $0xb8;
	[tilespmem:$0x14400] =	vst v63  }
0xdc: {  	s10 =	simm.s32 $0xAC00;
	v3 =	vperm.xlane v3, v2  }
0xdd: {  	[tilespmem:s10], [sflag:$0x2] =	stream.indirect_vreg.gather [hbm4b:s5+s3], $0x80, v4, vm0, $0xb8;
	[tilespmem:$0x14400] =	vst v63  }
0xde: {  	s20 =	simm.s32 $0xB400;
	v3 =	vadd.s32 v1, v3  }
0xdf: {  	[tilespmem:s20], [sflag:$0x2] =	stream.indirect_vreg.gather [hbm4b:s6+s3], $0x80, v4, vm0, $0xb8;
	[tilespmem:$0x14400] =	vst v63  }
0xe0: {  	s10 =	simm.s32 $0xBC00  }
0xe1: {  	[tilespmem:s10], [sflag:$0x2] =	stream.indirect_vreg.gather [hbm4b:s7+s3], $0x80, v4, vm0, $0xb8;
	[tilespmem:$0x14400] =	vst v63  }
0xe2: {  	s11 =	simm.s32 $0xC400  }
0xe3: {  	[tilespmem:s11], [sflag:$0x2] =	stream.indirect_vreg.gather [hbm4b:s2+s3], $0x80, v3, vm0, $0xb8;
	[tilespmem:$0x14400] =	vst v63  }
0xe4: {  	s12 =	simm.s32 $0xCC00  }
0xe5: {  	[tilespmem:s12], [sflag:$0x2] =	stream.indirect_vreg.gather [hbm4b:s5+s3], $0x80, v3, vm0, $0xb8;
	[tilespmem:$0x14400] =	vst v63  }
0xe6: {  	s13 =	simm.s32 $0xD400  }
0xe7: {  	[tilespmem:s13], [sflag:$0x2] =	stream.indirect_vreg.gather [hbm4b:s6+s3], $0x80, v3, vm0, $0xb8;
	[tilespmem:$0x14400] =	vst v63  }
0xe8: {  	s14 =	simm.s32 $0xDC00  }
0xe9: {  	[tilespmem:s14], [sflag:$0x2] =	stream.indirect_vreg.gather [hbm4b:s7+s3], $0x80, v3, vm0, $0xb8;
	[tilespmem:$0x14400] =	vst v63  }
0xea: {  	v3 =	vld [tilespmem:$0x190];
	_ =	sdelay $0x4  }
0xeb: {  	v50 =	vshll.u32 v3, $0x3  }
0xec: {  	v3 =	vand.u32 $0x7, v3;
	v4 =	vand.u32 $0xFFFFFFC0, v50  }
0xed: {  	v3 =	vor.u32 v3, v4  }
0xee: {  	v4 =	vperm.xlane v3, v0;
	_ =	sdelay $0x1  }
0xef: {  	v4 =	vadd.s32 v1, v4;
	_ =	sdelay $0x3  }
0xf0: {  	s15 =	simm.s32 $0xE400  }
0xf1: {  	[tilespmem:s15], [sflag:$0x2] =	stream.indirect_vreg.gather [hbm4b:s2+s3], $0x80, v4, vm0, $0xb8;
	[tilespmem:$0x14400] =	vst v63  }
0xf2: {  	s16 =	simm.s32 $0xEC00;
	v3 =	vperm.xlane v3, v2  }
0xf3: {  	[tilespmem:s16], [sflag:$0x2] =	stream.indirect_vreg.gather [hbm4b:s5+s3], $0x80, v4, vm0, $0xb8;
	[tilespmem:$0x14400] =	vst v63  }
0xf4: {  	s14 =	simm.s32 $0xF400;
	v3 =	vadd.s32 v1, v3  }
0xf5: {  	[tilespmem:s14], [sflag:$0x2] =	stream.indirect_vreg.gather [hbm4b:s6+s3], $0x80, v4, vm0, $0xb8;
	[tilespmem:$0x14400] =	vst v63  }
0xf6: {  	s15 =	simm.s32 $0xFC00  }
0xf7: {  	[tilespmem:s15], [sflag:$0x2] =	stream.indirect_vreg.gather [hbm4b:s7+s3], $0x80, v4, vm0, $0xb8;
	[tilespmem:$0x14400] =	vst v63  }
0xf8: {  	s16 =	simm.s32 $0x10400  }
0xf9: {  	[tilespmem:s16], [sflag:$0x2] =	stream.indirect_vreg.gather [hbm4b:s2+s3], $0x80, v3, vm0, $0xb8;
	[tilespmem:$0x14400] =	vst v63  }
0xfa: {  	s17 =	simm.s32 $0x10C00  }
0xfb: {  	[tilespmem:s17], [sflag:$0x2] =	stream.indirect_vreg.gather [hbm4b:s5+s3], $0x80, v3, vm0, $0xb8;
	[tilespmem:$0x14400] =	vst v63  }
0xfc: {  	s18 =	simm.s32 $0x11400  }
0xfd: {  	[tilespmem:s18], [sflag:$0x2] =	stream.indirect_vreg.gather [hbm4b:s6+s3], $0x80, v3, vm0, $0xb8;
	[tilespmem:$0x14400] =	vst v63  }
0xfe: {  	s19 =	simm.s32 $0x11C00  }
0xff: {  	[tilespmem:s19], [sflag:$0x2] =	stream.indirect_vreg.gather [hbm4b:s7+s3], $0x80, v3, vm0, $0xb8;
	[tilespmem:$0x14400] =	vst v63  }
0x100: {  	v3 =	vld.msk [tilespmem:$0x1A0], $0xff;
	_ =	sdelay $0x4  }
0x101: {  	v51 =	vshll.u32 v3, $0x3  }
0x102: {  	v3 =	vand.u32 $0x7, v3;
	v4 =	vand.u32 $0xFFFFFFC0, v51  }
0x103: {  	v3 =	vor.u32 v3, v4  }
0x104: {  	v3 =	vperm.xlane v3, v0;
	_ =	sdelay $0x1  }
0x105: {  	v3 =	vadd.s32 v1, v3;
	_ =	sdelay $0x3  }
0x106: {  	s19 =	simm.s32 $0x12400  }
0x107: {  	[tilespmem:s19], [sflag:$0x2] =	stream.indirect_vreg.gather [hbm4b:s2+s3], $0x80, v3, vm0, $0xb8;
	[tilespmem:$0x14400] =	vst v63  }
0x108: {  	s20 =	simm.s32 $0x12C00  }
0x109: {  	[tilespmem:s20], [sflag:$0x2] =	stream.indirect_vreg.gather [hbm4b:s5+s3], $0x80, v3, vm0, $0xb8;
	[tilespmem:$0x14400] =	vst v63  }
0x10a: {  	s30 =	simm.s32 $0x13400  }
0x10b: {  	[tilespmem:s30], [sflag:$0x2] =	stream.indirect_vreg.gather [hbm4b:s6+s3], $0x80, v3, vm0, $0xb8;
	[tilespmem:$0x14400] =	vst v63  }
0x10c: {  	s0 =	simm.s32 $0x13C00  }
0x10d: {  	[tilespmem:s0], [sflag:$0x2] =	stream.indirect_vreg.gather [hbm4b:s7+s3], $0x80, v3, vm0, $0xb8;
	[tilespmem:$0x14400] =	vst v63  }
0x10e: {  	s30 =	rddreg [dreg:$0x5];
	s0 =	simm.s32 $0x400  }
0x10f: {  	[hbm4b:s30+s3] =	stream.linear.scatter [tilespmem:s0], [sflag:$0x3], $0xA000, $0x38;
	[tilespmem:$0x14400] =	vst v63  }
0x110: {  	_ =	swait.ge [sflag:s9], $0xA000  }
0x111: {  	[sflag:s9] =	ssyncset.done $0x0  }
0x112: {  	[sflag:s9] =	ssyncadd.s32 $0xFFFF6000  }
0x113: {  	_ =	swait.ge [sflag:s29], $0xA000  }
0x114: {  	[sflag:s29] =	ssyncset.done $0x0  }
0x115: {  	[sflag:s29] =	ssyncadd.s32 $0xFFFF6000  }
0x116: {  	v3 =	vld [tilespmem:$0x200];
	_ =	sdelay $0x4  }
0x117: {  	v52 =	vshll.u32 v3, $0x3  }
0x118: {  	v3 =	vand.u32 $0x7, v3;
	v4 =	vand.u32 $0xFFFFFFC0, v52  }
0x119: {  	v3 =	vor.u32 v3, v4  }
0x11a: {  	v4 =	vperm.xlane v3, v0;
	_ =	sdelay $0x1  }
0x11b: {  	v4 =	vadd.s32 v1, v4;
	_ =	sdelay $0x4  }
0x11c: {  	[tilespmem:s0], [sflag:$0x1] =	stream.indirect_vreg.gather [hbm4b:s2+s3], $0x80, v4, vm0, $0xb8;
	[tilespmem:$0x14400] =	vst v63  }
0x11d: {  	s30 =	simm.s32 $0xC00;
	v3 =	vperm.xlane v3, v2  }
0x11e: {  	[tilespmem:s30], [sflag:$0x1] =	stream.indirect_vreg.gather [hbm4b:s5+s3], $0x80, v4, vm0, $0xb8;
	[tilespmem:$0x14400] =	vst v63  }
0x11f: {  	v3 =	vadd.s32 v1, v3;
	s30 =	simm.s32 $0x1400  }
0x120: {  	[tilespmem:s30], [sflag:$0x1] =	stream.indirect_vreg.gather [hbm4b:s6+s3], $0x80, v4, vm0, $0xb8;
	[tilespmem:$0x14400] =	vst v63  }
0x121: {  	s30 =	simm.s32 $0x1C00  }
0x122: {  	[tilespmem:s30], [sflag:$0x1] =	stream.indirect_vreg.gather [hbm4b:s7+s3], $0x80, v4, vm0, $0xb8;
	[tilespmem:$0x14400] =	vst v63  }
0x123: {  	s30 =	simm.s32 $0x2400  }
0x124: {  	[tilespmem:s30], [sflag:$0x1] =	stream.indirect_vreg.gather [hbm4b:s2+s3], $0x80, v3, vm0, $0xb8;
	[tilespmem:$0x14400] =	vst v63  }
0x125: {  	s30 =	simm.s32 $0x2C00  }
0x126: {  	[tilespmem:s30], [sflag:$0x1] =	stream.indirect_vreg.gather [hbm4b:s5+s3], $0x80, v3, vm0, $0xb8;
	[tilespmem:$0x14400] =	vst v63  }
0x127: {  	s30 =	simm.s32 $0x3400  }
0x128: {  	[tilespmem:s30], [sflag:$0x1] =	stream.indirect_vreg.gather [hbm4b:s6+s3], $0x80, v3, vm0, $0xb8;
	[tilespmem:$0x14400] =	vst v63  }
0x129: {  	s30 =	simm.s32 $0x3C00  }
0x12a: {  	[tilespmem:s30], [sflag:$0x1] =	stream.indirect_vreg.gather [hbm4b:s7+s3], $0x80, v3, vm0, $0xb8;
	[tilespmem:$0x14400] =	vst v63  }
0x12b: {  	v3 =	vld [tilespmem:$0x210];
	_ =	sdelay $0x4  }
0x12c: {  	v53 =	vshll.u32 v3, $0x3  }
0x12d: {  	v3 =	vand.u32 $0x7, v3;
	v4 =	vand.u32 $0xFFFFFFC0, v53  }
0x12e: {  	v3 =	vor.u32 v3, v4  }
0x12f: {  	v4 =	vperm.xlane v3, v0;
	_ =	sdelay $0x1  }
0x130: {  	v4 =	vadd.s32 v1, v4;
	_ =	sdelay $0x3  }
0x131: {  	s30 =	simm.s32 $0x4400  }
0x132: {  	[tilespmem:s30], [sflag:$0x1] =	stream.indirect_vreg.gather [hbm4b:s2+s3], $0x80, v4, vm0, $0xb8;
	[tilespmem:$0x14400] =	vst v63  }
0x133: {  	v3 =	vperm.xlane v3, v2;
	s30 =	simm.s32 $0x4C00  }
0x134: {  	[tilespmem:s30], [sflag:$0x1] =	stream.indirect_vreg.gather [hbm4b:s5+s3], $0x80, v4, vm0, $0xb8;
	[tilespmem:$0x14400] =	vst v63  }
0x135: {  	v3 =	vadd.s32 v1, v3  }
0x136: {  	[tilespmem:s21], [sflag:$0x1] =	stream.indirect_vreg.gather [hbm4b:s6+s3], $0x80, v4, vm0, $0xb8;
	[tilespmem:$0x14400] =	vst v63  }
0x137: {  	_ = 	snop  }
0x138: {  	[tilespmem:s23], [sflag:$0x1] =	stream.indirect_vreg.gather [hbm4b:s7+s3], $0x80, v4, vm0, $0xb8;
	[tilespmem:$0x14400] =	vst v63  }
0x139: {  	_ = 	snop  }
0x13a: {  	[tilespmem:s24], [sflag:$0x1] =	stream.indirect_vreg.gather [hbm4b:s2+s3], $0x80, v3, vm0, $0xb8;
	[tilespmem:$0x14400] =	vst v63  }
0x13b: {  	_ = 	snop  }
0x13c: {  	[tilespmem:s25], [sflag:$0x1] =	stream.indirect_vreg.gather [hbm4b:s5+s3], $0x80, v3, vm0, $0xb8;
	[tilespmem:$0x14400] =	vst v63  }
0x13d: {  	_ = 	snop  }
0x13e: {  	[tilespmem:s26], [sflag:$0x1] =	stream.indirect_vreg.gather [hbm4b:s6+s3], $0x80, v3, vm0, $0xb8;
	[tilespmem:$0x14400] =	vst v63  }
0x13f: {  	s30 =	simm.s32 $0x7C00  }
0x140: {  	[tilespmem:s30], [sflag:$0x1] =	stream.indirect_vreg.gather [hbm4b:s7+s3], $0x80, v3, vm0, $0xb8;
	[tilespmem:$0x14400] =	vst v63  }
0x141: {  	v3 =	vld.msk [tilespmem:$0x220], $0xff;
	_ =	sdelay $0x4  }
0x142: {  	v54 =	vshll.u32 v3, $0x3  }
0x143: {  	v3 =	vand.u32 $0x7, v3;
	v4 =	vand.u32 $0xFFFFFFC0, v54  }
0x144: {  	v3 =	vor.u32 v3, v4  }
0x145: {  	v3 =	vperm.xlane v3, v0;
	_ =	sdelay $0x1  }
0x146: {  	v3 =	vadd.s32 v1, v3;
	_ =	sdelay $0x4  }
0x147: {  	[tilespmem:s28], [sflag:$0x1] =	stream.indirect_vreg.gather [hbm4b:s2+s3], $0x80, v3, vm0, $0xb8;
	[tilespmem:$0x14400] =	vst v63  }
0x148: {  	_ = 	snop  }
0x149: {  	[tilespmem:s22], [sflag:$0x1] =	stream.indirect_vreg.gather [hbm4b:s5+s3], $0x80, v3, vm0, $0xb8;
	[tilespmem:$0x14400] =	vst v63  }
0x14a: {  	_ = 	snop  }
0x14b: {  	[tilespmem:s4], [sflag:$0x1] =	stream.indirect_vreg.gather [hbm4b:s6+s3], $0x80, v3, vm0, $0xb8;
	[tilespmem:$0x14400] =	vst v63  }
0x14c: {  	s22 =	simm.s32 $0x9C00  }
0x14d: {  	[tilespmem:s22], [sflag:$0x1] =	stream.indirect_vreg.gather [hbm4b:s7+s3], $0x80, v3, vm0, $0xb8;
	[tilespmem:$0x14400] =	vst v63  }
0x14e: {  	s4 =	rddreg [dreg:$0x6]  }
0x14f: {  	[hbm4b:s4+s3] =	stream.linear.scatter [tilespmem:s1], [sflag:$0x3], $0xA000, $0x38;
	[tilespmem:$0x14400] =	vst v63  }
0x150: {  	_ =	swait.ge [sflag:s9], $0xA000  }
0x151: {  	[sflag:s9] =	ssyncset.done $0x0  }
0x152: {  	[sflag:s9] =	ssyncadd.s32 $0xFFFF6000  }
0x153: {  	_ =	swait.ge [sflag:s31], $0xA000  }
0x154: {  	[sflag:s31] =	ssyncset.done $0x0  }
0x155: {  	[sflag:s31] =	ssyncadd.s32 $0xFFFF6000  }
0x156: {  	v3 =	vld [tilespmem:$0x280];
	_ =	sdelay $0x4  }
0x157: {  	v55 =	vshll.u32 v3, $0x3  }
0x158: {  	v3 =	vand.u32 $0x7, v3;
	v4 =	vand.u32 $0xFFFFFFC0, v55  }
0x159: {  	v3 =	vor.u32 v3, v4  }
0x15a: {  	v4 =	vperm.xlane v3, v0;
	_ =	sdelay $0x1  }
0x15b: {  	v4 =	vadd.s32 v1, v4;
	_ =	sdelay $0x4  }
0x15c: {  	[tilespmem:s1], [sflag:$0x2] =	stream.indirect_vreg.gather [hbm4b:s2+s3], $0x80, v4, vm0, $0xb8;
	[tilespmem:$0x14400] =	vst v63  }
0x15d: {  	s4 =	simm.s32 $0xAC00;
	v3 =	vperm.xlane v3, v2  }
0x15e: {  	[tilespmem:s4], [sflag:$0x2] =	stream.indirect_vreg.gather [hbm4b:s5+s3], $0x80, v4, vm0, $0xb8;
	[tilespmem:$0x14400] =	vst v63  }
0x15f: {  	s22 =	simm.s32 $0xB400;
	v3 =	vadd.s32 v1, v3  }
0x160: {  	[tilespmem:s22], [sflag:$0x2] =	stream.indirect_vreg.gather [hbm4b:s6+s3], $0x80, v4, vm0, $0xb8;
	[tilespmem:$0x14400] =	vst v63  }
0x161: {  	_ = 	snop  }
0x162: {  	[tilespmem:s10], [sflag:$0x2] =	stream.indirect_vreg.gather [hbm4b:s7+s3], $0x80, v4, vm0, $0xb8;
	[tilespmem:$0x14400] =	vst v63  }
0x163: {  	_ = 	snop  }
0x164: {  	[tilespmem:s11], [sflag:$0x2] =	stream.indirect_vreg.gather [hbm4b:s2+s3], $0x80, v3, vm0, $0xb8;
	[tilespmem:$0x14400] =	vst v63  }
0x165: {  	_ = 	snop  }
0x166: {  	[tilespmem:s12], [sflag:$0x2] =	stream.indirect_vreg.gather [hbm4b:s5+s3], $0x80, v3, vm0, $0xb8;
	[tilespmem:$0x14400] =	vst v63  }
0x167: {  	_ = 	snop  }
0x168: {  	[tilespmem:s13], [sflag:$0x2] =	stream.indirect_vreg.gather [hbm4b:s6+s3], $0x80, v3, vm0, $0xb8;
	[tilespmem:$0x14400] =	vst v63  }
0x169: {  	s30 =	simm.s32 $0xDC00  }
0x16a: {  	[tilespmem:s30], [sflag:$0x2] =	stream.indirect_vreg.gather [hbm4b:s7+s3], $0x80, v3, vm0, $0xb8;
	[tilespmem:$0x14400] =	vst v63  }
0x16b: {  	v3 =	vld [tilespmem:$0x290];
	_ =	sdelay $0x4  }
0x16c: {  	v56 =	vshll.u32 v3, $0x3  }
0x16d: {  	v3 =	vand.u32 $0x7, v3;
	v4 =	vand.u32 $0xFFFFFFC0, v56  }
0x16e: {  	v3 =	vor.u32 v3, v4  }
0x16f: {  	v4 =	vperm.xlane v3, v0;
	_ =	sdelay $0x1  }
0x170: {  	v4 =	vadd.s32 v1, v4;
	_ =	sdelay $0x3  }
0x171: {  	s4 =	simm.s32 $0xE400  }
0x172: {  	[tilespmem:s4], [sflag:$0x2] =	stream.indirect_vreg.gather [hbm4b:s2+s3], $0x80, v4, vm0, $0xb8;
	[tilespmem:$0x14400] =	vst v63  }
0x173: {  	s13 =	simm.s32 $0xEC00;
	v3 =	vperm.xlane v3, v2  }
0x174: {  	[tilespmem:s13], [sflag:$0x2] =	stream.indirect_vreg.gather [hbm4b:s5+s3], $0x80, v4, vm0, $0xb8;
	[tilespmem:$0x14400] =	vst v63  }
0x175: {  	v3 =	vadd.s32 v1, v3  }
0x176: {  	[tilespmem:s14], [sflag:$0x2] =	stream.indirect_vreg.gather [hbm4b:s6+s3], $0x80, v4, vm0, $0xb8;
	[tilespmem:$0x14400] =	vst v63  }
0x177: {  	_ = 	snop  }
0x178: {  	[tilespmem:s15], [sflag:$0x2] =	stream.indirect_vreg.gather [hbm4b:s7+s3], $0x80, v4, vm0, $0xb8;
	[tilespmem:$0x14400] =	vst v63  }
0x179: {  	_ = 	snop  }
0x17a: {  	[tilespmem:s16], [sflag:$0x2] =	stream.indirect_vreg.gather [hbm4b:s2+s3], $0x80, v3, vm0, $0xb8;
	[tilespmem:$0x14400] =	vst v63  }
0x17b: {  	_ = 	snop  }
0x17c: {  	[tilespmem:s17], [sflag:$0x2] =	stream.indirect_vreg.gather [hbm4b:s5+s3], $0x80, v3, vm0, $0xb8;
	[tilespmem:$0x14400] =	vst v63  }
0x17d: {  	_ = 	snop  }
0x17e: {  	[tilespmem:s18], [sflag:$0x2] =	stream.indirect_vreg.gather [hbm4b:s6+s3], $0x80, v3, vm0, $0xb8;
	[tilespmem:$0x14400] =	vst v63  }
0x17f: {  	s18 =	simm.s32 $0x11C00  }
0x180: {  	[tilespmem:s18], [sflag:$0x2] =	stream.indirect_vreg.gather [hbm4b:s7+s3], $0x80, v3, vm0, $0xb8;
	[tilespmem:$0x14400] =	vst v63  }
0x181: {  	v3 =	vld.msk [tilespmem:$0x2A0], $0xff;
	_ =	sdelay $0x4  }
0x182: {  	v57 =	vshll.u32 v3, $0x3  }
0x183: {  	v3 =	vand.u32 $0x7, v3;
	v4 =	vand.u32 $0xFFFFFFC0, v57  }
0x184: {  	v3 =	vor.u32 v3, v4  }
0x185: {  	v3 =	vperm.xlane v3, v0;
	_ =	sdelay $0x1  }
0x186: {  	v3 =	vadd.s32 v1, v3;
	_ =	sdelay $0x4  }
0x187: {  	[tilespmem:s19], [sflag:$0x2] =	stream.indirect_vreg.gather [hbm4b:s2+s3], $0x80, v3, vm0, $0xb8;
	[tilespmem:$0x14400] =	vst v63  }
0x188: {  	_ = 	snop  }
0x189: {  	[tilespmem:s20], [sflag:$0x2] =	stream.indirect_vreg.gather [hbm4b:s5+s3], $0x80, v3, vm0, $0xb8;
	[tilespmem:$0x14400] =	vst v63  }
0x18a: {  	s0 =	simm.s32 $0x13400  }
0x18b: {  	[tilespmem:s0], [sflag:$0x2] =	stream.indirect_vreg.gather [hbm4b:s6+s3], $0x80, v3, vm0, $0xb8;
	[tilespmem:$0x14400] =	vst v63  }
0x18c: {  	s20 =	simm.s32 $0x13C00  }
0x18d: {  	[tilespmem:s20], [sflag:$0x2] =	stream.indirect_vreg.gather [hbm4b:s7+s3], $0x80, v3, vm0, $0xb8;
	[tilespmem:$0x14400] =	vst v63  }
0x18e: {  	s30 =	rddreg [dreg:$0x7];
	s4 =	simm.s32 $0x400  }
0x18f: {  	[hbm4b:s30+s3] =	stream.linear.scatter [tilespmem:s4], [sflag:$0x3], $0xA000, $0x38;
	[tilespmem:$0x14400] =	vst v63  }
0x190: {  	_ =	swait.ge [sflag:s9], $0xA000  }
0x191: {  	[sflag:s9] =	ssyncset.done $0x0  }
0x192: {  	[sflag:s9] =	ssyncadd.s32 $0xFFFF6000  }
0x193: {  	_ =	swait.ge [sflag:s29], $0xA000  }
0x194: {  	[sflag:s29] =	ssyncset.done $0x0  }
0x195: {  	[sflag:s29] =	ssyncadd.s32 $0xFFFF6000  }
0x196: {  	v3 =	vld [tilespmem:$0x300];
	_ =	sdelay $0x4  }
0x197: {  	v58 =	vshll.u32 v3, $0x3  }
0x198: {  	v3 =	vand.u32 $0x7, v3;
	v4 =	vand.u32 $0xFFFFFFC0, v58  }
0x199: {  	v3 =	vor.u32 v3, v4  }
0x19a: {  	v4 =	vperm.xlane v3, v0;
	_ =	sdelay $0x1  }
0x19b: {  	v4 =	vadd.s32 v1, v4;
	_ =	sdelay $0x4  }
0x19c: {  	[tilespmem:s4], [sflag:$0x1] =	stream.indirect_vreg.gather [hbm4b:s2+s3], $0x80, v4, vm0, $0xb8;
	[tilespmem:$0x14400] =	vst v63  }
0x19d: {  	s30 =	simm.s32 $0xC00;
	v3 =	vperm.xlane v3, v2  }
0x19e: {  	[tilespmem:s30], [sflag:$0x1] =	stream.indirect_vreg.gather [hbm4b:s5+s3], $0x80, v4, vm0, $0xb8;
	[tilespmem:$0x14400] =	vst v63  }
0x19f: {  	v3 =	vadd.s32 v1, v3;
	s30 =	simm.s32 $0x1400  }
0x1a0: {  	[tilespmem:s30], [sflag:$0x1] =	stream.indirect_vreg.gather [hbm4b:s6+s3], $0x80, v4, vm0, $0xb8;
	[tilespmem:$0x14400] =	vst v63  }
0x1a1: {  	s30 =	simm.s32 $0x1C00  }
0x1a2: {  	[tilespmem:s30], [sflag:$0x1] =	stream.indirect_vreg.gather [hbm4b:s7+s3], $0x80, v4, vm0, $0xb8;
	[tilespmem:$0x14400] =	vst v63  }
0x1a3: {  	s30 =	simm.s32 $0x2400  }
0x1a4: {  	[tilespmem:s30], [sflag:$0x1] =	stream.indirect_vreg.gather [hbm4b:s2+s3], $0x80, v3, vm0, $0xb8;
	[tilespmem:$0x14400] =	vst v63  }
0x1a5: {  	s30 =	simm.s32 $0x2C00  }
0x1a6: {  	[tilespmem:s30], [sflag:$0x1] =	stream.indirect_vreg.gather [hbm4b:s5+s3], $0x80, v3, vm0, $0xb8;
	[tilespmem:$0x14400] =	vst v63  }
0x1a7: {  	s30 =	simm.s32 $0x3400  }
0x1a8: {  	[tilespmem:s30], [sflag:$0x1] =	stream.indirect_vreg.gather [hbm4b:s6+s3], $0x80, v3, vm0, $0xb8;
	[tilespmem:$0x14400] =	vst v63  }
0x1a9: {  	s30 =	simm.s32 $0x3C00  }
0x1aa: {  	[tilespmem:s30], [sflag:$0x1] =	stream.indirect_vreg.gather [hbm4b:s7+s3], $0x80, v3, vm0, $0xb8;
	[tilespmem:$0x14400] =	vst v63  }
0x1ab: {  	v3 =	vld [tilespmem:$0x310];
	_ =	sdelay $0x4  }
0x1ac: {  	v59 =	vshll.u32 v3, $0x3  }
0x1ad: {  	v3 =	vand.u32 $0x7, v3;
	v4 =	vand.u32 $0xFFFFFFC0, v59  }
0x1ae: {  	v3 =	vor.u32 v3, v4  }
0x1af: {  	v4 =	vperm.xlane v3, v0;
	_ =	sdelay $0x1  }
0x1b0: {  	v4 =	vadd.s32 v1, v4;
	_ =	sdelay $0x3  }
0x1b1: {  	s30 =	simm.s32 $0x4400  }
0x1b2: {  	[tilespmem:s30], [sflag:$0x1] =	stream.indirect_vreg.gather [hbm4b:s2+s3], $0x80, v4, vm0, $0xb8;
	[tilespmem:$0x14400] =	vst v63  }
0x1b3: {  	v3 =	vperm.xlane v3, v2;
	s30 =	simm.s32 $0x4C00  }
0x1b4: {  	[tilespmem:s30], [sflag:$0x1] =	stream.indirect_vreg.gather [hbm4b:s5+s3], $0x80, v4, vm0, $0xb8;
	[tilespmem:$0x14400] =	vst v63  }
0x1b5: {  	s21 =	simm.s32 $0x5400;
	v3 =	vadd.s32 v1, v3  }
0x1b6: {  	[tilespmem:s21], [sflag:$0x1] =	stream.indirect_vreg.gather [hbm4b:s6+s3], $0x80, v4, vm0, $0xb8;
	[tilespmem:$0x14400] =	vst v63  }
0x1b7: {  	s30 =	simm.s32 $0x5C00  }
0x1b8: {  	[tilespmem:s30], [sflag:$0x1] =	stream.indirect_vreg.gather [hbm4b:s7+s3], $0x80, v4, vm0, $0xb8;
	[tilespmem:$0x14400] =	vst v63  }
0x1b9: {  	s23 =	simm.s32 $0x6400  }
0x1ba: {  	[tilespmem:s23], [sflag:$0x1] =	stream.indirect_vreg.gather [hbm4b:s2+s3], $0x80, v3, vm0, $0xb8;
	[tilespmem:$0x14400] =	vst v63  }
0x1bb: {  	s24 =	simm.s32 $0x6C00  }
0x1bc: {  	[tilespmem:s24], [sflag:$0x1] =	stream.indirect_vreg.gather [hbm4b:s5+s3], $0x80, v3, vm0, $0xb8;
	[tilespmem:$0x14400] =	vst v63  }
0x1bd: {  	s25 =	simm.s32 $0x7400  }
0x1be: {  	[tilespmem:s25], [sflag:$0x1] =	stream.indirect_vreg.gather [hbm4b:s6+s3], $0x80, v3, vm0, $0xb8;
	[tilespmem:$0x14400] =	vst v63  }
0x1bf: {  	s23 =	simm.s32 $0x7C00  }
0x1c0: {  	[tilespmem:s23], [sflag:$0x1] =	stream.indirect_vreg.gather [hbm4b:s7+s3], $0x80, v3, vm0, $0xb8;
	[tilespmem:$0x14400] =	vst v63  }
0x1c1: {  	v3 =	vld.msk [tilespmem:$0x320], $0xff;
	_ =	sdelay $0x4  }
0x1c2: {  	v60 =	vshll.u32 v3, $0x3  }
0x1c3: {  	v3 =	vand.u32 $0x7, v3;
	v4 =	vand.u32 $0xFFFFFFC0, v60  }
0x1c4: {  	v3 =	vor.u32 v3, v4  }
0x1c5: {  	v3 =	vperm.xlane v3, v0;
	_ =	sdelay $0x1  }
0x1c6: {  	v3 =	vadd.s32 v1, v3;
	_ =	sdelay $0x3  }
0x1c7: {  	s26 =	simm.s32 $0x8400  }
0x1c8: {  	[tilespmem:s26], [sflag:$0x1] =	stream.indirect_vreg.gather [hbm4b:s2+s3], $0x80, v3, vm0, $0xb8;
	[tilespmem:$0x14400] =	vst v63  }
0x1c9: {  	s28 =	simm.s32 $0x8C00  }
0x1ca: {  	[tilespmem:s28], [sflag:$0x1] =	stream.indirect_vreg.gather [hbm4b:s5+s3], $0x80, v3, vm0, $0xb8;
	[tilespmem:$0x14400] =	vst v63  }
0x1cb: {  	s24 =	simm.s32 $0x9400  }
0x1cc: {  	[tilespmem:s24], [sflag:$0x1] =	stream.indirect_vreg.gather [hbm4b:s6+s3], $0x80, v3, vm0, $0xb8;
	[tilespmem:$0x14400] =	vst v63  }
0x1cd: {  	s26 =	simm.s32 $0x9C00  }
0x1ce: {  	[tilespmem:s26], [sflag:$0x1] =	stream.indirect_vreg.gather [hbm4b:s7+s3], $0x80, v3, vm0, $0xb8;
	[tilespmem:$0x14400] =	vst v63  }
0x1cf: {  	s25 =	rddreg [dreg:$0x8]  }
0x1d0: {  	[hbm4b:s25+s3] =	stream.linear.scatter [tilespmem:s1], [sflag:$0x3], $0xA000, $0x38;
	[tilespmem:$0x14400] =	vst v63  }
0x1d1: {  	_ =	swait.ge [sflag:s9], $0xA000  }
0x1d2: {  	[sflag:s9] =	ssyncset.done $0x0  }
0x1d3: {  	[sflag:s9] =	ssyncadd.s32 $0xFFFF6000  }
0x1d4: {  	_ =	swait.ge [sflag:s31], $0xA000  }
0x1d5: {  	[sflag:s31] =	ssyncset.done $0x0  }
0x1d6: {  	[sflag:s31] =	ssyncadd.s32 $0xFFFF6000  }
0x1d7: {  	v3 =	vld [tilespmem:$0x380];
	_ =	sdelay $0x4  }
0x1d8: {  	v61 =	vshll.u32 v3, $0x3  }
0x1d9: {  	v3 =	vand.u32 $0x7, v3;
	v4 =	vand.u32 $0xFFFFFFC0, v61  }
0x1da: {  	v3 =	vor.u32 v3, v4  }
0x1db: {  	v4 =	vperm.xlane v3, v0;
	_ =	sdelay $0x1  }
0x1dc: {  	v4 =	vadd.s32 v1, v4;
	_ =	sdelay $0x4  }
0x1dd: {  	[tilespmem:s1], [sflag:$0x2] =	stream.indirect_vreg.gather [hbm4b:s2+s3], $0x80, v4, vm0, $0xb8;
	[tilespmem:$0x14400] =	vst v63  }
0x1de: {  	s28 =	simm.s32 $0xAC00;
	v3 =	vperm.xlane v3, v2  }
0x1df: {  	[tilespmem:s28], [sflag:$0x2] =	stream.indirect_vreg.gather [hbm4b:s5+s3], $0x80, v4, vm0, $0xb8;
	[tilespmem:$0x14400] =	vst v63  }
0x1e0: {  	s30 =	simm.s32 $0xB400;
	v3 =	vadd.s32 v1, v3  }
0x1e1: {  	[tilespmem:s30], [sflag:$0x2] =	stream.indirect_vreg.gather [hbm4b:s6+s3], $0x80, v4, vm0, $0xb8;
	[tilespmem:$0x14400] =	vst v63  }
0x1e2: {  	s22 =	simm.s32 $0xBC00  }
0x1e3: {  	[tilespmem:s22], [sflag:$0x2] =	stream.indirect_vreg.gather [hbm4b:s7+s3], $0x80, v4, vm0, $0xb8;
	[tilespmem:$0x14400] =	vst v63  }
0x1e4: {  	s10 =	simm.s32 $0xC400  }
0x1e5: {  	[tilespmem:s10], [sflag:$0x2] =	stream.indirect_vreg.gather [hbm4b:s2+s3], $0x80, v3, vm0, $0xb8;
	[tilespmem:$0x14400] =	vst v63  }
0x1e6: {  	s11 =	simm.s32 $0xCC00  }
0x1e7: {  	[tilespmem:s11], [sflag:$0x2] =	stream.indirect_vreg.gather [hbm4b:s5+s3], $0x80, v3, vm0, $0xb8;
	[tilespmem:$0x14400] =	vst v63  }
0x1e8: {  	s12 =	simm.s32 $0xD400  }
0x1e9: {  	[tilespmem:s12], [sflag:$0x2] =	stream.indirect_vreg.gather [hbm4b:s6+s3], $0x80, v3, vm0, $0xb8;
	[tilespmem:$0x14400] =	vst v63  }
0x1ea: {  	s22 =	simm.s32 $0xDC00  }
0x1eb: {  	[tilespmem:s22], [sflag:$0x2] =	stream.indirect_vreg.gather [hbm4b:s7+s3], $0x80, v3, vm0, $0xb8;
	[tilespmem:$0x14400] =	vst v63  }
0x1ec: {  	v3 =	vld [tilespmem:$0x390];
	_ =	sdelay $0x4  }
0x1ed: {  	v62 =	vshll.u32 v3, $0x3  }
0x1ee: {  	v3 =	vand.u32 $0x7, v3;
	v4 =	vand.u32 $0xFFFFFFC0, v62  }
0x1ef: {  	v3 =	vor.u32 v3, v4  }
0x1f0: {  	v4 =	vperm.xlane v3, v0;
	_ =	sdelay $0x1  }
0x1f1: {  	v4 =	vadd.s32 v1, v4;
	_ =	sdelay $0x3  }
0x1f2: {  	s23 =	simm.s32 $0xE400  }
0x1f3: {  	[tilespmem:s23], [sflag:$0x2] =	stream.indirect_vreg.gather [hbm4b:s2+s3], $0x80, v4, vm0, $0xb8;
	[tilespmem:$0x14400] =	vst v63  }
0x1f4: {  	s24 =	simm.s32 $0xEC00;
	v3 =	vperm.xlane v3, v2  }
0x1f5: {  	[tilespmem:s24], [sflag:$0x2] =	stream.indirect_vreg.gather [hbm4b:s5+s3], $0x80, v4, vm0, $0xb8;
	[tilespmem:$0x14400] =	vst v63  }
0x1f6: {  	s13 =	simm.s32 $0xF400;
	v3 =	vadd.s32 v1, v3  }
0x1f7: {  	[tilespmem:s13], [sflag:$0x2] =	stream.indirect_vreg.gather [hbm4b:s6+s3], $0x80, v4, vm0, $0xb8;
	[tilespmem:$0x14400] =	vst v63  }
0x1f8: {  	s14 =	simm.s32 $0xFC00  }
0x1f9: {  	[tilespmem:s14], [sflag:$0x2] =	stream.indirect_vreg.gather [hbm4b:s7+s3], $0x80, v4, vm0, $0xb8;
	[tilespmem:$0x14400] =	vst v63  }
0x1fa: {  	s15 =	simm.s32 $0x10400  }
0x1fb: {  	[tilespmem:s15], [sflag:$0x2] =	stream.indirect_vreg.gather [hbm4b:s2+s3], $0x80, v3, vm0, $0xb8;
	[tilespmem:$0x14400] =	vst v63  }
0x1fc: {  	s16 =	simm.s32 $0x10C00  }
0x1fd: {  	[tilespmem:s16], [sflag:$0x2] =	stream.indirect_vreg.gather [hbm4b:s5+s3], $0x80, v3, vm0, $0xb8;
	[tilespmem:$0x14400] =	vst v63  }
0x1fe: {  	s17 =	simm.s32 $0x11400  }
0x1ff: {  	[tilespmem:s17], [sflag:$0x2] =	stream.indirect_vreg.gather [hbm4b:s6+s3], $0x80, v3, vm0, $0xb8;
	[tilespmem:$0x14400] =	vst v63  }
0x200: {  	s25 =	simm.s32 $0x11C00  }
0x201: {  	[tilespmem:s25], [sflag:$0x2] =	stream.indirect_vreg.gather [hbm4b:s7+s3], $0x80, v3, vm0, $0xb8;
	[tilespmem:$0x14400] =	vst v63  }
0x202: {  	v3 =	vld.msk [tilespmem:$0x3A0], $0xff;
	_ =	sdelay $0x4  }
0x203: {  	v63 =	vshll.u32 v3, $0x3  }
0x204: {  	v3 =	vand.u32 $0x7, v3;
	v4 =	vand.u32 $0xFFFFFFC0, v63  }
0x205: {  	v3 =	vor.u32 v3, v4  }
0x206: {  	v3 =	vperm.xlane v3, v0;
	_ =	sdelay $0x1  }
0x207: {  	v3 =	vadd.s32 v1, v3;
	_ =	sdelay $0x3  }
0x208: {  	s18 =	simm.s32 $0x12400  }
0x209: {  	[tilespmem:s18], [sflag:$0x2] =	stream.indirect_vreg.gather [hbm4b:s2+s3], $0x80, v3, vm0, $0xb8;
	[tilespmem:$0x14400] =	vst v63  }
0x20a: {  	s19 =	simm.s32 $0x12C00  }
0x20b: {  	[tilespmem:s19], [sflag:$0x2] =	stream.indirect_vreg.gather [hbm4b:s5+s3], $0x80, v3, vm0, $0xb8;
	[tilespmem:$0x14400] =	vst v63  }
0x20c: {  	_ = 	snop  }
0x20d: {  	[tilespmem:s0], [sflag:$0x2] =	stream.indirect_vreg.gather [hbm4b:s6+s3], $0x80, v3, vm0, $0xb8;
	[tilespmem:$0x14400] =	vst v63  }
0x20e: {  	_ = 	snop  }
0x20f: {  	[tilespmem:s20], [sflag:$0x2] =	stream.indirect_vreg.gather [hbm4b:s7+s3], $0x80, v3, vm0, $0xb8;
	[tilespmem:$0x14400] =	vst v63  }
0x210: {  	s4 =	simm.s32 $0x400;
	s26 =	rddreg [dreg:$0x9]  }
0x211: {  	[hbm4b:s26+s3] =	stream.linear.scatter [tilespmem:s4], [sflag:$0x3], $0xA000, $0x38;
	[tilespmem:$0x14400] =	vst v63  }
0x212: {  	_ =	swait.ge [sflag:s9], $0xA000  }
0x213: {  	[sflag:s9] =	ssyncset.done $0x0  }
0x214: {  	[sflag:s9] =	ssyncadd.s32 $0xFFFF6000  }
0x215: {  	_ =	swait.ge [sflag:s29], $0xA000  }
0x216: {  	p0 =	sne.s32 s8, $0x1;
	[sflag:s29] =	ssyncset.done $0x0  }
.Ltmp0:
0x217: {  	s28 =	rddreg [dreg:$0xa];
	[sflag:s29] =	ssyncadd.s32 $0xFFFF6000;
	(pc) =	sbr.rel @p0 .LBB2_1-.Ltmp0, $4  }
0x218: {  	[hbm4b:s28+s3] =	stream.linear.scatter [tilespmem:s1], [sflag:$0x3], $0xA000, $0x38;
	[tilespmem:$0x14400] =	vst v63  }
0x219: {  	_ =	swait.ge [sflag:s9], $0xA000  }
0x21a: {  	[sflag:s9] =	ssyncset.done $0x0  }
0x21b: {  	s8 =	sadd.s32 $0xFFFFFFFF, s8;
	[sflag:s9] =	ssyncadd.s32 $0xFFFF6000  }
0x21c: {  	_ =	sfence.sel $0x180000  }
0x21d: {  	[bflag:$0x0] =	sbarrier.arrive $0xFFFF  }
0x21e: {  	_ =	strace $0x90000047  }
0x21f: {  	s0 =	stileid.u32;
	[bflag:$0x2] =	sbarrier.arrive $0xFFFF  }
0x220: {  	p0 =	sne.s32 s0, $0x0;
	s0 =	rddreg [dreg:$0x2]  }
0x221: {  	s0 =	sadd.s32 @!p0 $0x100000, s0  }
0x222: {  	[sflag:s0] =	ssyncadd.tile.s32 @!p0 $0x1;
	_ =	shalt  }
.Lfunc_end2:
_tile_overlayer_lowered:
.L_overlay_start_2:
0x223: {  	(tag) =	ssettag $0x2  }
0x224: {  	s0 =	rddreg [dreg:$0x0];
	s2 =	stileid.u32  }
0x225: {  	s1 =	rddreg [dreg:$0x1];
	p0 =	sne.s32 s2, $0x0  }
0x226: {  	s3 =	rddreg [dreg:$0x2];
	[bflag:$0x3] =	sbarrier.arrive $0xFFFF;
	s2 =	simm.s32 @!p0 $0x1C03  }
0x227: {  	[timem:s3], [sflag:s2] =	dma.local @!p0 [hbm:s0], s1  }
0x228: {  	s0 =	simm.s32 @!p0 $0x3  }
0x229: {  	_ =	swait.ge @!p0 [sflag:s0], s1  }
0x22a: {  	s1 =	ssub.s32 @!p0 $0x0, s1;
	[sflag:s0] =	ssyncset.done @!p0 $0x0  }
0x22b: {  	[sflag:s0] =	ssyncadd.s32 @!p0 s1  }
0x22c: {  	[bflag:$0x3] =	sbarrier.arrive $0xFFFF  }
0x22d: {  	_ =	shalt  }

// kernel: kernel.16.cloned.1.call-start
scs
__scs_entry_jumppad:
0x0: {  	(pc) =	sbr.rel $0x88, $3  }
0x1: {  	(tag) =	ssettag $0x0;
	lr =	simm.s32 $0x1  }
0x2: {  	[smem:$0x3F99] =	sst lr;
	_ =	strace $0xD0000000  }
0x3: {  	_ = 	snop  }
0x4: {  	_ = 	snop  }
0x5: {  	_ = 	snop  }
0x6: {  	_ = 	snop  }
0x7: {  	_ = 	snop  }
__scs_overlays_trampoline_lowered:
0x8: {  	[smem:$0x3FA8] =	sst s0  }
0x9: {  	[smem:$0x3FA9] =	sst s1  }
0xa: {  	[smem:$0x3FAA] =	sst s2  }
0xb: {  	[smem:$0x3FAB] =	sst s3  }
0xc: {  	[smem:$0x3FAC] =	sst s4  }
0xd: {  	[smem:$0x3FAD] =	sst s5  }
0xe: {  	[smem:$0x3FAE] =	sst s6  }
0xf: {  	[smem:$0x3FAF] =	sst s7  }
0x10: {  	[smem:$0x3FB0] =	sst s8  }
0x11: {  	[smem:$0x3FB1] =	sst s9;
	s0 =	simm.s32 @!p0 $0x0  }
0x12: {  	s1 =	sld [smem:$0x3F97];
	s0 =	simm.s32 @p0 $0x1  }
0x13: {  	[smem:$0x3FB2] =	sst s0;
	s0 =	simm.s32 @!p1 $0x0  }
0x14: {  	s2 =	sld [smem:$0x3F96];
	s0 =	simm.s32 @p1 $0x1  }
0x15: {  	[smem:$0x3FB3] =	sst s0;
	s0 =	simm.s32 @!p2 $0x0  }
0x16: {  	s3 =	sld [smem:$0x3FDB];
	s0 =	simm.s32 @p2 $0x1  }
0x17: {  	s4 =	simm.s32 $0x1BF5;
	[smem:$0x3FB5] =	sst s0  }
0x18: {  	s0 =	sld [smem:$0x3F98];
	_ =	swait.ge [sflag:s4], $0x0  }
0x19: {  	s7 =	sld [smem:$0x3F99]  }
0x1a: {  	s8 =	sadd.s32 $0xFFFFE003, lr  }
0x1b: {  	s9 =	sadd.s32 $0xFFFFFEF7, lr;
	s5 =	simm.s32 $0xFFFFFFFF;
	p2 =	slt.u32 s8, $0xFFFFF086  }
0x1c: {  	p1 =	slt.u32 s9, $0xF7A;
	s5 =	simm.s32 @!p2 $0x0  }
0x1d: {  	s5 =	simm.s32 @p1 $0x1;
	p0 =	seq.s32 s7, s2  }
0x1e: {  	s7 =	smul.u32 @!p0 $0xF7A, s2;
	p2 =	seq.s32 @!p0 s5, $0x0  }
0x1f: {  	s9 =	smul.u32 $0xF7A, s1;
	s8 =	simm.s32 @!p0 $0x1BF5;
	p2 =	por !p2, p0  }
0x20: {  	[sflag:s8] =	ssyncset.s32 @!p0 $0xFFFFF086;
	s6 =	sadd.s32 @!p0 s3, s7;
	s7 =	simm.s32 @!p0 $0x108  }
0x21: {  	s3 =	sadd.s32 s3, s9;
	s6 =	sadd.s32 @!p0 $0x88, s6;
	s7 =	simm.s32 @p2 $0x1082  }
0x22: {  	[simem:s7], [sflag:s8] =	dma.local @!p0 [hbm:s6], $0xF7A  }
0x23: {  	s9 =	sor.u32 $0xD0000000, s2;
	s6 =	simm.s32 $0x108;
	_ =	swait.ge @!p0 [sflag:s8], $0x0  }
0x24: {  	s3 =	sadd.s32 $0x88, s3;
	s6 =	simm.s32 @!p1 $0x1082;
	[sflag:s4] =	ssyncset.s32 $0xFFFFF086  }
0x25: {  	[simem:s6], [sflag:s4] =	dma.local [hbm:s3], $0xF7A  }
0x26: {  	[smem:$0x3F99] =	sst s1;
	(tag) =	ssettag s2;
	_ =	strace s9  }
0x27: {  	s1 =	sld [smem:$0x3FA9]  }
0x28: {  	s2 =	sld [smem:$0x3FAA]  }
0x29: {  	s4 =	sld [smem:$0x3FAC]  }
0x2a: {  	p0 =	seq.s32 s5, $0x0;
	s5 =	sld [smem:$0x3FAD]  }
0x2b: {  	s6 =	sld [smem:$0x3FAE]  }
0x2c: {  	s7 =	sld [smem:$0x3FAF]  }
0x2d: {  	s3 =	simm.s32 $0x108;
	s8 =	sld [smem:$0x3FB0]  }
0x2e: {  	s3 =	simm.s32 @!p0 $0x1082;
	s9 =	sld [smem:$0x3FB1]  }
0x2f: {  	lr =	sadd.s32 s0, s3;
	s0 =	sld [smem:$0x3FA8]  }
0x30: {  	s3 =	sld [smem:$0x3FAB]  }
0x31: {  	[smem:$0x3FB4] =	sst s10  }
0x32: {  	s10 =	sld [smem:$0x3FB2];
	_ =	sdelay $0x3  }
0x33: {  	p0 =	seq.s32 s10, $0x1;
	s10 =	sld [smem:$0x3FB4];
	_ =	sdelay $0x3  }
0x34: {  	[smem:$0x3FB4] =	sst s10  }
0x35: {  	s10 =	sld [smem:$0x3FB3];
	_ =	sdelay $0x3  }
0x36: {  	p1 =	seq.s32 s10, $0x1;
	s10 =	sld [smem:$0x3FB4];
	_ =	sdelay $0x3  }
0x37: {  	[smem:$0x3FB4] =	sst s10  }
0x38: {  	s10 =	sld [smem:$0x3FB5]  }
0x39: {  	_ = 	snop;
	(pc) =	sbr.ind lr, $3  }
0x3a: {  	_ = 	snop  }
0x3b: {  	_ = 	snop  }
0x3c: {  	p2 =	seq.s32 s10, $0x1;
	s10 =	sld [smem:$0x3FB4]  }
0x3d: {  	_ =	shalt  }
0x3e: {  	_ =	shalt  }
0x3f: {  	_ =	shalt  }
0x40: {  	_ =	shalt  }
0x41: {  	_ =	shalt  }
0x42: {  	_ =	shalt  }
0x43: {  	_ =	shalt  }
0x44: {  	_ =	shalt  }
0x45: {  	_ =	shalt  }
0x46: {  	_ =	shalt  }
0x47: {  	_ =	shalt  }
0x48: {  	_ =	shalt  }
0x49: {  	_ =	shalt  }
0x4a: {  	_ =	shalt  }
0x4b: {  	_ =	shalt  }
0x4c: {  	_ =	shalt  }
0x4d: {  	_ =	shalt  }
0x4e: {  	_ =	shalt  }
0x4f: {  	_ =	shalt  }
0x50: {  	_ =	shalt  }
0x51: {  	_ =	shalt  }
0x52: {  	_ =	shalt  }
0x53: {  	_ =	shalt  }
0x54: {  	_ =	shalt  }
0x55: {  	_ =	shalt  }
0x56: {  	_ =	shalt  }
0x57: {  	_ =	shalt  }
0x58: {  	_ =	shalt  }
0x59: {  	_ =	shalt  }
0x5a: {  	_ =	shalt  }
0x5b: {  	_ =	shalt  }
0x5c: {  	_ =	shalt  }
0x5d: {  	_ =	shalt  }
0x5e: {  	_ =	shalt  }
0x5f: {  	_ =	shalt  }
0x60: {  	_ =	shalt  }
0x61: {  	_ =	shalt  }
0x62: {  	_ =	shalt  }
0x63: {  	_ =	shalt  }
0x64: {  	_ =	shalt  }
0x65: {  	_ =	shalt  }
0x66: {  	_ =	shalt  }
0x67: {  	_ =	shalt  }
0x68: {  	_ =	shalt  }
0x69: {  	_ =	shalt  }
0x6a: {  	_ =	shalt  }
0x6b: {  	_ =	shalt  }
0x6c: {  	_ =	shalt  }
0x6d: {  	_ =	shalt  }
0x6e: {  	_ =	shalt  }
0x6f: {  	_ =	shalt  }
0x70: {  	_ =	shalt  }
0x71: {  	_ =	shalt  }
0x72: {  	_ =	shalt  }
0x73: {  	_ =	shalt  }
0x74: {  	_ =	shalt  }
0x75: {  	_ =	shalt  }
0x76: {  	_ =	shalt  }
0x77: {  	_ =	shalt  }
0x78: {  	_ =	shalt  }
0x79: {  	_ =	shalt  }
0x7a: {  	_ =	shalt  }
0x7b: {  	_ =	shalt  }
0x7c: {  	_ =	shalt  }
0x7d: {  	_ =	shalt  }
0x7e: {  	_ =	shalt  }
0x7f: {  	_ =	shalt  }
0x80: {  	_ =	shalt  }
0x81: {  	_ =	shalt  }
0x82: {  	_ =	shalt  }
0x83: {  	_ =	shalt  }
0x84: {  	_ =	shalt  }
0x85: {  	_ =	shalt  }
0x86: {  	_ =	shalt  }
0x87: {  	_ =	shalt  }
.Lfunc_end0:
.L_simem_size_0:
called_computation.1_lowered:
.L_overlay_start_0:
0x88: {  	s2 =	sld [smem:$0x3FD9]  }
0x89: {  	s3 =	sld [smem:$0x3FFE];
	_ =	sdelay $0x1  }
0x8a: {  	s1 =	srdreg.scid  }
0x8b: {  	s0 =	sand.u32 $0x1, s1  }
0x8c: {  	s16 =	sshll.u32 s0, $0xA;
	s2 =	sadd.s32 s3, s2  }
0x8d: {  	s2 =	sadd.s32 s2, s16  }
0x8e: {  	[smem:$0x3FC0] =	sst s2  }
0x8f: {  	_ = 	snop  }
0x90: {  	(tm) =	ssettm $0x1  }
0x91: {  	s17 =	sld [smem:$0x3FFB];
	_ =	sdelay $0x3  }
0x92: {  	_ =	strace s17  }
0x93: {  	s2 =	sld [smem:$0x3FFC];
	_ =	sdelay $0x3  }
0x94: {  	_ =	strace s2  }
0x95: {  	s2 =	sld [smem:$0x3FFD];
	_ =	sdelay $0x3  }
0x96: {  	_ =	strace s2  }
0x97: {  	_ =	strace $0x8FFFFFFF  }
0x98: {  	s18 =	sld [smem:$0x3FDB];
	_ =	sdelay $0x1  }
0x99: {  	s19 =	simm.s32 $_scs_section_size  }
0x9a: {  	s4 =	simm.s32 $_size__tile_overlayer_lowered;
	s5 =	simm.s32 $_tile_overlayer_lowered  }
0x9b: {  	s22 =	simm.s32 $0x1BFF;
	s21 =	sshll.u32 s5, $0x1;
	s2 =	sadd.s32 s19, s18  }
0x9c: {  	s6 =	simm.s32 $0x0;
	s20 =	sshll.u32 s4, $0x1;
	s4 =	sadd.s32 s21, s2  }
0x9d: {  	[timem:s6], [sflag:s22] =	dma.local [hbm:s4], s20  }
0x9e: {  	_ =	swait.ge [sflag:s22], s20  }
0x9f: {  	s3 =	ssub.s32 $0x0, s20;
	[sflag:s22] =	ssyncset.done $0x0  }
0xa0: {  	[sflag:s22] =	ssyncadd.s32 s3;
	_ =	sdelay $0x1  }
0xa1: {  	s23 =	simm.s32 $0x1B8B  }
0xa2: {  	_ =	swait.ge [sflag:s23], $0x1  }
0xa3: {  	[sflag:s23] =	ssyncset.done $0x0  }
0xa4: {  	s25 =	simm.s32 $0x1B8E;
	s24 =	sld [smem:$0x3FFE];
	[sflag:s23] =	ssyncadd.s32 $0xFFFFFFFF  }
0xa5: {  	s26 =	simm.s32 $execute0_lowered;
	[smem:$0x3FD2] =	sst s25  }
0xa6: {  	s4 =	sshll.u32 s26, $0x1;
	_ =	strace $0x80000049;
	[dreg:$0x1] =	wrdreg $0xFFFFFFFF  }
0xa7: {  	s28 =	simm.s32 $_size_execute0_lowered;
	s2 =	sadd.s32 s2, s4;
	[dreg:$0x0] =	wrdreg $0x0  }
0xa8: {  	s4 =	sshll.u32 s28, $0x1;
	[dreg:$0x2] =	wrdreg s2  }
0xa9: {  	[dreg:$0x3] =	wrdreg s4  }
0xaa: {  	[dreg:$0x4] =	wrdreg $0xC0  }
0xab: {  	_ =	task [dreg:s6], $0x5FFFF  }
0xac: {  	[dreg:$0x1] =	wrdreg $0xFFFFFFFF  }
0xad: {  	[dreg:$0x0] =	wrdreg $0x60  }
0xae: {  	[dreg:$0x2] =	wrdreg s24  }
0xaf: {  	[dreg:$0x3] =	wrdreg $0x9  }
0xb0: {  	_ =	task.clear_ibuf [dreg:s6], $0x4FFFF;
	_ =	strace $0x90000049  }
0xb1: {  	s29 =	simm.s32 $0x9;
	_ =	strace $0x8000004B  }
0xb2: {  	_ =	swait.ge [sflag:s29], $0x1  }
0xb3: {  	[sflag:s29] =	ssyncadd.s32 $0xFFFFFFFF  }
0xb4: {  	_ =	strace $0x9000004B  }
0xb5: {  	_ =	sfence  }
0xb6: {  	s30 =	sld [smem:$0x0];
	_ =	sdelay $0x2  }
0xb7: {  	s31 =	sshll.u32 s1, $0xD;
	s1 =	sshrl.u32 s1, $0x2  }
0xb8: {  	s3 =	sand.u32 $0x4000, s31;
	s1 =	sadd.s32 s1, s30  }
0xb9: {  	s0 =	sor.u32 s3, s0;
	s1 =	sshll.u32 s1, $0x11  }
0xba: {  	s0 =	sor.u32 s1, s0  }
0xbb: {  	s0 =	sadd.s32 $0x8F2B, s0  }
0xbc: {  	[sflag:s0] =	ssyncadd.remote.s32 $0x1  }
0xbd: {  	_ =	sfence.sel $0xFFFF  }
0xbe: {  	[dreg:$0x0] =	wrdreg $0xFFFFFFFF;
	(pc) =	sbr.abs _section_cstart, $3  }
0xbf: {  	[dreg:$0x1] =	wrdreg $0xFFFFFFFF  }
0xc0: {  	_ =	task.clear_ibuf [dreg:s6], $0x2FFFF;
	_ =	strace $0x9FFFFFFF  }
0xc1: {  	(tm) =	ssettm $0x7FFFFFFF  }
tec
execute0_lowered:
.L_overlay_start_1:
0x0: {  	(tag) =	ssettag $0x1  }
0x1: {  	s0 =	srdreg.scid;
	s2 =	stileid.u32  }
0x2: {  	s1 =	rddreg [dreg:$0x0];
	s9 =	simm.s32 $0x3;
	s31 =	simm.s32 $0xA400  }
0x3: {  	s28 =	simm.s32 $0x1;
	s0 =	sand.u32 $0x1, s0;
	s3 =	sshll.u32 s2, $0x1  }
0x4: {  	s29 =	simm.s32 $0x2;
	s2 =	simm.s32 $0x0;
	s3 =	sor.u32 s0, s3  }
0x5: {  	s7 =	sadd.s32 $0x143000, s1;
	s4 =	smul.u32 $0xA000, s3;
	s5 =	sshll.u32 s3, $0x7  }
0x6: {  	[smem:$0x7FF] =	sst s2;
	s6 =	smul.u32 $0x50000, s3;
	s5 =	sadd.s32 s5, s1  }
0x7: {  	s0 =	ssub.s32 $0x2, s0;
	_ =	strace $0x8000004A;
	s5 =	sadd.s32 $0x142000, s5  }
0x8: {  	s8 =	sadd.s32 s7, s4;
	s20 =	sshrl.u32 s6, $0x3;
	[dreg:$0x2] =	wrdreg s5  }
0x9: {  	[dreg:$0xa] =	wrdreg s8;
	s21 =	sadd.s32 $0x1400, s8;
	s4 =	sadd.s32 s7, s20  }
0xa: {  	s3 =	sadd.s32 $0xC00, s1;
	[dreg:$0x3] =	wrdreg s21;
	s22 =	sadd.s32 $0x2800, s4  }
0xb: {  	s23 =	sshrl.u32 s0, $0x1;
	s24 =	sadd.s32 $0x3C00, s4;
	[dreg:$0x4] =	wrdreg s22  }
0xc: {  	s0 =	ssub.s32 s0, s23;
	s25 =	sadd.s32 $0x5000, s4;
	[dreg:$0x5] =	wrdreg s24  }
0xd: {  	s6 =	sadd.s32 $0xE00, s1;
	s7 =	sadd.s32 $0x6400, s4;
	[dreg:$0x6] =	wrdreg s25  }
0xe: {  	v2 =	vlaneseq.u32;
	s5 =	sadd.s32 $0xD00, s1;
	s26 =	sadd.s32 $0x7800, s4;
	[dreg:$0x7] =	wrdreg s7  }
0xf: {  	vm0 =	vmmov $0xffff;
	v1 =	vshrl.u32 v2, $0x3;
	s8 =	smax.u32 s0, $0x1;
	s30 =	sadd.s32 $0x8C00, s4;
	[dreg:$0x8] =	wrdreg s26  }
0x10: {  	v0 =	vand.u32 $0x7, v2;
	v2 =	vor.u32 $0x8, v2;
	v1 =	vmul.u32 $0x8, v1;
	s7 =	sadd.s32 $0xF00, s1;
	[dreg:$0x9] =	wrdreg s30;
	s24 =	simm.s32 $0x400  }
.LBB2_1:
0x11: {  	s30 =	rddreg [dreg:$0x2]  }
0x12: {  	[tilespmem:s2], [sflag:$0x3] =	stream.linear.gather [hbm4b:s30+s2], $0x400, $0x38;
	[tilespmem:$0x14400] =	vst v63  }
0x13: {  	_ =	swait.ge [sflag:s9], $0x400  }
0x14: {  	[sflag:s9] =	ssyncset.done $0x0  }
0x15: {  	s18 =	rddreg [dreg:$0xa];
	[sflag:s9] =	ssyncadd.s32 $0xFFFFFC00  }
0x16: {  	[tilespmem:s24], [sflag:$0x3] =	stream.linear.gather [hbm4b:s18+s2], $0xA000, $0x38;
	[tilespmem:$0x14400] =	vst v63  }
0x17: {  	_ =	swait.ge [sflag:s9], $0xA000  }
0x18: {  	[sflag:s9] =	ssyncset.done $0x0  }
0x19: {  	[sflag:s9] =	ssyncadd.s32 $0xFFFF6000  }
0x1a: {  	v3 =	vld [tilespmem:$0x0];
	_ =	sdelay $0x4  }
0x1b: {  	v4 =	vshll.u32 v3, $0x3  }
0x1c: {  	v3 =	vand.u32 $0x7, v3;
	v4 =	vand.u32 $0xFFFFFFC0, v4  }
0x1d: {  	v3 =	vor.u32 v3, v4  }
0x1e: {  	v4 =	vperm.xlane v3, v0;
	_ =	sdelay $0x1  }
0x1f: {  	v4 =	vadd.s32 v1, v4;
	_ =	sdelay $0x4  }
0x20: {  	[hbm4b:s3+s2] =	stream.indirect_vreg.scatter [tilespmem:s24], [sflag:$0x1], $0x80, v4, vm0, $0xb8;
	[tilespmem:$0x14400] =	vst v63  }
0x21: {  	s0 =	simm.s32 $0xC00;
	v3 =	vperm.xlane v3, v2  }
0x22: {  	[hbm4b:s5+s2] =	stream.indirect_vreg.scatter [tilespmem:s0], [sflag:$0x1], $0x80, v4, vm0, $0xb8;
	[tilespmem:$0x14400] =	vst v63  }
0x23: {  	s19 =	simm.s32 $0x1400;
	v3 =	vadd.s32 v1, v3  }
0x24: {  	[hbm4b:s6+s2] =	stream.indirect_vreg.scatter [tilespmem:s19], [sflag:$0x1], $0x80, v4, vm0, $0xb8;
	[tilespmem:$0x14400] =	vst v63  }
0x25: {  	s20 =	simm.s32 $0x1C00  }
0x26: {  	[hbm4b:s7+s2] =	stream.indirect_vreg.scatter [tilespmem:s20], [sflag:$0x1], $0x80, v4, vm0, $0xb8;
	[tilespmem:$0x14400] =	vst v63  }
0x27: {  	s21 =	simm.s32 $0x2400  }
0x28: {  	[hbm4b:s3+s2] =	stream.indirect_vreg.scatter [tilespmem:s21], [sflag:$0x1], $0x80, v3, vm0, $0xb8;
	[tilespmem:$0x14400] =	vst v63  }
0x29: {  	s22 =	simm.s32 $0x2C00  }
0x2a: {  	[hbm4b:s5+s2] =	stream.indirect_vreg.scatter [tilespmem:s22], [sflag:$0x1], $0x80, v3, vm0, $0xb8;
	[tilespmem:$0x14400] =	vst v63  }
0x2b: {  	s23 =	simm.s32 $0x3400  }
0x2c: {  	[hbm4b:s6+s2] =	stream.indirect_vreg.scatter [tilespmem:s23], [sflag:$0x1], $0x80, v3, vm0, $0xb8;
	[tilespmem:$0x14400] =	vst v63  }
0x2d: {  	s25 =	simm.s32 $0x3C00  }
0x2e: {  	[hbm4b:s7+s2] =	stream.indirect_vreg.scatter [tilespmem:s25], [sflag:$0x1], $0x80, v3, vm0, $0xb8;
	[tilespmem:$0x14400] =	vst v63  }
0x2f: {  	v3 =	vld [tilespmem:$0x10];
	_ =	sdelay $0x4  }
0x30: {  	v41 =	vshll.u32 v3, $0x3  }
0x31: {  	v3 =	vand.u32 $0x7, v3;
	v4 =	vand.u32 $0xFFFFFFC0, v41  }
0x32: {  	v3 =	vor.u32 v3, v4  }
0x33: {  	v4 =	vperm.xlane v3, v0;
	_ =	sdelay $0x1  }
0x34: {  	v4 =	vadd.s32 v1, v4;
	_ =	sdelay $0x3  }
0x35: {  	s26 =	simm.s32 $0x4400  }
0x36: {  	[hbm4b:s3+s2] =	stream.indirect_vreg.scatter [tilespmem:s26], [sflag:$0x1], $0x80, v4, vm0, $0xb8;
	[tilespmem:$0x14400] =	vst v63  }
0x37: {  	s30 =	simm.s32 $0x4C00;
	v3 =	vperm.xlane v3, v2  }
0x38: {  	[hbm4b:s5+s2] =	stream.indirect_vreg.scatter [tilespmem:s30], [sflag:$0x1], $0x80, v4, vm0, $0xb8;
	[tilespmem:$0x14400] =	vst v63  }
0x39: {  	s4 =	simm.s32 $0x5400;
	v3 =	vadd.s32 v1, v3  }
0x3a: {  	[hbm4b:s6+s2] =	stream.indirect_vreg.scatter [tilespmem:s4], [sflag:$0x1], $0x80, v4, vm0, $0xb8;
	[tilespmem:$0x14400] =	vst v63  }
0x3b: {  	s10 =	simm.s32 $0x5C00  }
0x3c: {  	[hbm4b:s7+s2] =	stream.indirect_vreg.scatter [tilespmem:s10], [sflag:$0x1], $0x80, v4, vm0, $0xb8;
	[tilespmem:$0x14400] =	vst v63  }
0x3d: {  	s11 =	simm.s32 $0x6400  }
0x3e: {  	[hbm4b:s3+s2] =	stream.indirect_vreg.scatter [tilespmem:s11], [sflag:$0x1], $0x80, v3, vm0, $0xb8;
	[tilespmem:$0x14400] =	vst v63  }
0x3f: {  	s15 =	simm.s32 $0x6C00  }
0x40: {  	[hbm4b:s5+s2] =	stream.indirect_vreg.scatter [tilespmem:s15], [sflag:$0x1], $0x80, v3, vm0, $0xb8;
	[tilespmem:$0x14400] =	vst v63  }
0x41: {  	s16 =	simm.s32 $0x7400  }
0x42: {  	[hbm4b:s6+s2] =	stream.indirect_vreg.scatter [tilespmem:s16], [sflag:$0x1], $0x80, v3, vm0, $0xb8;
	[tilespmem:$0x14400] =	vst v63  }
0x43: {  	s17 =	simm.s32 $0x7C00  }
0x44: {  	[hbm4b:s7+s2] =	stream.indirect_vreg.scatter [tilespmem:s17], [sflag:$0x1], $0x80, v3, vm0, $0xb8;
	[tilespmem:$0x14400] =	vst v63  }
0x45: {  	v3 =	vld.msk [tilespmem:$0x20], $0xff;
	_ =	sdelay $0x4  }
0x46: {  	v42 =	vshll.u32 v3, $0x3  }
0x47: {  	v3 =	vand.u32 $0x7, v3;
	v4 =	vand.u32 $0xFFFFFFC0, v42  }
0x48: {  	v3 =	vor.u32 v3, v4  }
0x49: {  	v3 =	vperm.xlane v3, v0;
	_ =	sdelay $0x1  }
0x4a: {  	v3 =	vadd.s32 v1, v3;
	_ =	sdelay $0x3  }
0x4b: {  	s18 =	simm.s32 $0x8400  }
0x4c: {  	[hbm4b:s3+s2] =	stream.indirect_vreg.scatter [tilespmem:s18], [sflag:$0x1], $0x80, v3, vm0, $0xb8;
	[tilespmem:$0x14400] =	vst v63  }
0x4d: {  	s19 =	simm.s32 $0x8C00  }
0x4e: {  	[hbm4b:s5+s2] =	stream.indirect_vreg.scatter [tilespmem:s19], [sflag:$0x1], $0x80, v3, vm0, $0xb8;
	[tilespmem:$0x14400] =	vst v63  }
0x4f: {  	s20 =	simm.s32 $0x9400  }
0x50: {  	[hbm4b:s6+s2] =	stream.indirect_vreg.scatter [tilespmem:s20], [sflag:$0x1], $0x80, v3, vm0, $0xb8;
	[tilespmem:$0x14400] =	vst v63  }
0x51: {  	s22 =	simm.s32 $0x9C00  }
0x52: {  	[hbm4b:s7+s2] =	stream.indirect_vreg.scatter [tilespmem:s22], [sflag:$0x1], $0x80, v3, vm0, $0xb8;
	[tilespmem:$0x14400] =	vst v63  }
0x53: {  	s21 =	rddreg [dreg:$0x3]  }
0x54: {  	[tilespmem:s31], [sflag:$0x3] =	stream.linear.gather [hbm4b:s21+s2], $0xA000, $0x38;
	[tilespmem:$0x14400] =	vst v63  }
0x55: {  	_ =	swait.ge [sflag:s9], $0xA000  }
0x56: {  	[sflag:s9] =	ssyncset.done $0x0  }
0x57: {  	[sflag:s9] =	ssyncadd.s32 $0xFFFF6000  }
0x58: {  	v3 =	vld [tilespmem:$0x80];
	_ =	sdelay $0x4  }
0x59: {  	v43 =	vshll.u32 v3, $0x3  }
0x5a: {  	v3 =	vand.u32 $0x7, v3;
	v4 =	vand.u32 $0xFFFFFFC0, v43  }
0x5b: {  	v3 =	vor.u32 v3, v4  }
0x5c: {  	v4 =	vperm.xlane v3, v0;
	_ =	sdelay $0x1  }
0x5d: {  	v4 =	vadd.s32 v1, v4;
	_ =	sdelay $0x4  }
0x5e: {  	[hbm4b:s3+s2] =	stream.indirect_vreg.scatter [tilespmem:s31], [sflag:$0x2], $0x80, v4, vm0, $0xb8;
	[tilespmem:$0x14400] =	vst v63  }
0x5f: {  	s23 =	simm.s32 $0xAC00;
	v3 =	vperm.xlane v3, v2  }
0x60: {  	[hbm4b:s5+s2] =	stream.indirect_vreg.scatter [tilespmem:s23], [sflag:$0x2], $0x80, v4, vm0, $0xb8;
	[tilespmem:$0x14400] =	vst v63  }
0x61: {  	s25 =	simm.s32 $0xB400;
	v3 =	vadd.s32 v1, v3  }
0x62: {  	[hbm4b:s6+s2] =	stream.indirect_vreg.scatter [tilespmem:s25], [sflag:$0x2], $0x80, v4, vm0, $0xb8;
	[tilespmem:$0x14400] =	vst v63  }
0x63: {  	s26 =	simm.s32 $0xBC00  }
0x64: {  	[hbm4b:s7+s2] =	stream.indirect_vreg.scatter [tilespmem:s26], [sflag:$0x2], $0x80, v4, vm0, $0xb8;
	[tilespmem:$0x14400] =	vst v63  }
0x65: {  	s0 =	simm.s32 $0xC400  }
0x66: {  	[hbm4b:s3+s2] =	stream.indirect_vreg.scatter [tilespmem:s0], [sflag:$0x2], $0x80, v3, vm0, $0xb8;
	[tilespmem:$0x14400] =	vst v63  }
0x67: {  	s4 =	simm.s32 $0xCC00  }
0x68: {  	[hbm4b:s5+s2] =	stream.indirect_vreg.scatter [tilespmem:s4], [sflag:$0x2], $0x80, v3, vm0, $0xb8;
	[tilespmem:$0x14400] =	vst v63  }
0x69: {  	s10 =	simm.s32 $0xD400  }
0x6a: {  	[hbm4b:s6+s2] =	stream.indirect_vreg.scatter [tilespmem:s10], [sflag:$0x2], $0x80, v3, vm0, $0xb8;
	[tilespmem:$0x14400] =	vst v63  }
0x6b: {  	s11 =	simm.s32 $0xDC00  }
0x6c: {  	[hbm4b:s7+s2] =	stream.indirect_vreg.scatter [tilespmem:s11], [sflag:$0x2], $0x80, v3, vm0, $0xb8;
	[tilespmem:$0x14400] =	vst v63  }
0x6d: {  	v3 =	vld [tilespmem:$0x90];
	_ =	sdelay $0x4  }
0x6e: {  	v44 =	vshll.u32 v3, $0x3  }
0x6f: {  	v3 =	vand.u32 $0x7, v3;
	v4 =	vand.u32 $0xFFFFFFC0, v44  }
0x70: {  	v3 =	vor.u32 v3, v4  }
0x71: {  	v4 =	vperm.xlane v3, v0;
	_ =	sdelay $0x1  }
0x72: {  	v4 =	vadd.s32 v1, v4;
	_ =	sdelay $0x3  }
0x73: {  	s15 =	simm.s32 $0xE400  }
0x74: {  	[hbm4b:s3+s2] =	stream.indirect_vreg.scatter [tilespmem:s15], [sflag:$0x2], $0x80, v4, vm0, $0xb8;
	[tilespmem:$0x14400] =	vst v63  }
0x75: {  	s16 =	simm.s32 $0xEC00;
	v3 =	vperm.xlane v3, v2  }
0x76: {  	[hbm4b:s5+s2] =	stream.indirect_vreg.scatter [tilespmem:s16], [sflag:$0x2], $0x80, v4, vm0, $0xb8;
	[tilespmem:$0x14400] =	vst v63  }
0x77: {  	s18 =	simm.s32 $0xF400;
	v3 =	vadd.s32 v1, v3  }
0x78: {  	[hbm4b:s6+s2] =	stream.indirect_vreg.scatter [tilespmem:s18], [sflag:$0x2], $0x80, v4, vm0, $0xb8;
	[tilespmem:$0x14400] =	vst v63  }
0x79: {  	s19 =	simm.s32 $0xFC00  }
0x7a: {  	[hbm4b:s7+s2] =	stream.indirect_vreg.scatter [tilespmem:s19], [sflag:$0x2], $0x80, v4, vm0, $0xb8;
	[tilespmem:$0x14400] =	vst v63  }
0x7b: {  	s26 =	simm.s32 $0x10400  }
0x7c: {  	[hbm4b:s3+s2] =	stream.indirect_vreg.scatter [tilespmem:s26], [sflag:$0x2], $0x80, v3, vm0, $0xb8;
	[tilespmem:$0x14400] =	vst v63  }
0x7d: {  	s0 =	simm.s32 $0x10C00  }
0x7e: {  	[hbm4b:s5+s2] =	stream.indirect_vreg.scatter [tilespmem:s0], [sflag:$0x2], $0x80, v3, vm0, $0xb8;
	[tilespmem:$0x14400] =	vst v63  }
0x7f: {  	s4 =	simm.s32 $0x11400  }
0x80: {  	[hbm4b:s6+s2] =	stream.indirect_vreg.scatter [tilespmem:s4], [sflag:$0x2], $0x80, v3, vm0, $0xb8;
	[tilespmem:$0x14400] =	vst v63  }
0x81: {  	s10 =	simm.s32 $0x11C00  }
0x82: {  	[hbm4b:s7+s2] =	stream.indirect_vreg.scatter [tilespmem:s10], [sflag:$0x2], $0x80, v3, vm0, $0xb8;
	[tilespmem:$0x14400] =	vst v63  }
0x83: {  	v3 =	vld.msk [tilespmem:$0xA0], $0xff;
	_ =	sdelay $0x4  }
0x84: {  	v45 =	vshll.u32 v3, $0x3  }
0x85: {  	v3 =	vand.u32 $0x7, v3;
	v4 =	vand.u32 $0xFFFFFFC0, v45  }
0x86: {  	v3 =	vor.u32 v3, v4  }
0x87: {  	v3 =	vperm.xlane v3, v0;
	_ =	sdelay $0x1  }
0x88: {  	v3 =	vadd.s32 v1, v3;
	_ =	sdelay $0x3  }
0x89: {  	s11 =	simm.s32 $0x12400  }
0x8a: {  	[hbm4b:s3+s2] =	stream.indirect_vreg.scatter [tilespmem:s11], [sflag:$0x2], $0x80, v3, vm0, $0xb8;
	[tilespmem:$0x14400] =	vst v63  }
0x8b: {  	s15 =	simm.s32 $0x12C00  }
0x8c: {  	[hbm4b:s5+s2] =	stream.indirect_vreg.scatter [tilespmem:s15], [sflag:$0x2], $0x80, v3, vm0, $0xb8;
	[tilespmem:$0x14400] =	vst v63  }
0x8d: {  	s16 =	simm.s32 $0x13400  }
0x8e: {  	[hbm4b:s6+s2] =	stream.indirect_vreg.scatter [tilespmem:s16], [sflag:$0x2], $0x80, v3, vm0, $0xb8;
	[tilespmem:$0x14400] =	vst v63  }
0x8f: {  	s18 =	simm.s32 $0x13C00  }
0x90: {  	[hbm4b:s7+s2] =	stream.indirect_vreg.scatter [tilespmem:s18], [sflag:$0x2], $0x80, v3, vm0, $0xb8;
	[tilespmem:$0x14400] =	vst v63  }
0x91: {  	_ =	swait.ge [sflag:s28], $0xA000  }
0x92: {  	[sflag:s28] =	ssyncset.done $0x0  }
0x93: {  	s19 =	rddreg [dreg:$0x4];
	[sflag:s28] =	ssyncadd.s32 $0xFFFF6000  }
0x94: {  	[tilespmem:s24], [sflag:$0x3] =	stream.linear.gather [hbm4b:s19+s2], $0xA000, $0x38;
	[tilespmem:$0x14400] =	vst v63  }
0x95: {  	_ =	swait.ge [sflag:s9], $0xA000  }
0x96: {  	[sflag:s9] =	ssyncset.done $0x0  }
0x97: {  	[sflag:s9] =	ssyncadd.s32 $0xFFFF6000  }
0x98: {  	v3 =	vld [tilespmem:$0x100];
	_ =	sdelay $0x4  }
0x99: {  	v46 =	vshll.u32 v3, $0x3  }
0x9a: {  	v3 =	vand.u32 $0x7, v3;
	v4 =	vand.u32 $0xFFFFFFC0, v46  }
0x9b: {  	v3 =	vor.u32 v3, v4  }
0x9c: {  	v4 =	vperm.xlane v3, v0;
	_ =	sdelay $0x1  }
0x9d: {  	v4 =	vadd.s32 v1, v4;
	_ =	sdelay $0x4  }
0x9e: {  	[hbm4b:s3+s2] =	stream.indirect_vreg.scatter [tilespmem:s24], [sflag:$0x1], $0x80, v4, vm0, $0xb8;
	[tilespmem:$0x14400] =	vst v63  }
0x9f: {  	s1 =	simm.s32 $0xC00;
	v3 =	vperm.xlane v3, v2  }
0xa0: {  	[hbm4b:s5+s2] =	stream.indirect_vreg.scatter [tilespmem:s1], [sflag:$0x1], $0x80, v4, vm0, $0xb8;
	[tilespmem:$0x14400] =	vst v63  }
0xa1: {  	s0 =	simm.s32 $0x1400;
	v3 =	vadd.s32 v1, v3  }
0xa2: {  	[hbm4b:s6+s2] =	stream.indirect_vreg.scatter [tilespmem:s0], [sflag:$0x1], $0x80, v4, vm0, $0xb8;
	[tilespmem:$0x14400] =	vst v63  }
0xa3: {  	s1 =	simm.s32 $0x1C00  }
0xa4: {  	[hbm4b:s7+s2] =	stream.indirect_vreg.scatter [tilespmem:s1], [sflag:$0x1], $0x80, v4, vm0, $0xb8;
	[tilespmem:$0x14400] =	vst v63  }
0xa5: {  	s4 =	simm.s32 $0x2400  }
0xa6: {  	[hbm4b:s3+s2] =	stream.indirect_vreg.scatter [tilespmem:s4], [sflag:$0x1], $0x80, v3, vm0, $0xb8;
	[tilespmem:$0x14400] =	vst v63  }
0xa7: {  	s10 =	simm.s32 $0x2C00  }
0xa8: {  	[hbm4b:s5+s2] =	stream.indirect_vreg.scatter [tilespmem:s10], [sflag:$0x1], $0x80, v3, vm0, $0xb8;
	[tilespmem:$0x14400] =	vst v63  }
0xa9: {  	s11 =	simm.s32 $0x3400  }
0xaa: {  	[hbm4b:s6+s2] =	stream.indirect_vreg.scatter [tilespmem:s11], [sflag:$0x1], $0x80, v3, vm0, $0xb8;
	[tilespmem:$0x14400] =	vst v63  }
0xab: {  	s12 =	simm.s32 $0x3C00  }
0xac: {  	[hbm4b:s7+s2] =	stream.indirect_vreg.scatter [tilespmem:s12], [sflag:$0x1], $0x80, v3, vm0, $0xb8;
	[tilespmem:$0x14400] =	vst v63  }
0xad: {  	v3 =	vld [tilespmem:$0x110];
	_ =	sdelay $0x4  }
0xae: {  	v47 =	vshll.u32 v3, $0x3  }
0xaf: {  	v3 =	vand.u32 $0x7, v3;
	v4 =	vand.u32 $0xFFFFFFC0, v47  }
0xb0: {  	v3 =	vor.u32 v3, v4  }
0xb1: {  	v4 =	vperm.xlane v3, v0;
	_ =	sdelay $0x1  }
0xb2: {  	v4 =	vadd.s32 v1, v4;
	_ =	sdelay $0x3  }
0xb3: {  	s13 =	simm.s32 $0x4400  }
0xb4: {  	[hbm4b:s3+s2] =	stream.indirect_vreg.scatter [tilespmem:s13], [sflag:$0x1], $0x80, v4, vm0, $0xb8;
	[tilespmem:$0x14400] =	vst v63  }
0xb5: {  	s14 =	simm.s32 $0x4C00;
	v3 =	vperm.xlane v3, v2  }
0xb6: {  	[hbm4b:s5+s2] =	stream.indirect_vreg.scatter [tilespmem:s14], [sflag:$0x1], $0x80, v4, vm0, $0xb8;
	[tilespmem:$0x14400] =	vst v63  }
0xb7: {  	s12 =	simm.s32 $0x5400;
	v3 =	vadd.s32 v1, v3  }
0xb8: {  	[hbm4b:s6+s2] =	stream.indirect_vreg.scatter [tilespmem:s12], [sflag:$0x1], $0x80, v4, vm0, $0xb8;
	[tilespmem:$0x14400] =	vst v63  }
0xb9: {  	s13 =	simm.s32 $0x5C00  }
0xba: {  	[hbm4b:s7+s2] =	stream.indirect_vreg.scatter [tilespmem:s13], [sflag:$0x1], $0x80, v4, vm0, $0xb8;
	[tilespmem:$0x14400] =	vst v63  }
0xbb: {  	s14 =	simm.s32 $0x6400  }
0xbc: {  	[hbm4b:s3+s2] =	stream.indirect_vreg.scatter [tilespmem:s14], [sflag:$0x1], $0x80, v3, vm0, $0xb8;
	[tilespmem:$0x14400] =	vst v63  }
0xbd: {  	s15 =	simm.s32 $0x6C00  }
0xbe: {  	[hbm4b:s5+s2] =	stream.indirect_vreg.scatter [tilespmem:s15], [sflag:$0x1], $0x80, v3, vm0, $0xb8;
	[tilespmem:$0x14400] =	vst v63  }
0xbf: {  	s16 =	simm.s32 $0x7400  }
0xc0: {  	[hbm4b:s6+s2] =	stream.indirect_vreg.scatter [tilespmem:s16], [sflag:$0x1], $0x80, v3, vm0, $0xb8;
	[tilespmem:$0x14400] =	vst v63  }
0xc1: {  	s17 =	simm.s32 $0x7C00  }
0xc2: {  	[hbm4b:s7+s2] =	stream.indirect_vreg.scatter [tilespmem:s17], [sflag:$0x1], $0x80, v3, vm0, $0xb8;
	[tilespmem:$0x14400] =	vst v63  }
0xc3: {  	v3 =	vld.msk [tilespmem:$0x120], $0xff;
	_ =	sdelay $0x4  }
0xc4: {  	v48 =	vshll.u32 v3, $0x3  }
0xc5: {  	v3 =	vand.u32 $0x7, v3;
	v4 =	vand.u32 $0xFFFFFFC0, v48  }
0xc6: {  	v3 =	vor.u32 v3, v4  }
0xc7: {  	v3 =	vperm.xlane v3, v0;
	_ =	sdelay $0x1  }
0xc8: {  	v3 =	vadd.s32 v1, v3;
	_ =	sdelay $0x3  }
0xc9: {  	s17 =	simm.s32 $0x8400  }
0xca: {  	[hbm4b:s3+s2] =	stream.indirect_vreg.scatter [tilespmem:s17], [sflag:$0x1], $0x80, v3, vm0, $0xb8;
	[tilespmem:$0x14400] =	vst v63  }
0xcb: {  	s18 =	simm.s32 $0x8C00  }
0xcc: {  	[hbm4b:s5+s2] =	stream.indirect_vreg.scatter [tilespmem:s18], [sflag:$0x1], $0x80, v3, vm0, $0xb8;
	[tilespmem:$0x14400] =	vst v63  }
0xcd: {  	s19 =	simm.s32 $0x9400  }
0xce: {  	[hbm4b:s6+s2] =	stream.indirect_vreg.scatter [tilespmem:s19], [sflag:$0x1], $0x80, v3, vm0, $0xb8;
	[tilespmem:$0x14400] =	vst v63  }
0xcf: {  	s20 =	simm.s32 $0x9C00  }
0xd0: {  	[hbm4b:s7+s2] =	stream.indirect_vreg.scatter [tilespmem:s20], [sflag:$0x1], $0x80, v3, vm0, $0xb8;
	[tilespmem:$0x14400] =	vst v63  }
0xd1: {  	_ =	swait.ge [sflag:s29], $0xA000  }
0xd2: {  	[sflag:s29] =	ssyncset.done $0x0  }
0xd3: {  	s20 =	rddreg [dreg:$0x5];
	[sflag:s29] =	ssyncadd.s32 $0xFFFF6000  }
0xd4: {  	[tilespmem:s31], [sflag:$0x3] =	stream.linear.gather [hbm4b:s20+s2], $0xA000, $0x38;
	[tilespmem:$0x14400] =	vst v63  }
0xd5: {  	_ =	swait.ge [sflag:s9], $0xA000  }
0xd6: {  	[sflag:s9] =	ssyncset.done $0x0  }
0xd7: {  	[sflag:s9] =	ssyncadd.s32 $0xFFFF6000  }
0xd8: {  	v3 =	vld [tilespmem:$0x180];
	_ =	sdelay $0x4  }
0xd9: {  	v49 =	vshll.u32 v3, $0x3  }
0xda: {  	v3 =	vand.u32 $0x7, v3;
	v4 =	vand.u32 $0xFFFFFFC0, v49  }
0xdb: {  	v3 =	vor.u32 v3, v4  }
0xdc: {  	v4 =	vperm.xlane v3, v0;
	_ =	sdelay $0x1  }
0xdd: {  	v4 =	vadd.s32 v1, v4;
	_ =	sdelay $0x4  }
0xde: {  	[hbm4b:s3+s2] =	stream.indirect_vreg.scatter [tilespmem:s31], [sflag:$0x2], $0x80, v4, vm0, $0xb8;
	[tilespmem:$0x14400] =	vst v63  }
0xdf: {  	s21 =	simm.s32 $0xAC00;
	v3 =	vperm.xlane v3, v2  }
0xe0: {  	[hbm4b:s5+s2] =	stream.indirect_vreg.scatter [tilespmem:s21], [sflag:$0x2], $0x80, v4, vm0, $0xb8;
	[tilespmem:$0x14400] =	vst v63  }
0xe1: {  	v3 =	vadd.s32 v1, v3;
	s21 =	simm.s32 $0xB400  }
0xe2: {  	[hbm4b:s6+s2] =	stream.indirect_vreg.scatter [tilespmem:s21], [sflag:$0x2], $0x80, v4, vm0, $0xb8;
	[tilespmem:$0x14400] =	vst v63  }
0xe3: {  	s30 =	simm.s32 $0xBC00  }
0xe4: {  	[hbm4b:s7+s2] =	stream.indirect_vreg.scatter [tilespmem:s30], [sflag:$0x2], $0x80, v4, vm0, $0xb8;
	[tilespmem:$0x14400] =	vst v63  }
0xe5: {  	s30 =	simm.s32 $0xC400  }
0xe6: {  	[hbm4b:s3+s2] =	stream.indirect_vreg.scatter [tilespmem:s30], [sflag:$0x2], $0x80, v3, vm0, $0xb8;
	[tilespmem:$0x14400] =	vst v63  }
0xe7: {  	s30 =	simm.s32 $0xCC00  }
0xe8: {  	[hbm4b:s5+s2] =	stream.indirect_vreg.scatter [tilespmem:s30], [sflag:$0x2], $0x80, v3, vm0, $0xb8;
	[tilespmem:$0x14400] =	vst v63  }
0xe9: {  	s30 =	simm.s32 $0xD400  }
0xea: {  	[hbm4b:s6+s2] =	stream.indirect_vreg.scatter [tilespmem:s30], [sflag:$0x2], $0x80, v3, vm0, $0xb8;
	[tilespmem:$0x14400] =	vst v63  }
0xeb: {  	s22 =	simm.s32 $0xDC00  }
0xec: {  	[hbm4b:s7+s2] =	stream.indirect_vreg.scatter [tilespmem:s22], [sflag:$0x2], $0x80, v3, vm0, $0xb8;
	[tilespmem:$0x14400] =	vst v63  }
0xed: {  	v3 =	vld [tilespmem:$0x190];
	_ =	sdelay $0x4  }
0xee: {  	v50 =	vshll.u32 v3, $0x3  }
0xef: {  	v3 =	vand.u32 $0x7, v3;
	v4 =	vand.u32 $0xFFFFFFC0, v50  }
0xf0: {  	v3 =	vor.u32 v3, v4  }
0xf1: {  	v4 =	vperm.xlane v3, v0;
	_ =	sdelay $0x1  }
0xf2: {  	v4 =	vadd.s32 v1, v4;
	_ =	sdelay $0x3  }
0xf3: {  	s23 =	simm.s32 $0xE400  }
0xf4: {  	[hbm4b:s3+s2] =	stream.indirect_vreg.scatter [tilespmem:s23], [sflag:$0x2], $0x80, v4, vm0, $0xb8;
	[tilespmem:$0x14400] =	vst v63  }
0xf5: {  	s25 =	simm.s32 $0xEC00;
	v3 =	vperm.xlane v3, v2  }
0xf6: {  	[hbm4b:s5+s2] =	stream.indirect_vreg.scatter [tilespmem:s25], [sflag:$0x2], $0x80, v4, vm0, $0xb8;
	[tilespmem:$0x14400] =	vst v63  }
0xf7: {  	v3 =	vadd.s32 v1, v3;
	s23 =	simm.s32 $0xF400  }
0xf8: {  	[hbm4b:s6+s2] =	stream.indirect_vreg.scatter [tilespmem:s23], [sflag:$0x2], $0x80, v4, vm0, $0xb8;
	[tilespmem:$0x14400] =	vst v63  }
0xf9: {  	s25 =	simm.s32 $0xFC00  }
0xfa: {  	[hbm4b:s7+s2] =	stream.indirect_vreg.scatter [tilespmem:s25], [sflag:$0x2], $0x80, v4, vm0, $0xb8;
	[tilespmem:$0x14400] =	vst v63  }
0xfb: {  	s30 =	simm.s32 $0x10400  }
0xfc: {  	[hbm4b:s3+s2] =	stream.indirect_vreg.scatter [tilespmem:s30], [sflag:$0x2], $0x80, v3, vm0, $0xb8;
	[tilespmem:$0x14400] =	vst v63  }
0xfd: {  	s23 =	simm.s32 $0x10C00  }
0xfe: {  	[hbm4b:s5+s2] =	stream.indirect_vreg.scatter [tilespmem:s23], [sflag:$0x2], $0x80, v3, vm0, $0xb8;
	[tilespmem:$0x14400] =	vst v63  }
0xff: {  	s25 =	simm.s32 $0x11400  }
0x100: {  	[hbm4b:s6+s2] =	stream.indirect_vreg.scatter [tilespmem:s25], [sflag:$0x2], $0x80, v3, vm0, $0xb8;
	[tilespmem:$0x14400] =	vst v63  }
0x101: {  	s26 =	simm.s32 $0x11C00  }
0x102: {  	[hbm4b:s7+s2] =	stream.indirect_vreg.scatter [tilespmem:s26], [sflag:$0x2], $0x80, v3, vm0, $0xb8;
	[tilespmem:$0x14400] =	vst v63  }
0x103: {  	v3 =	vld.msk [tilespmem:$0x1A0], $0xff;
	_ =	sdelay $0x4  }
0x104: {  	v51 =	vshll.u32 v3, $0x3  }
0x105: {  	v3 =	vand.u32 $0x7, v3;
	v4 =	vand.u32 $0xFFFFFFC0, v51  }
0x106: {  	v3 =	vor.u32 v3, v4  }
0x107: {  	v3 =	vperm.xlane v3, v0;
	_ =	sdelay $0x1  }
0x108: {  	v3 =	vadd.s32 v1, v3;
	_ =	sdelay $0x3  }
0x109: {  	s26 =	simm.s32 $0x12400  }
0x10a: {  	[hbm4b:s3+s2] =	stream.indirect_vreg.scatter [tilespmem:s26], [sflag:$0x2], $0x80, v3, vm0, $0xb8;
	[tilespmem:$0x14400] =	vst v63  }
0x10b: {  	s30 =	simm.s32 $0x12C00  }
0x10c: {  	[hbm4b:s5+s2] =	stream.indirect_vreg.scatter [tilespmem:s30], [sflag:$0x2], $0x80, v3, vm0, $0xb8;
	[tilespmem:$0x14400] =	vst v63  }
0x10d: {  	s23 =	simm.s32 $0x13400  }
0x10e: {  	[hbm4b:s6+s2] =	stream.indirect_vreg.scatter [tilespmem:s23], [sflag:$0x2], $0x80, v3, vm0, $0xb8;
	[tilespmem:$0x14400] =	vst v63  }
0x10f: {  	s25 =	simm.s32 $0x13C00  }
0x110: {  	[hbm4b:s7+s2] =	stream.indirect_vreg.scatter [tilespmem:s25], [sflag:$0x2], $0x80, v3, vm0, $0xb8;
	[tilespmem:$0x14400] =	vst v63  }
0x111: {  	_ =	swait.ge [sflag:s28], $0xA000  }
0x112: {  	[sflag:s28] =	ssyncset.done $0x0  }
0x113: {  	s26 =	rddreg [dreg:$0x6];
	[sflag:s28] =	ssyncadd.s32 $0xFFFF6000  }
0x114: {  	[tilespmem:s24], [sflag:$0x3] =	stream.linear.gather [hbm4b:s26+s2], $0xA000, $0x38;
	[tilespmem:$0x14400] =	vst v63  }
0x115: {  	_ =	swait.ge [sflag:s9], $0xA000  }
0x116: {  	[sflag:s9] =	ssyncset.done $0x0  }
0x117: {  	[sflag:s9] =	ssyncadd.s32 $0xFFFF6000  }
0x118: {  	v3 =	vld [tilespmem:$0x200];
	_ =	sdelay $0x4  }
0x119: {  	v52 =	vshll.u32 v3, $0x3  }
0x11a: {  	v3 =	vand.u32 $0x7, v3;
	v4 =	vand.u32 $0xFFFFFFC0, v52  }
0x11b: {  	v3 =	vor.u32 v3, v4  }
0x11c: {  	v4 =	vperm.xlane v3, v0;
	_ =	sdelay $0x1  }
0x11d: {  	v4 =	vadd.s32 v1, v4;
	_ =	sdelay $0x4  }
0x11e: {  	[hbm4b:s3+s2] =	stream.indirect_vreg.scatter [tilespmem:s24], [sflag:$0x1], $0x80, v4, vm0, $0xb8;
	[tilespmem:$0x14400] =	vst v63  }
0x11f: {  	s30 =	simm.s32 $0xC00;
	v3 =	vperm.xlane v3, v2  }
0x120: {  	[hbm4b:s5+s2] =	stream.indirect_vreg.scatter [tilespmem:s30], [sflag:$0x1], $0x80, v4, vm0, $0xb8;
	[tilespmem:$0x14400] =	vst v63  }
0x121: {  	v3 =	vadd.s32 v1, v3  }
0x122: {  	[hbm4b:s6+s2] =	stream.indirect_vreg.scatter [tilespmem:s0], [sflag:$0x1], $0x80, v4, vm0, $0xb8;
	[tilespmem:$0x14400] =	vst v63  }
0x123: {  	_ = 	snop  }
0x124: {  	[hbm4b:s7+s2] =	stream.indirect_vreg.scatter [tilespmem:s1], [sflag:$0x1], $0x80, v4, vm0, $0xb8;
	[tilespmem:$0x14400] =	vst v63  }
0x125: {  	_ = 	snop  }
0x126: {  	[hbm4b:s3+s2] =	stream.indirect_vreg.scatter [tilespmem:s4], [sflag:$0x1], $0x80, v3, vm0, $0xb8;
	[tilespmem:$0x14400] =	vst v63  }
0x127: {  	_ = 	snop  }
0x128: {  	[hbm4b:s5+s2] =	stream.indirect_vreg.scatter [tilespmem:s10], [sflag:$0x1], $0x80, v3, vm0, $0xb8;
	[tilespmem:$0x14400] =	vst v63  }
0x129: {  	_ = 	snop  }
0x12a: {  	[hbm4b:s6+s2] =	stream.indirect_vreg.scatter [tilespmem:s11], [sflag:$0x1], $0x80, v3, vm0, $0xb8;
	[tilespmem:$0x14400] =	vst v63  }
0x12b: {  	s22 =	simm.s32 $0x3C00  }
0x12c: {  	[hbm4b:s7+s2] =	stream.indirect_vreg.scatter [tilespmem:s22], [sflag:$0x1], $0x80, v3, vm0, $0xb8;
	[tilespmem:$0x14400] =	vst v63  }
0x12d: {  	v3 =	vld [tilespmem:$0x210];
	_ =	sdelay $0x4  }
0x12e: {  	v53 =	vshll.u32 v3, $0x3  }
0x12f: {  	v3 =	vand.u32 $0x7, v3;
	v4 =	vand.u32 $0xFFFFFFC0, v53  }
0x130: {  	v3 =	vor.u32 v3, v4  }
0x131: {  	v4 =	vperm.xlane v3, v0;
	_ =	sdelay $0x1  }
0x132: {  	v4 =	vadd.s32 v1, v4;
	_ =	sdelay $0x3  }
0x133: {  	s23 =	simm.s32 $0x4400  }
0x134: {  	[hbm4b:s3+s2] =	stream.indirect_vreg.scatter [tilespmem:s23], [sflag:$0x1], $0x80, v4, vm0, $0xb8;
	[tilespmem:$0x14400] =	vst v63  }
0x135: {  	s25 =	simm.s32 $0x4C00;
	v3 =	vperm.xlane v3, v2  }
0x136: {  	[hbm4b:s5+s2] =	stream.indirect_vreg.scatter [tilespmem:s25], [sflag:$0x1], $0x80, v4, vm0, $0xb8;
	[tilespmem:$0x14400] =	vst v63  }
0x137: {  	v3 =	vadd.s32 v1, v3  }
0x138: {  	[hbm4b:s6+s2] =	stream.indirect_vreg.scatter [tilespmem:s12], [sflag:$0x1], $0x80, v4, vm0, $0xb8;
	[tilespmem:$0x14400] =	vst v63  }
0x139: {  	_ = 	snop  }
0x13a: {  	[hbm4b:s7+s2] =	stream.indirect_vreg.scatter [tilespmem:s13], [sflag:$0x1], $0x80, v4, vm0, $0xb8;
	[tilespmem:$0x14400] =	vst v63  }
0x13b: {  	_ = 	snop  }
0x13c: {  	[hbm4b:s3+s2] =	stream.indirect_vreg.scatter [tilespmem:s14], [sflag:$0x1], $0x80, v3, vm0, $0xb8;
	[tilespmem:$0x14400] =	vst v63  }
0x13d: {  	_ = 	snop  }
0x13e: {  	[hbm4b:s5+s2] =	stream.indirect_vreg.scatter [tilespmem:s15], [sflag:$0x1], $0x80, v3, vm0, $0xb8;
	[tilespmem:$0x14400] =	vst v63  }
0x13f: {  	_ = 	snop  }
0x140: {  	[hbm4b:s6+s2] =	stream.indirect_vreg.scatter [tilespmem:s16], [sflag:$0x1], $0x80, v3, vm0, $0xb8;
	[tilespmem:$0x14400] =	vst v63  }
0x141: {  	s26 =	simm.s32 $0x7C00  }
0x142: {  	[hbm4b:s7+s2] =	stream.indirect_vreg.scatter [tilespmem:s26], [sflag:$0x1], $0x80, v3, vm0, $0xb8;
	[tilespmem:$0x14400] =	vst v63  }
0x143: {  	v3 =	vld.msk [tilespmem:$0x220], $0xff;
	_ =	sdelay $0x4  }
0x144: {  	v54 =	vshll.u32 v3, $0x3  }
0x145: {  	v3 =	vand.u32 $0x7, v3;
	v4 =	vand.u32 $0xFFFFFFC0, v54  }
0x146: {  	v3 =	vor.u32 v3, v4  }
0x147: {  	v3 =	vperm.xlane v3, v0;
	_ =	sdelay $0x1  }
0x148: {  	v3 =	vadd.s32 v1, v3;
	_ =	sdelay $0x4  }
0x149: {  	[hbm4b:s3+s2] =	stream.indirect_vreg.scatter [tilespmem:s17], [sflag:$0x1], $0x80, v3, vm0, $0xb8;
	[tilespmem:$0x14400] =	vst v63  }
0x14a: {  	_ = 	snop  }
0x14b: {  	[hbm4b:s5+s2] =	stream.indirect_vreg.scatter [tilespmem:s18], [sflag:$0x1], $0x80, v3, vm0, $0xb8;
	[tilespmem:$0x14400] =	vst v63  }
0x14c: {  	_ = 	snop  }
0x14d: {  	[hbm4b:s6+s2] =	stream.indirect_vreg.scatter [tilespmem:s19], [sflag:$0x1], $0x80, v3, vm0, $0xb8;
	[tilespmem:$0x14400] =	vst v63  }
0x14e: {  	s30 =	simm.s32 $0x9C00  }
0x14f: {  	[hbm4b:s7+s2] =	stream.indirect_vreg.scatter [tilespmem:s30], [sflag:$0x1], $0x80, v3, vm0, $0xb8;
	[tilespmem:$0x14400] =	vst v63  }
0x150: {  	_ =	swait.ge [sflag:s29], $0xA000  }
0x151: {  	[sflag:s29] =	ssyncset.done $0x0  }
0x152: {  	s0 =	rddreg [dreg:$0x7];
	[sflag:s29] =	ssyncadd.s32 $0xFFFF6000  }
0x153: {  	[tilespmem:s31], [sflag:$0x3] =	stream.linear.gather [hbm4b:s0+s2], $0xA000, $0x38;
	[tilespmem:$0x14400] =	vst v63  }
0x154: {  	_ =	swait.ge [sflag:s9], $0xA000  }
0x155: {  	[sflag:s9] =	ssyncset.done $0x0  }
0x156: {  	[sflag:s9] =	ssyncadd.s32 $0xFFFF6000  }
0x157: {  	v3 =	vld [tilespmem:$0x280];
	_ =	sdelay $0x4  }
0x158: {  	v55 =	vshll.u32 v3, $0x3  }
0x159: {  	v3 =	vand.u32 $0x7, v3;
	v4 =	vand.u32 $0xFFFFFFC0, v55  }
0x15a: {  	v3 =	vor.u32 v3, v4  }
0x15b: {  	v4 =	vperm.xlane v3, v0;
	_ =	sdelay $0x1  }
0x15c: {  	v4 =	vadd.s32 v1, v4;
	_ =	sdelay $0x4  }
0x15d: {  	[hbm4b:s3+s2] =	stream.indirect_vreg.scatter [tilespmem:s31], [sflag:$0x2], $0x80, v4, vm0, $0xb8;
	[tilespmem:$0x14400] =	vst v63  }
0x15e: {  	s1 =	simm.s32 $0xAC00;
	v3 =	vperm.xlane v3, v2  }
0x15f: {  	[hbm4b:s5+s2] =	stream.indirect_vreg.scatter [tilespmem:s1], [sflag:$0x2], $0x80, v4, vm0, $0xb8;
	[tilespmem:$0x14400] =	vst v63  }
0x160: {  	s20 =	simm.s32 $0xB400;
	v3 =	vadd.s32 v1, v3  }
0x161: {  	[hbm4b:s6+s2] =	stream.indirect_vreg.scatter [tilespmem:s20], [sflag:$0x2], $0x80, v4, vm0, $0xb8;
	[tilespmem:$0x14400] =	vst v63  }
0x162: {  	s21 =	simm.s32 $0xBC00  }
0x163: {  	[hbm4b:s7+s2] =	stream.indirect_vreg.scatter [tilespmem:s21], [sflag:$0x2], $0x80, v4, vm0, $0xb8;
	[tilespmem:$0x14400] =	vst v63  }
0x164: {  	s4 =	simm.s32 $0xC400  }
0x165: {  	[hbm4b:s3+s2] =	stream.indirect_vreg.scatter [tilespmem:s4], [sflag:$0x2], $0x80, v3, vm0, $0xb8;
	[tilespmem:$0x14400] =	vst v63  }
0x166: {  	s10 =	simm.s32 $0xCC00  }
0x167: {  	[hbm4b:s5+s2] =	stream.indirect_vreg.scatter [tilespmem:s10], [sflag:$0x2], $0x80, v3, vm0, $0xb8;
	[tilespmem:$0x14400] =	vst v63  }
0x168: {  	s11 =	simm.s32 $0xD400  }
0x169: {  	[hbm4b:s6+s2] =	stream.indirect_vreg.scatter [tilespmem:s11], [sflag:$0x2], $0x80, v3, vm0, $0xb8;
	[tilespmem:$0x14400] =	vst v63  }
0x16a: {  	s12 =	simm.s32 $0xDC00  }
0x16b: {  	[hbm4b:s7+s2] =	stream.indirect_vreg.scatter [tilespmem:s12], [sflag:$0x2], $0x80, v3, vm0, $0xb8;
	[tilespmem:$0x14400] =	vst v63  }
0x16c: {  	v3 =	vld [tilespmem:$0x290];
	_ =	sdelay $0x4  }
0x16d: {  	v56 =	vshll.u32 v3, $0x3  }
0x16e: {  	v3 =	vand.u32 $0x7, v3;
	v4 =	vand.u32 $0xFFFFFFC0, v56  }
0x16f: {  	v3 =	vor.u32 v3, v4  }
0x170: {  	v4 =	vperm.xlane v3, v0;
	_ =	sdelay $0x1  }
0x171: {  	v4 =	vadd.s32 v1, v4;
	_ =	sdelay $0x3  }
0x172: {  	s13 =	simm.s32 $0xE400  }
0x173: {  	[hbm4b:s3+s2] =	stream.indirect_vreg.scatter [tilespmem:s13], [sflag:$0x2], $0x80, v4, vm0, $0xb8;
	[tilespmem:$0x14400] =	vst v63  }
0x174: {  	s14 =	simm.s32 $0xEC00;
	v3 =	vperm.xlane v3, v2  }
0x175: {  	[hbm4b:s5+s2] =	stream.indirect_vreg.scatter [tilespmem:s14], [sflag:$0x2], $0x80, v4, vm0, $0xb8;
	[tilespmem:$0x14400] =	vst v63  }
0x176: {  	s15 =	simm.s32 $0xF400;
	v3 =	vadd.s32 v1, v3  }
0x177: {  	[hbm4b:s6+s2] =	stream.indirect_vreg.scatter [tilespmem:s15], [sflag:$0x2], $0x80, v4, vm0, $0xb8;
	[tilespmem:$0x14400] =	vst v63  }
0x178: {  	s0 =	simm.s32 $0xFC00  }
0x179: {  	[hbm4b:s7+s2] =	stream.indirect_vreg.scatter [tilespmem:s0], [sflag:$0x2], $0x80, v4, vm0, $0xb8;
	[tilespmem:$0x14400] =	vst v63  }
0x17a: {  	s1 =	simm.s32 $0x10400  }
0x17b: {  	[hbm4b:s3+s2] =	stream.indirect_vreg.scatter [tilespmem:s1], [sflag:$0x2], $0x80, v3, vm0, $0xb8;
	[tilespmem:$0x14400] =	vst v63  }
0x17c: {  	s4 =	simm.s32 $0x10C00  }
0x17d: {  	[hbm4b:s5+s2] =	stream.indirect_vreg.scatter [tilespmem:s4], [sflag:$0x2], $0x80, v3, vm0, $0xb8;
	[tilespmem:$0x14400] =	vst v63  }
0x17e: {  	s10 =	simm.s32 $0x11400  }
0x17f: {  	[hbm4b:s6+s2] =	stream.indirect_vreg.scatter [tilespmem:s10], [sflag:$0x2], $0x80, v3, vm0, $0xb8;
	[tilespmem:$0x14400] =	vst v63  }
0x180: {  	s14 =	simm.s32 $0x11C00  }
0x181: {  	[hbm4b:s7+s2] =	stream.indirect_vreg.scatter [tilespmem:s14], [sflag:$0x2], $0x80, v3, vm0, $0xb8;
	[tilespmem:$0x14400] =	vst v63  }
0x182: {  	v3 =	vld.msk [tilespmem:$0x2A0], $0xff;
	_ =	sdelay $0x4  }
0x183: {  	v57 =	vshll.u32 v3, $0x3  }
0x184: {  	v3 =	vand.u32 $0x7, v3;
	v4 =	vand.u32 $0xFFFFFFC0, v57  }
0x185: {  	v3 =	vor.u32 v3, v4  }
0x186: {  	v3 =	vperm.xlane v3, v0;
	_ =	sdelay $0x1  }
0x187: {  	v3 =	vadd.s32 v1, v3;
	_ =	sdelay $0x3  }
0x188: {  	s11 =	simm.s32 $0x12400  }
0x189: {  	[hbm4b:s3+s2] =	stream.indirect_vreg.scatter [tilespmem:s11], [sflag:$0x2], $0x80, v3, vm0, $0xb8;
	[tilespmem:$0x14400] =	vst v63  }
0x18a: {  	s12 =	simm.s32 $0x12C00  }
0x18b: {  	[hbm4b:s5+s2] =	stream.indirect_vreg.scatter [tilespmem:s12], [sflag:$0x2], $0x80, v3, vm0, $0xb8;
	[tilespmem:$0x14400] =	vst v63  }
0x18c: {  	s13 =	simm.s32 $0x13400  }
0x18d: {  	[hbm4b:s6+s2] =	stream.indirect_vreg.scatter [tilespmem:s13], [sflag:$0x2], $0x80, v3, vm0, $0xb8;
	[tilespmem:$0x14400] =	vst v63  }
0x18e: {  	s15 =	simm.s32 $0x13C00  }
0x18f: {  	[hbm4b:s7+s2] =	stream.indirect_vreg.scatter [tilespmem:s15], [sflag:$0x2], $0x80, v3, vm0, $0xb8;
	[tilespmem:$0x14400] =	vst v63  }
0x190: {  	_ =	swait.ge [sflag:s28], $0xA000  }
0x191: {  	[sflag:s28] =	ssyncset.done $0x0  }
0x192: {  	s30 =	rddreg [dreg:$0x8];
	[sflag:s28] =	ssyncadd.s32 $0xFFFF6000  }
0x193: {  	[tilespmem:s24], [sflag:$0x3] =	stream.linear.gather [hbm4b:s30+s2], $0xA000, $0x38;
	[tilespmem:$0x14400] =	vst v63  }
0x194: {  	_ =	swait.ge [sflag:s9], $0xA000  }
0x195: {  	[sflag:s9] =	ssyncset.done $0x0  }
0x196: {  	[sflag:s9] =	ssyncadd.s32 $0xFFFF6000  }
0x197: {  	v3 =	vld [tilespmem:$0x300];
	_ =	sdelay $0x4  }
0x198: {  	v58 =	vshll.u32 v3, $0x3  }
0x199: {  	v3 =	vand.u32 $0x7, v3;
	v4 =	vand.u32 $0xFFFFFFC0, v58  }
0x19a: {  	v3 =	vor.u32 v3, v4  }
0x19b: {  	v4 =	vperm.xlane v3, v0;
	_ =	sdelay $0x1  }
0x19c: {  	v4 =	vadd.s32 v1, v4;
	_ =	sdelay $0x4  }
0x19d: {  	[hbm4b:s3+s2] =	stream.indirect_vreg.scatter [tilespmem:s24], [sflag:$0x1], $0x80, v4, vm0, $0xb8;
	[tilespmem:$0x14400] =	vst v63  }
0x19e: {  	s30 =	simm.s32 $0xC00;
	v3 =	vperm.xlane v3, v2  }
0x19f: {  	[hbm4b:s5+s2] =	stream.indirect_vreg.scatter [tilespmem:s30], [sflag:$0x1], $0x80, v4, vm0, $0xb8;
	[tilespmem:$0x14400] =	vst v63  }
0x1a0: {  	v3 =	vadd.s32 v1, v3;
	s30 =	simm.s32 $0x1400  }
0x1a1: {  	[hbm4b:s6+s2] =	stream.indirect_vreg.scatter [tilespmem:s30], [sflag:$0x1], $0x80, v4, vm0, $0xb8;
	[tilespmem:$0x14400] =	vst v63  }
0x1a2: {  	s30 =	simm.s32 $0x1C00  }
0x1a3: {  	[hbm4b:s7+s2] =	stream.indirect_vreg.scatter [tilespmem:s30], [sflag:$0x1], $0x80, v4, vm0, $0xb8;
	[tilespmem:$0x14400] =	vst v63  }
0x1a4: {  	s30 =	simm.s32 $0x2400  }
0x1a5: {  	[hbm4b:s3+s2] =	stream.indirect_vreg.scatter [tilespmem:s30], [sflag:$0x1], $0x80, v3, vm0, $0xb8;
	[tilespmem:$0x14400] =	vst v63  }
0x1a6: {  	s30 =	simm.s32 $0x2C00  }
0x1a7: {  	[hbm4b:s5+s2] =	stream.indirect_vreg.scatter [tilespmem:s30], [sflag:$0x1], $0x80, v3, vm0, $0xb8;
	[tilespmem:$0x14400] =	vst v63  }
0x1a8: {  	s30 =	simm.s32 $0x3400  }
0x1a9: {  	[hbm4b:s6+s2] =	stream.indirect_vreg.scatter [tilespmem:s30], [sflag:$0x1], $0x80, v3, vm0, $0xb8;
	[tilespmem:$0x14400] =	vst v63  }
0x1aa: {  	s30 =	simm.s32 $0x3C00  }
0x1ab: {  	[hbm4b:s7+s2] =	stream.indirect_vreg.scatter [tilespmem:s30], [sflag:$0x1], $0x80, v3, vm0, $0xb8;
	[tilespmem:$0x14400] =	vst v63  }
0x1ac: {  	v3 =	vld [tilespmem:$0x310];
	_ =	sdelay $0x4  }
0x1ad: {  	v59 =	vshll.u32 v3, $0x3  }
0x1ae: {  	v3 =	vand.u32 $0x7, v3;
	v4 =	vand.u32 $0xFFFFFFC0, v59  }
0x1af: {  	v3 =	vor.u32 v3, v4  }
0x1b0: {  	v4 =	vperm.xlane v3, v0;
	_ =	sdelay $0x1  }
0x1b1: {  	v4 =	vadd.s32 v1, v4;
	_ =	sdelay $0x3  }
0x1b2: {  	s30 =	simm.s32 $0x4400  }
0x1b3: {  	[hbm4b:s3+s2] =	stream.indirect_vreg.scatter [tilespmem:s30], [sflag:$0x1], $0x80, v4, vm0, $0xb8;
	[tilespmem:$0x14400] =	vst v63  }
0x1b4: {  	v3 =	vperm.xlane v3, v2;
	s30 =	simm.s32 $0x4C00  }
0x1b5: {  	[hbm4b:s5+s2] =	stream.indirect_vreg.scatter [tilespmem:s30], [sflag:$0x1], $0x80, v4, vm0, $0xb8;
	[tilespmem:$0x14400] =	vst v63  }
0x1b6: {  	v3 =	vadd.s32 v1, v3;
	s30 =	simm.s32 $0x5400  }
0x1b7: {  	[hbm4b:s6+s2] =	stream.indirect_vreg.scatter [tilespmem:s30], [sflag:$0x1], $0x80, v4, vm0, $0xb8;
	[tilespmem:$0x14400] =	vst v63  }
0x1b8: {  	s30 =	simm.s32 $0x5C00  }
0x1b9: {  	[hbm4b:s7+s2] =	stream.indirect_vreg.scatter [tilespmem:s30], [sflag:$0x1], $0x80, v4, vm0, $0xb8;
	[tilespmem:$0x14400] =	vst v63  }
0x1ba: {  	s30 =	simm.s32 $0x6400  }
0x1bb: {  	[hbm4b:s3+s2] =	stream.indirect_vreg.scatter [tilespmem:s30], [sflag:$0x1], $0x80, v3, vm0, $0xb8;
	[tilespmem:$0x14400] =	vst v63  }
0x1bc: {  	s30 =	simm.s32 $0x6C00  }
0x1bd: {  	[hbm4b:s5+s2] =	stream.indirect_vreg.scatter [tilespmem:s30], [sflag:$0x1], $0x80, v3, vm0, $0xb8;
	[tilespmem:$0x14400] =	vst v63  }
0x1be: {  	s16 =	simm.s32 $0x7400  }
0x1bf: {  	[hbm4b:s6+s2] =	stream.indirect_vreg.scatter [tilespmem:s16], [sflag:$0x1], $0x80, v3, vm0, $0xb8;
	[tilespmem:$0x14400] =	vst v63  }
0x1c0: {  	s30 =	simm.s32 $0x7C00  }
0x1c1: {  	[hbm4b:s7+s2] =	stream.indirect_vreg.scatter [tilespmem:s30], [sflag:$0x1], $0x80, v3, vm0, $0xb8;
	[tilespmem:$0x14400] =	vst v63  }
0x1c2: {  	v3 =	vld.msk [tilespmem:$0x320], $0xff;
	_ =	sdelay $0x4  }
0x1c3: {  	v60 =	vshll.u32 v3, $0x3  }
0x1c4: {  	v3 =	vand.u32 $0x7, v3;
	v4 =	vand.u32 $0xFFFFFFC0, v60  }
0x1c5: {  	v3 =	vor.u32 v3, v4  }
0x1c6: {  	v3 =	vperm.xlane v3, v0;
	_ =	sdelay $0x1  }
0x1c7: {  	v3 =	vadd.s32 v1, v3;
	_ =	sdelay $0x3  }
0x1c8: {  	s17 =	simm.s32 $0x8400  }
0x1c9: {  	[hbm4b:s3+s2] =	stream.indirect_vreg.scatter [tilespmem:s17], [sflag:$0x1], $0x80, v3, vm0, $0xb8;
	[tilespmem:$0x14400] =	vst v63  }
0x1ca: {  	s18 =	simm.s32 $0x8C00  }
0x1cb: {  	[hbm4b:s5+s2] =	stream.indirect_vreg.scatter [tilespmem:s18], [sflag:$0x1], $0x80, v3, vm0, $0xb8;
	[tilespmem:$0x14400] =	vst v63  }
0x1cc: {  	s19 =	simm.s32 $0x9400  }
0x1cd: {  	[hbm4b:s6+s2] =	stream.indirect_vreg.scatter [tilespmem:s19], [sflag:$0x1], $0x80, v3, vm0, $0xb8;
	[tilespmem:$0x14400] =	vst v63  }
0x1ce: {  	s17 =	simm.s32 $0x9C00  }
0x1cf: {  	[hbm4b:s7+s2] =	stream.indirect_vreg.scatter [tilespmem:s17], [sflag:$0x1], $0x80, v3, vm0, $0xb8;
	[tilespmem:$0x14400] =	vst v63  }
0x1d0: {  	_ =	swait.ge [sflag:s29], $0xA000  }
0x1d1: {  	[sflag:s29] =	ssyncset.done $0x0  }
0x1d2: {  	s18 =	rddreg [dreg:$0x9];
	[sflag:s29] =	ssyncadd.s32 $0xFFFF6000  }
0x1d3: {  	[tilespmem:s31], [sflag:$0x3] =	stream.linear.gather [hbm4b:s18+s2], $0xA000, $0x38;
	[tilespmem:$0x14400] =	vst v63  }
0x1d4: {  	_ =	swait.ge [sflag:s9], $0xA000  }
0x1d5: {  	[sflag:s9] =	ssyncset.done $0x0  }
0x1d6: {  	[sflag:s9] =	ssyncadd.s32 $0xFFFF6000  }
0x1d7: {  	v3 =	vld [tilespmem:$0x380];
	_ =	sdelay $0x4  }
0x1d8: {  	v61 =	vshll.u32 v3, $0x3  }
0x1d9: {  	v3 =	vand.u32 $0x7, v3;
	v4 =	vand.u32 $0xFFFFFFC0, v61  }
0x1da: {  	v3 =	vor.u32 v3, v4  }
0x1db: {  	v4 =	vperm.xlane v3, v0;
	_ =	sdelay $0x1  }
0x1dc: {  	v4 =	vadd.s32 v1, v4;
	_ =	sdelay $0x4  }
0x1dd: {  	[hbm4b:s3+s2] =	stream.indirect_vreg.scatter [tilespmem:s31], [sflag:$0x2], $0x80, v4, vm0, $0xb8;
	[tilespmem:$0x14400] =	vst v63  }
0x1de: {  	s19 =	simm.s32 $0xAC00;
	v3 =	vperm.xlane v3, v2  }
0x1df: {  	[hbm4b:s5+s2] =	stream.indirect_vreg.scatter [tilespmem:s19], [sflag:$0x2], $0x80, v4, vm0, $0xb8;
	[tilespmem:$0x14400] =	vst v63  }
0x1e0: {  	s20 =	simm.s32 $0xB400;
	v3 =	vadd.s32 v1, v3  }
0x1e1: {  	[hbm4b:s6+s2] =	stream.indirect_vreg.scatter [tilespmem:s20], [sflag:$0x2], $0x80, v4, vm0, $0xb8;
	[tilespmem:$0x14400] =	vst v63  }
0x1e2: {  	s21 =	simm.s32 $0xBC00  }
0x1e3: {  	[hbm4b:s7+s2] =	stream.indirect_vreg.scatter [tilespmem:s21], [sflag:$0x2], $0x80, v4, vm0, $0xb8;
	[tilespmem:$0x14400] =	vst v63  }
0x1e4: {  	s22 =	simm.s32 $0xC400  }
0x1e5: {  	[hbm4b:s3+s2] =	stream.indirect_vreg.scatter [tilespmem:s22], [sflag:$0x2], $0x80, v3, vm0, $0xb8;
	[tilespmem:$0x14400] =	vst v63  }
0x1e6: {  	s23 =	simm.s32 $0xCC00  }
0x1e7: {  	[hbm4b:s5+s2] =	stream.indirect_vreg.scatter [tilespmem:s23], [sflag:$0x2], $0x80, v3, vm0, $0xb8;
	[tilespmem:$0x14400] =	vst v63  }
0x1e8: {  	s25 =	simm.s32 $0xD400  }
0x1e9: {  	[hbm4b:s6+s2] =	stream.indirect_vreg.scatter [tilespmem:s25], [sflag:$0x2], $0x80, v3, vm0, $0xb8;
	[tilespmem:$0x14400] =	vst v63  }
0x1ea: {  	s23 =	simm.s32 $0xDC00  }
0x1eb: {  	[hbm4b:s7+s2] =	stream.indirect_vreg.scatter [tilespmem:s23], [sflag:$0x2], $0x80, v3, vm0, $0xb8;
	[tilespmem:$0x14400] =	vst v63  }
0x1ec: {  	v3 =	vld [tilespmem:$0x390];
	_ =	sdelay $0x4  }
0x1ed: {  	v62 =	vshll.u32 v3, $0x3  }
0x1ee: {  	v3 =	vand.u32 $0x7, v3;
	v4 =	vand.u32 $0xFFFFFFC0, v62  }
0x1ef: {  	v3 =	vor.u32 v3, v4  }
0x1f0: {  	v4 =	vperm.xlane v3, v0;
	_ =	sdelay $0x1  }
0x1f1: {  	v4 =	vadd.s32 v1, v4;
	_ =	sdelay $0x3  }
0x1f2: {  	s25 =	simm.s32 $0xE400  }
0x1f3: {  	[hbm4b:s3+s2] =	stream.indirect_vreg.scatter [tilespmem:s25], [sflag:$0x2], $0x80, v4, vm0, $0xb8;
	[tilespmem:$0x14400] =	vst v63  }
0x1f4: {  	s30 =	simm.s32 $0xEC00;
	v3 =	vperm.xlane v3, v2  }
0x1f5: {  	[hbm4b:s5+s2] =	stream.indirect_vreg.scatter [tilespmem:s30], [sflag:$0x2], $0x80, v4, vm0, $0xb8;
	[tilespmem:$0x14400] =	vst v63  }
0x1f6: {  	s26 =	simm.s32 $0xF400;
	v3 =	vadd.s32 v1, v3  }
0x1f7: {  	[hbm4b:s6+s2] =	stream.indirect_vreg.scatter [tilespmem:s26], [sflag:$0x2], $0x80, v4, vm0, $0xb8;
	[tilespmem:$0x14400] =	vst v63  }
0x1f8: {  	_ = 	snop  }
0x1f9: {  	[hbm4b:s7+s2] =	stream.indirect_vreg.scatter [tilespmem:s0], [sflag:$0x2], $0x80, v4, vm0, $0xb8;
	[tilespmem:$0x14400] =	vst v63  }
0x1fa: {  	_ = 	snop  }
0x1fb: {  	[hbm4b:s3+s2] =	stream.indirect_vreg.scatter [tilespmem:s1], [sflag:$0x2], $0x80, v3, vm0, $0xb8;
	[tilespmem:$0x14400] =	vst v63  }
0x1fc: {  	_ = 	snop  }
0x1fd: {  	[hbm4b:s5+s2] =	stream.indirect_vreg.scatter [tilespmem:s4], [sflag:$0x2], $0x80, v3, vm0, $0xb8;
	[tilespmem:$0x14400] =	vst v63  }
0x1fe: {  	_ = 	snop  }
0x1ff: {  	[hbm4b:s6+s2] =	stream.indirect_vreg.scatter [tilespmem:s10], [sflag:$0x2], $0x80, v3, vm0, $0xb8;
	[tilespmem:$0x14400] =	vst v63  }
0x200: {  	_ = 	snop  }
0x201: {  	[hbm4b:s7+s2] =	stream.indirect_vreg.scatter [tilespmem:s14], [sflag:$0x2], $0x80, v3, vm0, $0xb8;
	[tilespmem:$0x14400] =	vst v63  }
0x202: {  	v3 =	vld.msk [tilespmem:$0x3A0], $0xff;
	_ =	sdelay $0x4  }
0x203: {  	v63 =	vshll.u32 v3, $0x3  }
0x204: {  	v3 =	vand.u32 $0x7, v3;
	v4 =	vand.u32 $0xFFFFFFC0, v63  }
0x205: {  	v3 =	vor.u32 v3, v4  }
0x206: {  	v3 =	vperm.xlane v3, v0;
	_ =	sdelay $0x1  }
0x207: {  	v3 =	vadd.s32 v1, v3;
	_ =	sdelay $0x4  }
0x208: {  	[hbm4b:s3+s2] =	stream.indirect_vreg.scatter [tilespmem:s11], [sflag:$0x2], $0x80, v3, vm0, $0xb8;
	[tilespmem:$0x14400] =	vst v63  }
0x209: {  	_ = 	snop  }
0x20a: {  	[hbm4b:s5+s2] =	stream.indirect_vreg.scatter [tilespmem:s12], [sflag:$0x2], $0x80, v3, vm0, $0xb8;
	[tilespmem:$0x14400] =	vst v63  }
0x20b: {  	_ = 	snop  }
0x20c: {  	[hbm4b:s6+s2] =	stream.indirect_vreg.scatter [tilespmem:s13], [sflag:$0x2], $0x80, v3, vm0, $0xb8;
	[tilespmem:$0x14400] =	vst v63  }
0x20d: {  	_ = 	snop  }
0x20e: {  	[hbm4b:s7+s2] =	stream.indirect_vreg.scatter [tilespmem:s15], [sflag:$0x2], $0x80, v3, vm0, $0xb8;
	[tilespmem:$0x14400] =	vst v63  }
0x20f: {  	p0 =	sne.s32 s8, $0x1;
	_ =	swait.ge [sflag:s28], $0xA000  }
.Ltmp0:
0x210: {  	[sflag:s28] =	ssyncset.done $0x0;
	(pc) =	sbr.rel @p0 .LBB2_1-.Ltmp0, $4  }
0x211: {  	[sflag:s28] =	ssyncadd.s32 $0xFFFF6000  }
0x212: {  	_ =	swait.ge [sflag:s29], $0xA000  }
0x213: {  	[sflag:s29] =	ssyncset.done $0x0  }
0x214: {  	s8 =	sadd.s32 $0xFFFFFFFF, s8;
	[sflag:s29] =	ssyncadd.s32 $0xFFFF6000  }
0x215: {  	_ =	sfence.sel $0x180000  }
0x216: {  	[bflag:$0x0] =	sbarrier.arrive $0xFFFF  }
0x217: {  	_ =	strace $0x9000004A  }
0x218: {  	s0 =	stileid.u32;
	[bflag:$0x2] =	sbarrier.arrive $0xFFFF  }
0x219: {  	p0 =	sne.s32 s0, $0x0;
	s0 =	rddreg [dreg:$0x1]  }
0x21a: {  	s0 =	sadd.s32 @!p0 $0x100000, s0  }
0x21b: {  	[sflag:s0] =	ssyncadd.tile.s32 @!p0 $0x1;
	_ =	shalt  }
.Lfunc_end2:
_tile_overlayer_lowered:
.L_overlay_start_2:
0x21c: {  	(tag) =	ssettag $0x2  }
0x21d: {  	s0 =	rddreg [dreg:$0x0];
	s2 =	stileid.u32  }
0x21e: {  	s1 =	rddreg [dreg:$0x1];
	p0 =	sne.s32 s2, $0x0  }
0x21f: {  	s3 =	rddreg [dreg:$0x2];
	[bflag:$0x3] =	sbarrier.arrive $0xFFFF;
	s2 =	simm.s32 @!p0 $0x1C03  }
0x220: {  	[timem:s3], [sflag:s2] =	dma.local @!p0 [hbm:s0], s1  }
0x221: {  	s0 =	simm.s32 @!p0 $0x3  }
0x222: {  	_ =	swait.ge @!p0 [sflag:s0], s1  }
0x223: {  	s1 =	ssub.s32 @!p0 $0x0, s1;
	[sflag:s0] =	ssyncset.done @!p0 $0x0  }
0x224: {  	[sflag:s0] =	ssyncadd.s32 @!p0 s1  }
0x225: {  	[bflag:$0x3] =	sbarrier.arrive $0xFFFF  }
0x226: {  	_ =	shalt  }

</sc_bundles>
